<compile_context>
chip_gen: v7x
topology: tpu7x:2x2x1
jax: 0.10.2.dev20260603
libtpu: 0.0.44.dev20260713+nightly
codegen_flags: <defaults>
</compile_context>

<pallas_src>
import jax
import jax.numpy as jnp
from jax import lax
from jax.experimental import pallas as pl
from jax.experimental.pallas import tpu as pltpu
from jax.experimental.pallas import tpu_sc as plsc

NUM_CLASSES_ = 100000
D_ = 128
B_ = 16384
NW_ = 32
ROWS_PER_W = B_ // NW_
CS = (64, 128, 128, 128, 64)
OFF = (0, 64, 192, 320, 448)
NCHUNK = len(CS)
NBUF = 4
MAXC = 128
L_ = 16
NJ = D_ // L_


def _rsqrt16(x):
    i = plsc.bitcast(x, jnp.int32)
    i = 0x5F3759DF - (i >> 1)
    y = plsc.bitcast(i, jnp.float32)
    hx = 0.5 * x
    for _ in range(2):
        y = y * (1.5 - hx * y * y)
    return y


def _compute_chunk(bg, ob, posv, n):
    @plsc.parallel_loop(0, n, unroll=4)
    def row(r):
        e = [bg[r, pl.ds(j * L_, L_)] + posv[j] for j in range(NJ)]
        sq = [e[j] * e[j] for j in range(NJ)]
        s01 = sq[0] + sq[1]
        s23 = sq[2] + sq[3]
        s45 = sq[4] + sq[5]
        s67 = sq[6] + sq[7]
        ss = (s01 + s23) + (s45 + s67)
        tot = jnp.sum(ss)
        tv = jnp.broadcast_to(tot, (L_,))
        rinv = jnp.minimum(_rsqrt16(tv), 1e12)
        for j in range(NJ):
            ob[r, pl.ds(j * L_, L_)] = e[j] * rinv


def _body(lidx, ridx, table, pos_l, pos_r, out,
          idxl_v, idxr_v, bufg0, bufg1, bufg2, bufg3, obuf0, obuf1,
          poslv, posrv, g0, g1, g2, g3, so0, so1, stg):
    bufg = (bufg0, bufg1, bufg2, bufg3)
    obuf = (obuf0, obuf1)
    gsem = (g0, g1, g2, g3)
    so = (so0, so1)

    wid = lax.axis_index("s") * 2 + lax.axis_index("c")
    base = wid * ROWS_PER_W

    s1 = pltpu.async_copy(lidx.at[pl.ds(base, ROWS_PER_W)], idxl_v, stg)
    s2 = pltpu.async_copy(ridx.at[pl.ds(base, ROWS_PER_W)], idxr_v, stg)
    s3 = pltpu.async_copy(pos_l, poslv, stg)
    s4 = pltpu.async_copy(pos_r, posrv, stg)

    def issue_left(c):
        b = c % NBUF
        return pltpu.async_copy(
            table.at[idxl_v.at[pl.ds(OFF[c], CS[c])]],
            bufg[b].at[pl.ds(0, CS[c])], gsem[b])

    def issue_right_add(c):
        b = c % NBUF
        return pltpu.async_copy(
            table.at[idxr_v.at[pl.ds(OFF[c], CS[c])]],
            bufg[b].at[pl.ds(0, CS[c])], gsem[b], add=True)

    ldesc = [None] * NCHUNK
    adesc = [None] * NCHUNK
    odesc = [None] * NCHUNK
    s1.wait()
    ldesc[0] = issue_left(0)
    ldesc[1] = issue_left(1)
    ldesc[2] = issue_left(2)
    s2.wait()
    ldesc[0].wait()
    adesc[0] = issue_right_add(0)
    s3.wait()
    s4.wait()
    posv = [poslv[pl.ds(j * L_, L_)] + posrv[pl.ds(j * L_, L_)]
            for j in range(NJ)]
    for c in range(NCHUNK):
        b = c % NBUF
        if c + 3 < NCHUNK:
            ldesc[c + 3] = issue_left(c + 3)
        adesc[c].wait()
        if c + 1 < NCHUNK:
            ldesc[c + 1].wait()
            adesc[c + 1] = issue_right_add(c + 1)
        if c >= 2:
            odesc[c - 2].wait()
        _compute_chunk(bufg[b], obuf[c & 1], posv, CS[c])
        odesc[c] = pltpu.async_copy(
            obuf[c & 1].at[pl.ds(0, CS[c])],
            out.at[pl.ds(base + OFF[c], CS[c])], so[c & 1])
    odesc[NCHUNK - 2].wait()
    odesc[NCHUNK - 1].wait()


def kernel(left_idx, right_idx, class_emb, pos_left, pos_right):
    lidx = left_idx.astype(jnp.int32)
    ridx = right_idx.astype(jnp.int32)
    k = pl.kernel(
        _body,
        out_type=jax.ShapeDtypeStruct((B_, D_), jnp.float32),
        mesh=plsc.VectorSubcoreMesh(core_axis_name="c", subcore_axis_name="s"),
        compiler_params=pltpu.CompilerParams(needs_layout_passes=False),
        scratch_types=(
            [pltpu.VMEM((ROWS_PER_W,), jnp.int32)] * 2
            + [pltpu.VMEM((MAXC, D_), jnp.float32)] * (NBUF + 2)
            + [pltpu.VMEM((D_,), jnp.float32)] * 2
            + [pltpu.SemaphoreType.DMA] * (NBUF + 3)
        ),
    )
    return k(lidx, ridx, class_emb, pos_left, pos_right)

# --- scband reference (transcript-rebuilt; emitter-appended) ---
"""Pipeline reference for scband-tiny-text-encoder-70368744177686 (READ-ONLY COPY).

The authoritative reference and input builder live on the scoring server;
editing this copy changes nothing except your own understanding.
"""

import jax, jax.numpy as jnp
import numpy as np

NUM_CLASSES = 100000
D = 128
B = 16384

def setup_inputs(seed: int = 0) -> dict:
    key = jax.random.key(seed)
    k1, k2, k3, k4, k5 = jax.random.split(key, 5)
    left_idx = jax.random.randint(k1, (B,), 0, NUM_CLASSES, dtype=jnp.int64 if jax.config.jax_enable_x64 else jnp.int32).astype(jnp.int32)
    right_idx = jax.random.randint(k2, (B,), 0, NUM_CLASSES, dtype=jnp.int32)
    class_emb = jax.random.normal(k3, (NUM_CLASSES, D), dtype=jnp.float32)
    pos_left = jax.random.normal(k4, (D,), dtype=jnp.float32)
    pos_right = jax.random.normal(k5, (D,), dtype=jnp.float32)
    return {"left_idx": left_idx, "right_idx": right_idx, "class_emb": class_emb, "pos_left": pos_left, "pos_right": pos_right}

def _normalize(x, axis=-1, eps=1e-12):
    # Faithful to torch F.normalize: x / max(||x||_2, eps)
    norm = jnp.sqrt(jnp.sum(x * x, axis=axis, keepdims=True))
    return x / jnp.maximum(norm, eps)

def reference(left_idx, right_idx, class_emb, pos_left, pos_right):
    e_left = jnp.take(class_emb, left_idx, axis=0) + pos_left
    e_right = jnp.take(class_emb, right_idx, axis=0) + pos_right
    return _normalize(e_left + e_right, axis=-1)

if __name__ == "__main__":
    import jax
    _d = setup_inputs()
    print(jax.jit(kernel)(*tuple(_d.values())))

</pallas_src>

<mosaic_0001>
#map = affine_map<(d0, d1) -> (0)>
#map1 = affine_map<(d0, d1) -> (0, 0)>
module attributes {stable_mosaic.version = 14 : i64} {
  func.func @_body(%arg0: i32, %arg1: i32, %arg2: memref<16384xi32, #tpu.memory_space<hbm>>, %arg3: memref<16384xi32, #tpu.memory_space<hbm>>, %arg4: memref<100000x128xf32, #tpu.memory_space<hbm>>, %arg5: memref<128xf32, #tpu.memory_space<hbm>>, %arg6: memref<128xf32, #tpu.memory_space<hbm>>, %arg7: memref<16384x128xf32, #tpu.memory_space<hbm>>, %arg8: memref<512xi32, #tpu.memory_space<vmem>>, %arg9: memref<512xi32, #tpu.memory_space<vmem>>, %arg10: memref<128x128xf32, #tpu.memory_space<vmem>>, %arg11: memref<128x128xf32, #tpu.memory_space<vmem>>, %arg12: memref<128x128xf32, #tpu.memory_space<vmem>>, %arg13: memref<128x128xf32, #tpu.memory_space<vmem>>, %arg14: memref<128x128xf32, #tpu.memory_space<vmem>>, %arg15: memref<128x128xf32, #tpu.memory_space<vmem>>, %arg16: memref<128xf32, #tpu.memory_space<vmem>>, %arg17: memref<128xf32, #tpu.memory_space<vmem>>, %arg18: memref<!tpu.dma_semaphore, #tpu.memory_space<semaphore_mem>>, %arg19: memref<!tpu.dma_semaphore, #tpu.memory_space<semaphore_mem>>, %arg20: memref<!tpu.dma_semaphore, #tpu.memory_space<semaphore_mem>>, %arg21: memref<!tpu.dma_semaphore, #tpu.memory_space<semaphore_mem>>, %arg22: memref<!tpu.dma_semaphore, #tpu.memory_space<semaphore_mem>>, %arg23: memref<!tpu.dma_semaphore, #tpu.memory_space<semaphore_mem>>, %arg24: memref<!tpu.dma_semaphore, #tpu.memory_space<semaphore_mem>>) attributes {dimension_semantics = [#tpu.dimension_semantics<core_parallel>, #tpu.dimension_semantics<subcore_parallel>], iteration_bounds = array<i64: 2, 16>, scalar_prefetch = 0 : i64, scratch_operands = 17 : i64, tpu.core_type = #tpu.core_type<sc_vector_subcore>, window_params = [{transform_indices = #map}, {transform_indices = #map}, {transform_indices = #map1}, {transform_indices = #map}, {transform_indices = #map}, {transform_indices = #map1}]} {
    %mul3A = arith.constant 2 : i32
    %mul3A_0 = arith.muli %arg1, %mul3A : i32
    %add3A = arith.addi %mul3A_0, %arg0 : i32
    %mul3A_1 = arith.constant 512 : i32
    %mul3A_2 = arith.muli %add3A, %mul3A_1 : i32
    %dma_start3A = tpu.memref_slice %arg2[%mul3A_2] : memref<16384xi32, #tpu.memory_space<hbm>> -> memref<512xi32, #tpu.memory_space<hbm>>
    %dma_start3A_3 = tpu.memref_slice %arg2[%mul3A_2] : memref<16384xi32, #tpu.memory_space<hbm>> -> memref<512xi32, #tpu.memory_space<hbm>>
    tpu.enqueue_dma source(%dma_start3A_3 : memref<512xi32, #tpu.memory_space<hbm>>) target(%arg8 : memref<512xi32, #tpu.memory_space<vmem>>) target_semaphore(%arg24 : memref<!tpu.dma_semaphore, #tpu.memory_space<semaphore_mem>>)
    %dma_start3A_4 = tpu.memref_slice %arg3[%mul3A_2] : memref<16384xi32, #tpu.memory_space<hbm>> -> memref<512xi32, #tpu.memory_space<hbm>>
    %dma_start3A_5 = tpu.memref_slice %arg3[%mul3A_2] : memref<16384xi32, #tpu.memory_space<hbm>> -> memref<512xi32, #tpu.memory_space<hbm>>
    tpu.enqueue_dma source(%dma_start3A_5 : memref<512xi32, #tpu.memory_space<hbm>>) target(%arg9 : memref<512xi32, #tpu.memory_space<vmem>>) target_semaphore(%arg24 : memref<!tpu.dma_semaphore, #tpu.memory_space<semaphore_mem>>)
    tpu.enqueue_dma source(%arg5 : memref<128xf32, #tpu.memory_space<hbm>>) target(%arg16 : memref<128xf32, #tpu.memory_space<vmem>>) target_semaphore(%arg24 : memref<!tpu.dma_semaphore, #tpu.memory_space<semaphore_mem>>)
    tpu.enqueue_dma source(%arg6 : memref<128xf32, #tpu.memory_space<hbm>>) target(%arg17 : memref<128xf32, #tpu.memory_space<vmem>>) target_semaphore(%arg24 : memref<!tpu.dma_semaphore, #tpu.memory_space<semaphore_mem>>)
    %dma_wait3A = tpu.memref_slice %arg2[%mul3A_2] : memref<16384xi32, #tpu.memory_space<hbm>> -> memref<512xi32, #tpu.memory_space<hbm>>
    %dma_wait3A_6 = tpu.memref_slice %arg2[%mul3A_2] : memref<16384xi32, #tpu.memory_space<hbm>> -> memref<512xi32, #tpu.memory_space<hbm>>
    tpu.wait_dma2 semaphore(%arg24 : memref<!tpu.dma_semaphore, #tpu.memory_space<semaphore_mem>>) src(%dma_wait3A_6 : memref<512xi32, #tpu.memory_space<hbm>>) dst(%arg8 : memref<512xi32, #tpu.memory_space<vmem>>)
    %dma_start3A_7 = arith.constant 0 : i32
    %dma_start3A_8 = arith.constant 0 : i32
    %dma_start3A_9 = tpu.memref_slice %arg10[%dma_start3A_7, %dma_start3A_8] : memref<128x128xf32, #tpu.memory_space<vmem>> -> memref<64x128xf32, #tpu.memory_space<vmem>>
    %dma_start3A_10 = arith.constant 0 : i32
    %dma_start3A_11 = tpu.memref_slice %arg8[%dma_start3A_10] : memref<512xi32, #tpu.memory_space<vmem>> -> memref<64xi32, #tpu.memory_space<vmem>>
    %dma_start3A_12 = arith.constant 0 : i32
    %dma_start3A_13 = arith.constant 0 : i32
    %dma_start3A_14 = tpu.memref_slice %arg4[%dma_start3A_12, %dma_start3A_13] : memref<100000x128xf32, #tpu.memory_space<hbm>> -> memref<100000x128xf32, #tpu.memory_space<hbm>>
    tpu.enqueue_indirect_dma source(%dma_start3A_14 : memref<100000x128xf32, #tpu.memory_space<hbm>>) target(%dma_start3A_9 : memref<64x128xf32, #tpu.memory_space<vmem>>) offsets(%dma_start3A_11 : memref<64xi32, #tpu.memory_space<vmem>>) semaphore(%arg18 : memref<!tpu.dma_semaphore, #tpu.memory_space<semaphore_mem>>)
    %dma_start3A_15 = arith.constant 0 : i32
    %dma_start3A_16 = arith.constant 0 : i32
    %dma_start3A_17 = tpu.memref_slice %arg11[%dma_start3A_15, %dma_start3A_16] : memref<128x128xf32, #tpu.memory_space<vmem>> -> memref<128x128xf32, #tpu.memory_space<vmem>>
    %dma_start3A_18 = arith.constant 64 : i32
    %dma_start3A_19 = tpu.memref_slice %arg8[%dma_start3A_18] : memref<512xi32, #tpu.memory_space<vmem>> -> memref<128xi32, #tpu.memory_space<vmem>>
    %dma_start3A_20 = arith.constant 0 : i32
    %dma_start3A_21 = arith.constant 0 : i32
    %dma_start3A_22 = tpu.memref_slice %arg4[%dma_start3A_20, %dma_start3A_21] : memref<100000x128xf32, #tpu.memory_space<hbm>> -> memref<100000x128xf32, #tpu.memory_space<hbm>>
    tpu.enqueue_indirect_dma source(%dma_start3A_22 : memref<100000x128xf32, #tpu.memory_space<hbm>>) target(%dma_start3A_17 : memref<128x128xf32, #tpu.memory_space<vmem>>) offsets(%dma_start3A_19 : memref<128xi32, #tpu.memory_space<vmem>>) semaphore(%arg19 : memref<!tpu.dma_semaphore, #tpu.memory_space<semaphore_mem>>)
    %dma_start3A_23 = arith.constant 0 : i32
    %dma_start3A_24 = arith.constant 0 : i32
    %dma_start3A_25 = tpu.memref_slice %arg12[%dma_start3A_23, %dma_start3A_24] : memref<128x128xf32, #tpu.memory_space<vmem>> -> memref<128x128xf32, #tpu.memory_space<vmem>>
    %dma_start3A_26 = arith.constant 192 : i32
    %dma_start3A_27 = tpu.memref_slice %arg8[%dma_start3A_26] : memref<512xi32, #tpu.memory_space<vmem>> -> memref<128xi32, #tpu.memory_space<vmem>>
    %dma_start3A_28 = arith.constant 0 : i32
    %dma_start3A_29 = arith.constant 0 : i32
    %dma_start3A_30 = tpu.memref_slice %arg4[%dma_start3A_28, %dma_start3A_29] : memref<100000x128xf32, #tpu.memory_space<hbm>> -> memref<100000x128xf32, #tpu.memory_space<hbm>>
    tpu.enqueue_indirect_dma source(%dma_start3A_30 : memref<100000x128xf32, #tpu.memory_space<hbm>>) target(%dma_start3A_25 : memref<128x128xf32, #tpu.memory_space<vmem>>) offsets(%dma_start3A_27 : memref<128xi32, #tpu.memory_space<vmem>>) semaphore(%arg20 : memref<!tpu.dma_semaphore, #tpu.memory_space<semaphore_mem>>)
    %dma_wait3A_31 = tpu.memref_slice %arg3[%mul3A_2] : memref<16384xi32, #tpu.memory_space<hbm>> -> memref<512xi32, #tpu.memory_space<hbm>>
    %dma_wait3A_32 = tpu.memref_slice %arg3[%mul3A_2] : memref<16384xi32, #tpu.memory_space<hbm>> -> memref<512xi32, #tpu.memory_space<hbm>>
    tpu.wait_dma2 semaphore(%arg24 : memref<!tpu.dma_semaphore, #tpu.memory_space<semaphore_mem>>) src(%dma_wait3A_32 : memref<512xi32, #tpu.memory_space<hbm>>) dst(%arg9 : memref<512xi32, #tpu.memory_space<vmem>>)
    %dma_wait3A_33 = arith.constant 0 : i32
    %dma_wait3A_34 = arith.constant 0 : i32
    %dma_wait3A_35 = tpu.memref_slice %arg10[%dma_wait3A_33, %dma_wait3A_34] : memref<128x128xf32, #tpu.memory_space<vmem>> -> memref<64x128xf32, #tpu.memory_space<vmem>>
    %dma_wait3A_36 = arith.constant 0 : i32
    %dma_wait3A_37 = tpu.memref_slice %arg8[%dma_wait3A_36] : memref<512xi32, #tpu.memory_space<vmem>> -> memref<64xi32, #tpu.memory_space<vmem>>
    %dma_wait3A_38 = arith.constant 0 : i32
    %dma_wait3A_39 = arith.constant 0 : i32
    %dma_wait3A_40 = tpu.memref_slice %arg4[%dma_wait3A_38, %dma_wait3A_39] : memref<100000x128xf32, #tpu.memory_space<hbm>> -> memref<100000x128xf32, #tpu.memory_space<hbm>>
    tpu.wait_indirect_dma semaphore(%arg18 : memref<!tpu.dma_semaphore, #tpu.memory_space<semaphore_mem>>) src(%dma_wait3A_40 : memref<100000x128xf32, #tpu.memory_space<hbm>>) dst(%dma_wait3A_35 : memref<64x128xf32, #tpu.memory_space<vmem>>)
    %dma_start3A_41 = arith.constant 0 : i32
    %dma_start3A_42 = arith.constant 0 : i32
    %dma_start3A_43 = tpu.memref_slice %arg10[%dma_start3A_41, %dma_start3A_42] : memref<128x128xf32, #tpu.memory_space<vmem>> -> memref<64x128xf32, #tpu.memory_space<vmem>>
    %dma_start3A_44 = arith.constant 0 : i32
    %dma_start3A_45 = tpu.memref_slice %arg9[%dma_start3A_44] : memref<512xi32, #tpu.memory_space<vmem>> -> memref<64xi32, #tpu.memory_space<vmem>>
    %dma_start3A_46 = arith.constant 0 : i32
    %dma_start3A_47 = arith.constant 0 : i32
    %dma_start3A_48 = tpu.memref_slice %arg4[%dma_start3A_46, %dma_start3A_47] : memref<100000x128xf32, #tpu.memory_space<hbm>> -> memref<100000x128xf32, #tpu.memory_space<hbm>>
    tpu.enqueue_indirect_dma source(%dma_start3A_48 : memref<100000x128xf32, #tpu.memory_space<hbm>>) target(%dma_start3A_43 : memref<64x128xf32, #tpu.memory_space<vmem>>) offsets(%dma_start3A_45 : memref<64xi32, #tpu.memory_space<vmem>>) semaphore(%arg18 : memref<!tpu.dma_semaphore, #tpu.memory_space<semaphore_mem>>) {add = true}
    tpu.wait_dma2 semaphore(%arg24 : memref<!tpu.dma_semaphore, #tpu.memory_space<semaphore_mem>>) src(%arg5 : memref<128xf32, #tpu.memory_space<hbm>>) dst(%arg16 : memref<128xf32, #tpu.memory_space<vmem>>)
    tpu.wait_dma2 semaphore(%arg24 : memref<!tpu.dma_semaphore, #tpu.memory_space<semaphore_mem>>) src(%arg6 : memref<128xf32, #tpu.memory_space<hbm>>) dst(%arg17 : memref<128xf32, #tpu.memory_space<vmem>>)
    %get3A = arith.constant 0 : index
    %get3A_49 = tpu.vector_load %arg16[%get3A] {strides = array<i32>} : memref<128xf32, #tpu.memory_space<vmem>>, vector<16xf32>,
    %get3A_50 = arith.constant 0 : index
    %get3A_51 = tpu.vector_load %arg17[%get3A_50] {strides = array<i32>} : memref<128xf32, #tpu.memory_space<vmem>>, vector<16xf32>,
    %add3A_52 = arith.addf %get3A_49, %get3A_51 : vector<16xf32>
    %get3A_53 = arith.constant 16 : index
    %get3A_54 = tpu.vector_load %arg16[%get3A_53] {strides = array<i32>} : memref<128xf32, #tpu.memory_space<vmem>>, vector<16xf32>,
    %get3A_55 = arith.constant 16 : index
    %get3A_56 = tpu.vector_load %arg17[%get3A_55] {strides = array<i32>} : memref<128xf32, #tpu.memory_space<vmem>>, vector<16xf32>,
    %add3A_57 = arith.addf %get3A_54, %get3A_56 : vector<16xf32>
    %get3A_58 = arith.constant 32 : index
    %get3A_59 = tpu.vector_load %arg16[%get3A_58] {strides = array<i32>} : memref<128xf32, #tpu.memory_space<vmem>>, vector<16xf32>,
    %get3A_60 = arith.constant 32 : index
    %get3A_61 = tpu.vector_load %arg17[%get3A_60] {strides = array<i32>} : memref<128xf32, #tpu.memory_space<vmem>>, vector<16xf32>,
    %add3A_62 = arith.addf %get3A_59, %get3A_61 : vector<16xf32>
    %get3A_63 = arith.constant 48 : index
    %get3A_64 = tpu.vector_load %arg16[%get3A_63] {strides = array<i32>} : memref<128xf32, #tpu.memory_space<vmem>>, vector<16xf32>,
    %get3A_65 = arith.constant 48 : index
    %get3A_66 = tpu.vector_load %arg17[%get3A_65] {strides = array<i32>} : memref<128xf32, #tpu.memory_space<vmem>>, vector<16xf32>,
    %add3A_67 = arith.addf %get3A_64, %get3A_66 : vector<16xf32>
    %get3A_68 = arith.constant 64 : index
    %get3A_69 = tpu.vector_load %arg16[%get3A_68] {strides = array<i32>} : memref<128xf32, #tpu.memory_space<vmem>>, vector<16xf32>,
    %get3A_70 = arith.constant 64 : index
    %get3A_71 = tpu.vector_load %arg17[%get3A_70] {strides = array<i32>} : memref<128xf32, #tpu.memory_space<vmem>>, vector<16xf32>,
    %add3A_72 = arith.addf %get3A_69, %get3A_71 : vector<16xf32>
    %get3A_73 = arith.constant 80 : index
    %get3A_74 = tpu.vector_load %arg16[%get3A_73] {strides = array<i32>} : memref<128xf32, #tpu.memory_space<vmem>>, vector<16xf32>,
    %get3A_75 = arith.constant 80 : index
    %get3A_76 = tpu.vector_load %arg17[%get3A_75] {strides = array<i32>} : memref<128xf32, #tpu.memory_space<vmem>>, vector<16xf32>,
    %add3A_77 = arith.addf %get3A_74, %get3A_76 : vector<16xf32>
    %get3A_78 = arith.constant 96 : index
    %get3A_79 = tpu.vector_load %arg16[%get3A_78] {strides = array<i32>} : memref<128xf32, #tpu.memory_space<vmem>>, vector<16xf32>,
    %get3A_80 = arith.constant 96 : index
    %get3A_81 = tpu.vector_load %arg17[%get3A_80] {strides = array<i32>} : memref<128xf32, #tpu.memory_space<vmem>>, vector<16xf32>,
    %add3A_82 = arith.addf %get3A_79, %get3A_81 : vector<16xf32>
    %get3A_83 = arith.constant 112 : index
    %get3A_84 = tpu.vector_load %arg16[%get3A_83] {strides = array<i32>} : memref<128xf32, #tpu.memory_space<vmem>>, vector<16xf32>,
    %get3A_85 = arith.constant 112 : index
    %get3A_86 = tpu.vector_load %arg17[%get3A_85] {strides = array<i32>} : memref<128xf32, #tpu.memory_space<vmem>>, vector<16xf32>,
    %add3A_87 = arith.addf %get3A_84, %get3A_86 : vector<16xf32>
    %dma_start3A_88 = arith.constant 0 : i32
    %dma_start3A_89 = arith.constant 0 : i32
    %dma_start3A_90 = tpu.memref_slice %arg13[%dma_start3A_88, %dma_start3A_89] : memref<128x128xf32, #tpu.memory_space<vmem>> -> memref<128x128xf32, #tpu.memory_space<vmem>>
    %dma_start3A_91 = arith.constant 320 : i32
    %dma_start3A_92 = tpu.memref_slice %arg8[%dma_start3A_91] : memref<512xi32, #tpu.memory_space<vmem>> -> memref<128xi32, #tpu.memory_space<vmem>>
    %dma_start3A_93 = arith.constant 0 : i32
    %dma_start3A_94 = arith.constant 0 : i32
    %dma_start3A_95 = tpu.memref_slice %arg4[%dma_start3A_93, %dma_start3A_94] : memref<100000x128xf32, #tpu.memory_space<hbm>> -> memref<100000x128xf32, #tpu.memory_space<hbm>>
    tpu.enqueue_indirect_dma source(%dma_start3A_95 : memref<100000x128xf32, #tpu.memory_space<hbm>>) target(%dma_start3A_90 : memref<128x128xf32, #tpu.memory_space<vmem>>) offsets(%dma_start3A_92 : memref<128xi32, #tpu.memory_space<vmem>>) semaphore(%arg21 : memref<!tpu.dma_semaphore, #tpu.memory_space<semaphore_mem>>)
    %dma_wait3A_96 = arith.constant 0 : i32
    %dma_wait3A_97 = arith.constant 0 : i32
    %dma_wait3A_98 = tpu.memref_slice %arg10[%dma_wait3A_96, %dma_wait3A_97] : memref<128x128xf32, #tpu.memory_space<vmem>> -> memref<64x128xf32, #tpu.memory_space<vmem>>
    %dma_wait3A_99 = arith.constant 0 : i32
    %dma_wait3A_100 = tpu.memref_slice %arg9[%dma_wait3A_99] : memref<512xi32, #tpu.memory_space<vmem>> -> memref<64xi32, #tpu.memory_space<vmem>>
    %dma_wait3A_101 = arith.constant 0 : i32
    %dma_wait3A_102 = arith.constant 0 : i32
    %dma_wait3A_103 = tpu.memref_slice %arg4[%dma_wait3A_101, %dma_wait3A_102] : memref<100000x128xf32, #tpu.memory_space<hbm>> -> memref<100000x128xf32, #tpu.memory_space<hbm>>
    tpu.wait_indirect_dma semaphore(%arg18 : memref<!tpu.dma_semaphore, #tpu.memory_space<semaphore_mem>>) src(%dma_wait3A_103 : memref<100000x128xf32, #tpu.memory_space<hbm>>) dst(%dma_wait3A_98 : memref<64x128xf32, #tpu.memory_space<vmem>>)
    %dma_wait3A_104 = arith.constant 0 : i32
    %dma_wait3A_105 = arith.constant 0 : i32
    %dma_wait3A_106 = tpu.memref_slice %arg11[%dma_wait3A_104, %dma_wait3A_105] : memref<128x128xf32, #tpu.memory_space<vmem>> -> memref<128x128xf32, #tpu.memory_space<vmem>>
    %dma_wait3A_107 = arith.constant 64 : i32
    %dma_wait3A_108 = tpu.memref_slice %arg8[%dma_wait3A_107] : memref<512xi32, #tpu.memory_space<vmem>> -> memref<128xi32, #tpu.memory_space<vmem>>
    %dma_wait3A_109 = arith.constant 0 : i32
    %dma_wait3A_110 = arith.constant 0 : i32
    %dma_wait3A_111 = tpu.memref_slice %arg4[%dma_wait3A_109, %dma_wait3A_110] : memref<100000x128xf32, #tpu.memory_space<hbm>> -> memref<100000x128xf32, #tpu.memory_space<hbm>>
    tpu.wait_indirect_dma semaphore(%arg19 : memref<!tpu.dma_semaphore, #tpu.memory_space<semaphore_mem>>) src(%dma_wait3A_111 : memref<100000x128xf32, #tpu.memory_space<hbm>>) dst(%dma_wait3A_106 : memref<128x128xf32, #tpu.memory_space<vmem>>)
    %dma_start3A_112 = arith.constant 0 : i32
    %dma_start3A_113 = arith.constant 0 : i32
    %dma_start3A_114 = tpu.memref_slice %arg11[%dma_start3A_112, %dma_start3A_113] : memref<128x128xf32, #tpu.memory_space<vmem>> -> memref<128x128xf32, #tpu.memory_space<vmem>>
    %dma_start3A_115 = arith.constant 64 : i32
    %dma_start3A_116 = tpu.memref_slice %arg9[%dma_start3A_115] : memref<512xi32, #tpu.memory_space<vmem>> -> memref<128xi32, #tpu.memory_space<vmem>>
    %dma_start3A_117 = arith.constant 0 : i32
    %dma_start3A_118 = arith.constant 0 : i32
    %dma_start3A_119 = tpu.memref_slice %arg4[%dma_start3A_117, %dma_start3A_118] : memref<100000x128xf32, #tpu.memory_space<hbm>> -> memref<100000x128xf32, #tpu.memory_space<hbm>>
    tpu.enqueue_indirect_dma source(%dma_start3A_119 : memref<100000x128xf32, #tpu.memory_space<hbm>>) target(%dma_start3A_114 : memref<128x128xf32, #tpu.memory_space<vmem>>) offsets(%dma_start3A_116 : memref<128xi32, #tpu.memory_space<vmem>>) semaphore(%arg19 : memref<!tpu.dma_semaphore, #tpu.memory_space<semaphore_mem>>) {add = true}
    %parallel_loop3A = arith.constant 0 : i32
    %parallel_loop3A_120 = arith.constant 64 : i32
    %parallel_loop3A_121 = arith.constant 1 : i32
    scf.for %parallel_loop3A_332 = %parallel_loop3A to %parallel_loop3A_120 step %parallel_loop3A_121  : i32 {
      %parallel_loop3A_333 = arith.index_cast %parallel_loop3A_332 : i32 to index
      %parallel_loop3A_334 = arith.constant 0 : index
      %parallel_loop3A_335 = tpu.vector_load %arg10[%parallel_loop3A_333, %parallel_loop3A_334] {strides = array<i32>} : memref<128x128xf32, #tpu.memory_space<vmem>>, vector<16xf32>,
      %parallel_loop3A_336 = arith.addf %parallel_loop3A_335, %add3A_52 : vector<16xf32>
      %parallel_loop3A_337 = arith.index_cast %parallel_loop3A_332 : i32 to index
      %parallel_loop3A_338 = arith.constant 16 : index
      %parallel_loop3A_339 = tpu.vector_load %arg10[%parallel_loop3A_337, %parallel_loop3A_338] {strides = array<i32>} : memref<128x128xf32, #tpu.memory_space<vmem>>, vector<16xf32>,
      %parallel_loop3A_340 = arith.addf %parallel_loop3A_339, %add3A_57 : vector<16xf32>
      %parallel_loop3A_341 = arith.index_cast %parallel_loop3A_332 : i32 to index
      %parallel_loop3A_342 = arith.constant 32 : index
      %parallel_loop3A_343 = tpu.vector_load %arg10[%parallel_loop3A_341, %parallel_loop3A_342] {strides = array<i32>} : memref<128x128xf32, #tpu.memory_space<vmem>>, vector<16xf32>,
      %parallel_loop3A_344 = arith.addf %parallel_loop3A_343, %add3A_62 : vector<16xf32>
      %parallel_loop3A_345 = arith.index_cast %parallel_loop3A_332 : i32 to index
      %parallel_loop3A_346 = arith.constant 48 : index
      %parallel_loop3A_347 = tpu.vector_load %arg10[%parallel_loop3A_345, %parallel_loop3A_346] {strides = array<i32>} : memref<128x128xf32, #tpu.memory_space<vmem>>, vector<16xf32>,
      %parallel_loop3A_348 = arith.addf %parallel_loop3A_347, %add3A_67 : vector<16xf32>
      %parallel_loop3A_349 = arith.index_cast %parallel_loop3A_332 : i32 to index
      %parallel_loop3A_350 = arith.constant 64 : index
      %parallel_loop3A_351 = tpu.vector_load %arg10[%parallel_loop3A_349, %parallel_loop3A_350] {strides = array<i32>} : memref<128x128xf32, #tpu.memory_space<vmem>>, vector<16xf32>,
      %parallel_loop3A_352 = arith.addf %parallel_loop3A_351, %add3A_72 : vector<16xf32>
      %parallel_loop3A_353 = arith.index_cast %parallel_loop3A_332 : i32 to index
      %parallel_loop3A_354 = arith.constant 80 : index
      %parallel_loop3A_355 = tpu.vector_load %arg10[%parallel_loop3A_353, %parallel_loop3A_354] {strides = array<i32>} : memref<128x128xf32, #tpu.memory_space<vmem>>, vector<16xf32>,
      %parallel_loop3A_356 = arith.addf %parallel_loop3A_355, %add3A_77 : vector<16xf32>
      %parallel_loop3A_357 = arith.index_cast %parallel_loop3A_332 : i32 to index
      %parallel_loop3A_358 = arith.constant 96 : index
      %parallel_loop3A_359 = tpu.vector_load %arg10[%parallel_loop3A_357, %parallel_loop3A_358] {strides = array<i32>} : memref<128x128xf32, #tpu.memory_space<vmem>>, vector<16xf32>,
      %parallel_loop3A_360 = arith.addf %parallel_loop3A_359, %add3A_82 : vector<16xf32>
      %parallel_loop3A_361 = arith.index_cast %parallel_loop3A_332 : i32 to index
      %parallel_loop3A_362 = arith.constant 112 : index
      %parallel_loop3A_363 = tpu.vector_load %arg10[%parallel_loop3A_361, %parallel_loop3A_362] {strides = array<i32>} : memref<128x128xf32, #tpu.memory_space<vmem>>, vector<16xf32>,
      %parallel_loop3A_364 = arith.addf %parallel_loop3A_363, %add3A_87 : vector<16xf32>
      %parallel_loop3A_365 = arith.mulf %parallel_loop3A_336, %parallel_loop3A_336 : vector<16xf32>
      %parallel_loop3A_366 = arith.mulf %parallel_loop3A_340, %parallel_loop3A_340 : vector<16xf32>
      %parallel_loop3A_367 = arith.mulf %parallel_loop3A_344, %parallel_loop3A_344 : vector<16xf32>
      %parallel_loop3A_368 = arith.mulf %parallel_loop3A_348, %parallel_loop3A_348 : vector<16xf32>
      %parallel_loop3A_369 = arith.mulf %parallel_loop3A_352, %parallel_loop3A_352 : vector<16xf32>
      %parallel_loop3A_370 = arith.mulf %parallel_loop3A_356, %parallel_loop3A_356 : vector<16xf32>
      %parallel_loop3A_371 = arith.mulf %parallel_loop3A_360, %parallel_loop3A_360 : vector<16xf32>
      %parallel_loop3A_372 = arith.mulf %parallel_loop3A_364, %parallel_loop3A_364 : vector<16xf32>
      %parallel_loop3A_373 = arith.addf %parallel_loop3A_365, %parallel_loop3A_366 : vector<16xf32>
      %parallel_loop3A_374 = arith.addf %parallel_loop3A_367, %parallel_loop3A_368 : vector<16xf32>
      %parallel_loop3A_375 = arith.addf %parallel_loop3A_369, %parallel_loop3A_370 : vector<16xf32>
      %parallel_loop3A_376 = arith.addf %parallel_loop3A_371, %parallel_loop3A_372 : vector<16xf32>
      %parallel_loop3A_377 = arith.addf %parallel_loop3A_373, %parallel_loop3A_374 : vector<16xf32>
      %parallel_loop3A_378 = arith.addf %parallel_loop3A_375, %parallel_loop3A_376 : vector<16xf32>
      %parallel_loop3A_379 = arith.addf %parallel_loop3A_377, %parallel_loop3A_378 : vector<16xf32>
      %parallel_loop3A_380 = arith.constant true
      %parallel_loop3A_381 = vector.broadcast %parallel_loop3A_380 : i1 to vector<16xi1>
      %parallel_loop3A_382 = tpu.scan <sum>, %parallel_loop3A_379 masked %parallel_loop3A_381 : vector<16xf32>, vector<16xi1> -> vector<16xf32>
      %parallel_loop3A_383 = vector.extract %parallel_loop3A_382[15] : f32 from vector<16xf32>
      %parallel_loop3A_384 = vector.broadcast %parallel_loop3A_383 : f32 to vector<16xf32>
      %parallel_loop3A_385 = vector.bitcast %parallel_loop3A_384 : vector<16xf32> to vector<16xi32>
      %parallel_loop3A_386 = arith.constant 1 : i32
      %parallel_loop3A_387 = vector.broadcast %parallel_loop3A_386 : i32 to vector<16xi32>
      %parallel_loop3A_388 = arith.shrsi %parallel_loop3A_385, %parallel_loop3A_387 : vector<16xi32>
      %parallel_loop3A_389 = arith.constant 1597463007 : i32
      %parallel_loop3A_390 = vector.broadcast %parallel_loop3A_389 : i32 to vector<16xi32>
      %parallel_loop3A_391 = arith.subi %parallel_loop3A_390, %parallel_loop3A_388 : vector<16xi32>
      %parallel_loop3A_392 = vector.bitcast %parallel_loop3A_391 : vector<16xi32> to vector<16xf32>
      %parallel_loop3A_393 = arith.constant 5.000000e-01 : f32
      %parallel_loop3A_394 = vector.broadcast %parallel_loop3A_393 : f32 to vector<16xf32>
      %parallel_loop3A_395 = arith.mulf %parallel_loop3A_394, %parallel_loop3A_384 : vector<16xf32>
      %parallel_loop3A_396 = arith.mulf %parallel_loop3A_395, %parallel_loop3A_392 : vector<16xf32>
      %parallel_loop3A_397 = arith.mulf %parallel_loop3A_396, %parallel_loop3A_392 : vector<16xf32>
      %parallel_loop3A_398 = arith.constant 1.500000e+00 : f32
      %parallel_loop3A_399 = vector.broadcast %parallel_loop3A_398 : f32 to vector<16xf32>
      %parallel_loop3A_400 = arith.subf %parallel_loop3A_399, %parallel_loop3A_397 : vector<16xf32>
      %parallel_loop3A_401 = arith.mulf %parallel_loop3A_392, %parallel_loop3A_400 : vector<16xf32>
      %parallel_loop3A_402 = arith.mulf %parallel_loop3A_395, %parallel_loop3A_401 : vector<16xf32>
      %parallel_loop3A_403 = arith.mulf %parallel_loop3A_402, %parallel_loop3A_401 : vector<16xf32>
      %parallel_loop3A_404 = arith.constant 1.500000e+00 : f32
      %parallel_loop3A_405 = vector.broadcast %parallel_loop3A_404 : f32 to vector<16xf32>
      %parallel_loop3A_406 = arith.subf %parallel_loop3A_405, %parallel_loop3A_403 : vector<16xf32>
      %parallel_loop3A_407 = arith.mulf %parallel_loop3A_401, %parallel_loop3A_406 : vector<16xf32>
      %parallel_loop3A_408 = arith.constant 9.99999995E+11 : f32
      %parallel_loop3A_409 = vector.broadcast %parallel_loop3A_408 : f32 to vector<16xf32>
      %parallel_loop3A_410 = arith.minimumf %parallel_loop3A_407, %parallel_loop3A_409 : vector<16xf32>
      %parallel_loop3A_411 = arith.mulf %parallel_loop3A_336, %parallel_loop3A_410 : vector<16xf32>
      %parallel_loop3A_412 = arith.index_cast %parallel_loop3A_332 : i32 to index
      %parallel_loop3A_413 = arith.constant 0 : index
      %parallel_loop3A_414 = tpu.vector_load %arg14[%parallel_loop3A_412, %parallel_loop3A_413] {strides = array<i32>} : memref<128x128xf32, #tpu.memory_space<vmem>>, vector<16xf32>,
      tpu.vector_store %arg14[%parallel_loop3A_412, %parallel_loop3A_413], %parallel_loop3A_411 {strides = array<i32>} : memref<128x128xf32, #tpu.memory_space<vmem>>, vector<16xf32>,
      %parallel_loop3A_415 = arith.mulf %parallel_loop3A_340, %parallel_loop3A_410 : vector<16xf32>
      %parallel_loop3A_416 = arith.index_cast %parallel_loop3A_332 : i32 to index
      %parallel_loop3A_417 = arith.constant 16 : index
      %parallel_loop3A_418 = tpu.vector_load %arg14[%parallel_loop3A_416, %parallel_loop3A_417] {strides = array<i32>} : memref<128x128xf32, #tpu.memory_space<vmem>>, vector<16xf32>,
      tpu.vector_store %arg14[%parallel_loop3A_416, %parallel_loop3A_417], %parallel_loop3A_415 {strides = array<i32>} : memref<128x128xf32, #tpu.memory_space<vmem>>, vector<16xf32>,
      %parallel_loop3A_419 = arith.mulf %parallel_loop3A_344, %parallel_loop3A_410 : vector<16xf32>
      %parallel_loop3A_420 = arith.index_cast %parallel_loop3A_332 : i32 to index
      %parallel_loop3A_421 = arith.constant 32 : index
      %parallel_loop3A_422 = tpu.vector_load %arg14[%parallel_loop3A_420, %parallel_loop3A_421] {strides = array<i32>} : memref<128x128xf32, #tpu.memory_space<vmem>>, vector<16xf32>,
      tpu.vector_store %arg14[%parallel_loop3A_420, %parallel_loop3A_421], %parallel_loop3A_419 {strides = array<i32>} : memref<128x128xf32, #tpu.memory_space<vmem>>, vector<16xf32>,
      %parallel_loop3A_423 = arith.mulf %parallel_loop3A_348, %parallel_loop3A_410 : vector<16xf32>
      %parallel_loop3A_424 = arith.index_cast %parallel_loop3A_332 : i32 to index
      %parallel_loop3A_425 = arith.constant 48 : index
      %parallel_loop3A_426 = tpu.vector_load %arg14[%parallel_loop3A_424, %parallel_loop3A_425] {strides = array<i32>} : memref<128x128xf32, #tpu.memory_space<vmem>>, vector<16xf32>,
      tpu.vector_store %arg14[%parallel_loop3A_424, %parallel_loop3A_425], %parallel_loop3A_423 {strides = array<i32>} : memref<128x128xf32, #tpu.memory_space<vmem>>, vector<16xf32>,
      %parallel_loop3A_427 = arith.mulf %parallel_loop3A_352, %parallel_loop3A_410 : vector<16xf32>
      %parallel_loop3A_428 = arith.index_cast %parallel_loop3A_332 : i32 to index
      %parallel_loop3A_429 = arith.constant 64 : index
      %parallel_loop3A_430 = tpu.vector_load %arg14[%parallel_loop3A_428, %parallel_loop3A_429] {strides = array<i32>} : memref<128x128xf32, #tpu.memory_space<vmem>>, vector<16xf32>,
      tpu.vector_store %arg14[%parallel_loop3A_428, %parallel_loop3A_429], %parallel_loop3A_427 {strides = array<i32>} : memref<128x128xf32, #tpu.memory_space<vmem>>, vector<16xf32>,
      %parallel_loop3A_431 = arith.mulf %parallel_loop3A_356, %parallel_loop3A_410 : vector<16xf32>
      %parallel_loop3A_432 = arith.index_cast %parallel_loop3A_332 : i32 to index
      %parallel_loop3A_433 = arith.constant 80 : index
      %parallel_loop3A_434 = tpu.vector_load %arg14[%parallel_loop3A_432, %parallel_loop3A_433] {strides = array<i32>} : memref<128x128xf32, #tpu.memory_space<vmem>>, vector<16xf32>,
      tpu.vector_store %arg14[%parallel_loop3A_432, %parallel_loop3A_433], %parallel_loop3A_431 {strides = array<i32>} : memref<128x128xf32, #tpu.memory_space<vmem>>, vector<16xf32>,
      %parallel_loop3A_435 = arith.mulf %parallel_loop3A_360, %parallel_loop3A_410 : vector<16xf32>
      %parallel_loop3A_436 = arith.index_cast %parallel_loop3A_332 : i32 to index
      %parallel_loop3A_437 = arith.constant 96 : index
      %parallel_loop3A_438 = tpu.vector_load %arg14[%parallel_loop3A_436, %parallel_loop3A_437] {strides = array<i32>} : memref<128x128xf32, #tpu.memory_space<vmem>>, vector<16xf32>,
      tpu.vector_store %arg14[%parallel_loop3A_436, %parallel_loop3A_437], %parallel_loop3A_435 {strides = array<i32>} : memref<128x128xf32, #tpu.memory_space<vmem>>, vector<16xf32>,
      %parallel_loop3A_439 = arith.mulf %parallel_loop3A_364, %parallel_loop3A_410 : vector<16xf32>
      %parallel_loop3A_440 = arith.index_cast %parallel_loop3A_332 : i32 to index
      %parallel_loop3A_441 = arith.constant 112 : index
      %parallel_loop3A_442 = tpu.vector_load %arg14[%parallel_loop3A_440, %parallel_loop3A_441] {strides = array<i32>} : memref<128x128xf32, #tpu.memory_space<vmem>>, vector<16xf32>,
      tpu.vector_store %arg14[%parallel_loop3A_440, %parallel_loop3A_441], %parallel_loop3A_439 {strides = array<i32>} : memref<128x128xf32, #tpu.memory_space<vmem>>, vector<16xf32>,
    } {sc.loop_unroll_factor = 4 : i64, sc.parallel_access}
    %add3A_122 = arith.constant 0 : i32
    %add3A_123 = arith.addi %mul3A_2, %add3A_122 : i32
    %dma_start3A_124 = arith.constant 0 : i32
    %dma_start3A_125 = arith.constant 0 : i32
    %dma_start3A_126 = tpu.memref_slice %arg14[%dma_start3A_124, %dma_start3A_125] : memref<128x128xf32, #tpu.memory_space<vmem>> -> memref<64x128xf32, #tpu.memory_space<vmem>>
    %dma_start3A_127 = arith.constant 0 : i32
    %dma_start3A_128 = tpu.memref_slice %arg7[%add3A_123, %dma_start3A_127] : memref<16384x128xf32, #tpu.memory_space<hbm>> -> memref<64x128xf32, #tpu.memory_space<hbm>>
    %dma_start3A_129 = arith.constant 0 : i32
    %dma_start3A_130 = tpu.memref_slice %arg7[%add3A_123, %dma_start3A_129] : memref<16384x128xf32, #tpu.memory_space<hbm>> -> memref<64x128xf32, #tpu.memory_space<hbm>>
    %dma_start3A_131 = arith.constant 0 : i32
    %dma_start3A_132 = arith.constant 0 : i32
    %dma_start3A_133 = tpu.memref_slice %arg14[%dma_start3A_131, %dma_start3A_132] : memref<128x128xf32, #tpu.memory_space<vmem>> -> memref<64x128xf32, #tpu.memory_space<vmem>>
    tpu.enqueue_dma source(%dma_start3A_133 : memref<64x128xf32, #tpu.memory_space<vmem>>) target(%dma_start3A_130 : memref<64x128xf32, #tpu.memory_space<hbm>>) target_semaphore(%arg22 : memref<!tpu.dma_semaphore, #tpu.memory_space<semaphore_mem>>)
    %dma_start3A_134 = arith.constant 0 : i32
    %dma_start3A_135 = arith.constant 0 : i32
    %dma_start3A_136 = tpu.memref_slice %arg10[%dma_start3A_134, %dma_start3A_135] : memref<128x128xf32, #tpu.memory_space<vmem>> -> memref<64x128xf32, #tpu.memory_space<vmem>>
    %dma_start3A_137 = arith.constant 448 : i32
    %dma_start3A_138 = tpu.memref_slice %arg8[%dma_start3A_137] : memref<512xi32, #tpu.memory_space<vmem>> -> memref<64xi32, #tpu.memory_space<vmem>>
    %dma_start3A_139 = arith.constant 0 : i32
    %dma_start3A_140 = arith.constant 0 : i32
    %dma_start3A_141 = tpu.memref_slice %arg4[%dma_start3A_139, %dma_start3A_140] : memref<100000x128xf32, #tpu.memory_space<hbm>> -> memref<100000x128xf32, #tpu.memory_space<hbm>>
    tpu.enqueue_indirect_dma source(%dma_start3A_141 : memref<100000x128xf32, #tpu.memory_space<hbm>>) target(%dma_start3A_136 : memref<64x128xf32, #tpu.memory_space<vmem>>) offsets(%dma_start3A_138 : memref<64xi32, #tpu.memory_space<vmem>>) semaphore(%arg18 : memref<!tpu.dma_semaphore, #tpu.memory_space<semaphore_mem>>)
    %dma_wait3A_142 = arith.constant 0 : i32
    %dma_wait3A_143 = arith.constant 0 : i32
    %dma_wait3A_144 = tpu.memref_slice %arg11[%dma_wait3A_142, %dma_wait3A_143] : memref<128x128xf32, #tpu.memory_space<vmem>> -> memref<128x128xf32, #tpu.memory_space<vmem>>
    %dma_wait3A_145 = arith.constant 64 : i32
    %dma_wait3A_146 = tpu.memref_slice %arg9[%dma_wait3A_145] : memref<512xi32, #tpu.memory_space<vmem>> -> memref<128xi32, #tpu.memory_space<vmem>>
    %dma_wait3A_147 = arith.constant 0 : i32
    %dma_wait3A_148 = arith.constant 0 : i32
    %dma_wait3A_149 = tpu.memref_slice %arg4[%dma_wait3A_147, %dma_wait3A_148] : memref<100000x128xf32, #tpu.memory_space<hbm>> -> memref<100000x128xf32, #tpu.memory_space<hbm>>
    tpu.wait_indirect_dma semaphore(%arg19 : memref<!tpu.dma_semaphore, #tpu.memory_space<semaphore_mem>>) src(%dma_wait3A_149 : memref<100000x128xf32, #tpu.memory_space<hbm>>) dst(%dma_wait3A_144 : memref<128x128xf32, #tpu.memory_space<vmem>>)
    %dma_wait3A_150 = arith.constant 0 : i32
    %dma_wait3A_151 = arith.constant 0 : i32
    %dma_wait3A_152 = tpu.memref_slice %arg12[%dma_wait3A_150, %dma_wait3A_151] : memref<128x128xf32, #tpu.memory_space<vmem>> -> memref<128x128xf32, #tpu.memory_space<vmem>>
    %dma_wait3A_153 = arith.constant 192 : i32
    %dma_wait3A_154 = tpu.memref_slice %arg8[%dma_wait3A_153] : memref<512xi32, #tpu.memory_space<vmem>> -> memref<128xi32, #tpu.memory_space<vmem>>
    %dma_wait3A_155 = arith.constant 0 : i32
    %dma_wait3A_156 = arith.constant 0 : i32
    %dma_wait3A_157 = tpu.memref_slice %arg4[%dma_wait3A_155, %dma_wait3A_156] : memref<100000x128xf32, #tpu.memory_space<hbm>> -> memref<100000x128xf32, #tpu.memory_space<hbm>>
    tpu.wait_indirect_dma semaphore(%arg20 : memref<!tpu.dma_semaphore, #tpu.memory_space<semaphore_mem>>) src(%dma_wait3A_157 : memref<100000x128xf32, #tpu.memory_space<hbm>>) dst(%dma_wait3A_152 : memref<128x128xf32, #tpu.memory_space<vmem>>)
    %dma_start3A_158 = arith.constant 0 : i32
    %dma_start3A_159 = arith.constant 0 : i32
    %dma_start3A_160 = tpu.memref_slice %arg12[%dma_start3A_158, %dma_start3A_159] : memref<128x128xf32, #tpu.memory_space<vmem>> -> memref<128x128xf32, #tpu.memory_space<vmem>>
    %dma_start3A_161 = arith.constant 192 : i32
    %dma_start3A_162 = tpu.memref_slice %arg9[%dma_start3A_161] : memref<512xi32, #tpu.memory_space<vmem>> -> memref<128xi32, #tpu.memory_space<vmem>>
    %dma_start3A_163 = arith.constant 0 : i32
    %dma_start3A_164 = arith.constant 0 : i32
    %dma_start3A_165 = tpu.memref_slice %arg4[%dma_start3A_163, %dma_start3A_164] : memref<100000x128xf32, #tpu.memory_space<hbm>> -> memref<100000x128xf32, #tpu.memory_space<hbm>>
    tpu.enqueue_indirect_dma source(%dma_start3A_165 : memref<100000x128xf32, #tpu.memory_space<hbm>>) target(%dma_start3A_160 : memref<128x128xf32, #tpu.memory_space<vmem>>) offsets(%dma_start3A_162 : memref<128xi32, #tpu.memory_space<vmem>>) semaphore(%arg20 : memref<!tpu.dma_semaphore, #tpu.memory_space<semaphore_mem>>) {add = true}
    %parallel_loop3A_166 = arith.constant 0 : i32
    %parallel_loop3A_167 = arith.constant 128 : i32
    %parallel_loop3A_168 = arith.constant 1 : i32
    scf.for %parallel_loop3A_332 = %parallel_loop3A_166 to %parallel_loop3A_167 step %parallel_loop3A_168  : i32 {
      %parallel_loop3A_333 = arith.index_cast %parallel_loop3A_332 : i32 to index
      %parallel_loop3A_334 = arith.constant 0 : index
      %parallel_loop3A_335 = tpu.vector_load %arg11[%parallel_loop3A_333, %parallel_loop3A_334] {strides = array<i32>} : memref<128x128xf32, #tpu.memory_space<vmem>>, vector<16xf32>,
      %parallel_loop3A_336 = arith.addf %parallel_loop3A_335, %add3A_52 : vector<16xf32>
      %parallel_loop3A_337 = arith.index_cast %parallel_loop3A_332 : i32 to index
      %parallel_loop3A_338 = arith.constant 16 : index
      %parallel_loop3A_339 = tpu.vector_load %arg11[%parallel_loop3A_337, %parallel_loop3A_338] {strides = array<i32>} : memref<128x128xf32, #tpu.memory_space<vmem>>, vector<16xf32>,
      %parallel_loop3A_340 = arith.addf %parallel_loop3A_339, %add3A_57 : vector<16xf32>
      %parallel_loop3A_341 = arith.index_cast %parallel_loop3A_332 : i32 to index
      %parallel_loop3A_342 = arith.constant 32 : index
      %parallel_loop3A_343 = tpu.vector_load %arg11[%parallel_loop3A_341, %parallel_loop3A_342] {strides = array<i32>} : memref<128x128xf32, #tpu.memory_space<vmem>>, vector<16xf32>,
      %parallel_loop3A_344 = arith.addf %parallel_loop3A_343, %add3A_62 : vector<16xf32>
      %parallel_loop3A_345 = arith.index_cast %parallel_loop3A_332 : i32 to index
      %parallel_loop3A_346 = arith.constant 48 : index
      %parallel_loop3A_347 = tpu.vector_load %arg11[%parallel_loop3A_345, %parallel_loop3A_346] {strides = array<i32>} : memref<128x128xf32, #tpu.memory_space<vmem>>, vector<16xf32>,
      %parallel_loop3A_348 = arith.addf %parallel_loop3A_347, %add3A_67 : vector<16xf32>
      %parallel_loop3A_349 = arith.index_cast %parallel_loop3A_332 : i32 to index
      %parallel_loop3A_350 = arith.constant 64 : index
      %parallel_loop3A_351 = tpu.vector_load %arg11[%parallel_loop3A_349, %parallel_loop3A_350] {strides = array<i32>} : memref<128x128xf32, #tpu.memory_space<vmem>>, vector<16xf32>,
      %parallel_loop3A_352 = arith.addf %parallel_loop3A_351, %add3A_72 : vector<16xf32>
      %parallel_loop3A_353 = arith.index_cast %parallel_loop3A_332 : i32 to index
      %parallel_loop3A_354 = arith.constant 80 : index
      %parallel_loop3A_355 = tpu.vector_load %arg11[%parallel_loop3A_353, %parallel_loop3A_354] {strides = array<i32>} : memref<128x128xf32, #tpu.memory_space<vmem>>, vector<16xf32>,
      %parallel_loop3A_356 = arith.addf %parallel_loop3A_355, %add3A_77 : vector<16xf32>
      %parallel_loop3A_357 = arith.index_cast %parallel_loop3A_332 : i32 to index
      %parallel_loop3A_358 = arith.constant 96 : index
      %parallel_loop3A_359 = tpu.vector_load %arg11[%parallel_loop3A_357, %parallel_loop3A_358] {strides = array<i32>} : memref<128x128xf32, #tpu.memory_space<vmem>>, vector<16xf32>,
      %parallel_loop3A_360 = arith.addf %parallel_loop3A_359, %add3A_82 : vector<16xf32>
      %parallel_loop3A_361 = arith.index_cast %parallel_loop3A_332 : i32 to index
      %parallel_loop3A_362 = arith.constant 112 : index
      %parallel_loop3A_363 = tpu.vector_load %arg11[%parallel_loop3A_361, %parallel_loop3A_362] {strides = array<i32>} : memref<128x128xf32, #tpu.memory_space<vmem>>, vector<16xf32>,
      %parallel_loop3A_364 = arith.addf %parallel_loop3A_363, %add3A_87 : vector<16xf32>
      %parallel_loop3A_365 = arith.mulf %parallel_loop3A_336, %parallel_loop3A_336 : vector<16xf32>
      %parallel_loop3A_366 = arith.mulf %parallel_loop3A_340, %parallel_loop3A_340 : vector<16xf32>
      %parallel_loop3A_367 = arith.mulf %parallel_loop3A_344, %parallel_loop3A_344 : vector<16xf32>
      %parallel_loop3A_368 = arith.mulf %parallel_loop3A_348, %parallel_loop3A_348 : vector<16xf32>
      %parallel_loop3A_369 = arith.mulf %parallel_loop3A_352, %parallel_loop3A_352 : vector<16xf32>
      %parallel_loop3A_370 = arith.mulf %parallel_loop3A_356, %parallel_loop3A_356 : vector<16xf32>
      %parallel_loop3A_371 = arith.mulf %parallel_loop3A_360, %parallel_loop3A_360 : vector<16xf32>
      %parallel_loop3A_372 = arith.mulf %parallel_loop3A_364, %parallel_loop3A_364 : vector<16xf32>
      %parallel_loop3A_373 = arith.addf %parallel_loop3A_365, %parallel_loop3A_366 : vector<16xf32>
      %parallel_loop3A_374 = arith.addf %parallel_loop3A_367, %parallel_loop3A_368 : vector<16xf32>
      %parallel_loop3A_375 = arith.addf %parallel_loop3A_369, %parallel_loop3A_370 : vector<16xf32>
      %parallel_loop3A_376 = arith.addf %parallel_loop3A_371, %parallel_loop3A_372 : vector<16xf32>
      %parallel_loop3A_377 = arith.addf %parallel_loop3A_373, %parallel_loop3A_374 : vector<16xf32>
      %parallel_loop3A_378 = arith.addf %parallel_loop3A_375, %parallel_loop3A_376 : vector<16xf32>
      %parallel_loop3A_379 = arith.addf %parallel_loop3A_377, %parallel_loop3A_378 : vector<16xf32>
      %parallel_loop3A_380 = arith.constant true
      %parallel_loop3A_381 = vector.broadcast %parallel_loop3A_380 : i1 to vector<16xi1>
      %parallel_loop3A_382 = tpu.scan <sum>, %parallel_loop3A_379 masked %parallel_loop3A_381 : vector<16xf32>, vector<16xi1> -> vector<16xf32>
      %parallel_loop3A_383 = vector.extract %parallel_loop3A_382[15] : f32 from vector<16xf32>
      %parallel_loop3A_384 = vector.broadcast %parallel_loop3A_383 : f32 to vector<16xf32>
      %parallel_loop3A_385 = vector.bitcast %parallel_loop3A_384 : vector<16xf32> to vector<16xi32>
      %parallel_loop3A_386 = arith.constant 1 : i32
      %parallel_loop3A_387 = vector.broadcast %parallel_loop3A_386 : i32 to vector<16xi32>
      %parallel_loop3A_388 = arith.shrsi %parallel_loop3A_385, %parallel_loop3A_387 : vector<16xi32>
      %parallel_loop3A_389 = arith.constant 1597463007 : i32
      %parallel_loop3A_390 = vector.broadcast %parallel_loop3A_389 : i32 to vector<16xi32>
      %parallel_loop3A_391 = arith.subi %parallel_loop3A_390, %parallel_loop3A_388 : vector<16xi32>
      %parallel_loop3A_392 = vector.bitcast %parallel_loop3A_391 : vector<16xi32> to vector<16xf32>
      %parallel_loop3A_393 = arith.constant 5.000000e-01 : f32
      %parallel_loop3A_394 = vector.broadcast %parallel_loop3A_393 : f32 to vector<16xf32>
      %parallel_loop3A_395 = arith.mulf %parallel_loop3A_394, %parallel_loop3A_384 : vector<16xf32>
      %parallel_loop3A_396 = arith.mulf %parallel_loop3A_395, %parallel_loop3A_392 : vector<16xf32>
      %parallel_loop3A_397 = arith.mulf %parallel_loop3A_396, %parallel_loop3A_392 : vector<16xf32>
      %parallel_loop3A_398 = arith.constant 1.500000e+00 : f32
      %parallel_loop3A_399 = vector.broadcast %parallel_loop3A_398 : f32 to vector<16xf32>
      %parallel_loop3A_400 = arith.subf %parallel_loop3A_399, %parallel_loop3A_397 : vector<16xf32>
      %parallel_loop3A_401 = arith.mulf %parallel_loop3A_392, %parallel_loop3A_400 : vector<16xf32>
      %parallel_loop3A_402 = arith.mulf %parallel_loop3A_395, %parallel_loop3A_401 : vector<16xf32>
      %parallel_loop3A_403 = arith.mulf %parallel_loop3A_402, %parallel_loop3A_401 : vector<16xf32>
      %parallel_loop3A_404 = arith.constant 1.500000e+00 : f32
      %parallel_loop3A_405 = vector.broadcast %parallel_loop3A_404 : f32 to vector<16xf32>
      %parallel_loop3A_406 = arith.subf %parallel_loop3A_405, %parallel_loop3A_403 : vector<16xf32>
      %parallel_loop3A_407 = arith.mulf %parallel_loop3A_401, %parallel_loop3A_406 : vector<16xf32>
      %parallel_loop3A_408 = arith.constant 9.99999995E+11 : f32
      %parallel_loop3A_409 = vector.broadcast %parallel_loop3A_408 : f32 to vector<16xf32>
      %parallel_loop3A_410 = arith.minimumf %parallel_loop3A_407, %parallel_loop3A_409 : vector<16xf32>
      %parallel_loop3A_411 = arith.mulf %parallel_loop3A_336, %parallel_loop3A_410 : vector<16xf32>
      %parallel_loop3A_412 = arith.index_cast %parallel_loop3A_332 : i32 to index
      %parallel_loop3A_413 = arith.constant 0 : index
      %parallel_loop3A_414 = tpu.vector_load %arg15[%parallel_loop3A_412, %parallel_loop3A_413] {strides = array<i32>} : memref<128x128xf32, #tpu.memory_space<vmem>>, vector<16xf32>,
      tpu.vector_store %arg15[%parallel_loop3A_412, %parallel_loop3A_413], %parallel_loop3A_411 {strides = array<i32>} : memref<128x128xf32, #tpu.memory_space<vmem>>, vector<16xf32>,
      %parallel_loop3A_415 = arith.mulf %parallel_loop3A_340, %parallel_loop3A_410 : vector<16xf32>
      %parallel_loop3A_416 = arith.index_cast %parallel_loop3A_332 : i32 to index
      %parallel_loop3A_417 = arith.constant 16 : index
      %parallel_loop3A_418 = tpu.vector_load %arg15[%parallel_loop3A_416, %parallel_loop3A_417] {strides = array<i32>} : memref<128x128xf32, #tpu.memory_space<vmem>>, vector<16xf32>,
      tpu.vector_store %arg15[%parallel_loop3A_416, %parallel_loop3A_417], %parallel_loop3A_415 {strides = array<i32>} : memref<128x128xf32, #tpu.memory_space<vmem>>, vector<16xf32>,
      %parallel_loop3A_419 = arith.mulf %parallel_loop3A_344, %parallel_loop3A_410 : vector<16xf32>
      %parallel_loop3A_420 = arith.index_cast %parallel_loop3A_332 : i32 to index
      %parallel_loop3A_421 = arith.constant 32 : index
      %parallel_loop3A_422 = tpu.vector_load %arg15[%parallel_loop3A_420, %parallel_loop3A_421] {strides = array<i32>} : memref<128x128xf32, #tpu.memory_space<vmem>>, vector<16xf32>,
      tpu.vector_store %arg15[%parallel_loop3A_420, %parallel_loop3A_421], %parallel_loop3A_419 {strides = array<i32>} : memref<128x128xf32, #tpu.memory_space<vmem>>, vector<16xf32>,
      %parallel_loop3A_423 = arith.mulf %parallel_loop3A_348, %parallel_loop3A_410 : vector<16xf32>
      %parallel_loop3A_424 = arith.index_cast %parallel_loop3A_332 : i32 to index
      %parallel_loop3A_425 = arith.constant 48 : index
      %parallel_loop3A_426 = tpu.vector_load %arg15[%parallel_loop3A_424, %parallel_loop3A_425] {strides = array<i32>} : memref<128x128xf32, #tpu.memory_space<vmem>>, vector<16xf32>,
      tpu.vector_store %arg15[%parallel_loop3A_424, %parallel_loop3A_425], %parallel_loop3A_423 {strides = array<i32>} : memref<128x128xf32, #tpu.memory_space<vmem>>, vector<16xf32>,
      %parallel_loop3A_427 = arith.mulf %parallel_loop3A_352, %parallel_loop3A_410 : vector<16xf32>
      %parallel_loop3A_428 = arith.index_cast %parallel_loop3A_332 : i32 to index
      %parallel_loop3A_429 = arith.constant 64 : index
      %parallel_loop3A_430 = tpu.vector_load %arg15[%parallel_loop3A_428, %parallel_loop3A_429] {strides = array<i32>} : memref<128x128xf32, #tpu.memory_space<vmem>>, vector<16xf32>,
      tpu.vector_store %arg15[%parallel_loop3A_428, %parallel_loop3A_429], %parallel_loop3A_427 {strides = array<i32>} : memref<128x128xf32, #tpu.memory_space<vmem>>, vector<16xf32>,
      %parallel_loop3A_431 = arith.mulf %parallel_loop3A_356, %parallel_loop3A_410 : vector<16xf32>
      %parallel_loop3A_432 = arith.index_cast %parallel_loop3A_332 : i32 to index
      %parallel_loop3A_433 = arith.constant 80 : index
      %parallel_loop3A_434 = tpu.vector_load %arg15[%parallel_loop3A_432, %parallel_loop3A_433] {strides = array<i32>} : memref<128x128xf32, #tpu.memory_space<vmem>>, vector<16xf32>,
      tpu.vector_store %arg15[%parallel_loop3A_432, %parallel_loop3A_433], %parallel_loop3A_431 {strides = array<i32>} : memref<128x128xf32, #tpu.memory_space<vmem>>, vector<16xf32>,
      %parallel_loop3A_435 = arith.mulf %parallel_loop3A_360, %parallel_loop3A_410 : vector<16xf32>
      %parallel_loop3A_436 = arith.index_cast %parallel_loop3A_332 : i32 to index
      %parallel_loop3A_437 = arith.constant 96 : index
      %parallel_loop3A_438 = tpu.vector_load %arg15[%parallel_loop3A_436, %parallel_loop3A_437] {strides = array<i32>} : memref<128x128xf32, #tpu.memory_space<vmem>>, vector<16xf32>,
      tpu.vector_store %arg15[%parallel_loop3A_436, %parallel_loop3A_437], %parallel_loop3A_435 {strides = array<i32>} : memref<128x128xf32, #tpu.memory_space<vmem>>, vector<16xf32>,
      %parallel_loop3A_439 = arith.mulf %parallel_loop3A_364, %parallel_loop3A_410 : vector<16xf32>
      %parallel_loop3A_440 = arith.index_cast %parallel_loop3A_332 : i32 to index
      %parallel_loop3A_441 = arith.constant 112 : index
      %parallel_loop3A_442 = tpu.vector_load %arg15[%parallel_loop3A_440, %parallel_loop3A_441] {strides = array<i32>} : memref<128x128xf32, #tpu.memory_space<vmem>>, vector<16xf32>,
      tpu.vector_store %arg15[%parallel_loop3A_440, %parallel_loop3A_441], %parallel_loop3A_439 {strides = array<i32>} : memref<128x128xf32, #tpu.memory_space<vmem>>, vector<16xf32>,
    } {sc.loop_unroll_factor = 4 : i64, sc.parallel_access}
    %add3A_169 = arith.constant 64 : i32
    %add3A_170 = arith.addi %mul3A_2, %add3A_169 : i32
    %dma_start3A_171 = arith.constant 0 : i32
    %dma_start3A_172 = arith.constant 0 : i32
    %dma_start3A_173 = tpu.memref_slice %arg15[%dma_start3A_171, %dma_start3A_172] : memref<128x128xf32, #tpu.memory_space<vmem>> -> memref<128x128xf32, #tpu.memory_space<vmem>>
    %dma_start3A_174 = arith.constant 0 : i32
    %dma_start3A_175 = tpu.memref_slice %arg7[%add3A_170, %dma_start3A_174] : memref<16384x128xf32, #tpu.memory_space<hbm>> -> memref<128x128xf32, #tpu.memory_space<hbm>>
    %dma_start3A_176 = arith.constant 0 : i32
    %dma_start3A_177 = tpu.memref_slice %arg7[%add3A_170, %dma_start3A_176] : memref<16384x128xf32, #tpu.memory_space<hbm>> -> memref<128x128xf32, #tpu.memory_space<hbm>>
    %dma_start3A_178 = arith.constant 0 : i32
    %dma_start3A_179 = arith.constant 0 : i32
    %dma_start3A_180 = tpu.memref_slice %arg15[%dma_start3A_178, %dma_start3A_179] : memref<128x128xf32, #tpu.memory_space<vmem>> -> memref<128x128xf32, #tpu.memory_space<vmem>>
    tpu.enqueue_dma source(%dma_start3A_180 : memref<128x128xf32, #tpu.memory_space<vmem>>) target(%dma_start3A_177 : memref<128x128xf32, #tpu.memory_space<hbm>>) target_semaphore(%arg23 : memref<!tpu.dma_semaphore, #tpu.memory_space<semaphore_mem>>)
    %dma_wait3A_181 = arith.constant 0 : i32
    %dma_wait3A_182 = arith.constant 0 : i32
    %dma_wait3A_183 = tpu.memref_slice %arg12[%dma_wait3A_181, %dma_wait3A_182] : memref<128x128xf32, #tpu.memory_space<vmem>> -> memref<128x128xf32, #tpu.memory_space<vmem>>
    %dma_wait3A_184 = arith.constant 192 : i32
    %dma_wait3A_185 = tpu.memref_slice %arg9[%dma_wait3A_184] : memref<512xi32, #tpu.memory_space<vmem>> -> memref<128xi32, #tpu.memory_space<vmem>>
    %dma_wait3A_186 = arith.constant 0 : i32
    %dma_wait3A_187 = arith.constant 0 : i32
    %dma_wait3A_188 = tpu.memref_slice %arg4[%dma_wait3A_186, %dma_wait3A_187] : memref<100000x128xf32, #tpu.memory_space<hbm>> -> memref<100000x128xf32, #tpu.memory_space<hbm>>
    tpu.wait_indirect_dma semaphore(%arg20 : memref<!tpu.dma_semaphore, #tpu.memory_space<semaphore_mem>>) src(%dma_wait3A_188 : memref<100000x128xf32, #tpu.memory_space<hbm>>) dst(%dma_wait3A_183 : memref<128x128xf32, #tpu.memory_space<vmem>>)
    %dma_wait3A_189 = arith.constant 0 : i32
    %dma_wait3A_190 = arith.constant 0 : i32
    %dma_wait3A_191 = tpu.memref_slice %arg13[%dma_wait3A_189, %dma_wait3A_190] : memref<128x128xf32, #tpu.memory_space<vmem>> -> memref<128x128xf32, #tpu.memory_space<vmem>>
    %dma_wait3A_192 = arith.constant 320 : i32
    %dma_wait3A_193 = tpu.memref_slice %arg8[%dma_wait3A_192] : memref<512xi32, #tpu.memory_space<vmem>> -> memref<128xi32, #tpu.memory_space<vmem>>
    %dma_wait3A_194 = arith.constant 0 : i32
    %dma_wait3A_195 = arith.constant 0 : i32
    %dma_wait3A_196 = tpu.memref_slice %arg4[%dma_wait3A_194, %dma_wait3A_195] : memref<100000x128xf32, #tpu.memory_space<hbm>> -> memref<100000x128xf32, #tpu.memory_space<hbm>>
    tpu.wait_indirect_dma semaphore(%arg21 : memref<!tpu.dma_semaphore, #tpu.memory_space<semaphore_mem>>) src(%dma_wait3A_196 : memref<100000x128xf32, #tpu.memory_space<hbm>>) dst(%dma_wait3A_191 : memref<128x128xf32, #tpu.memory_space<vmem>>)
    %dma_start3A_197 = arith.constant 0 : i32
    %dma_start3A_198 = arith.constant 0 : i32
    %dma_start3A_199 = tpu.memref_slice %arg13[%dma_start3A_197, %dma_start3A_198] : memref<128x128xf32, #tpu.memory_space<vmem>> -> memref<128x128xf32, #tpu.memory_space<vmem>>
    %dma_start3A_200 = arith.constant 320 : i32
    %dma_start3A_201 = tpu.memref_slice %arg9[%dma_start3A_200] : memref<512xi32, #tpu.memory_space<vmem>> -> memref<128xi32, #tpu.memory_space<vmem>>
    %dma_start3A_202 = arith.constant 0 : i32
    %dma_start3A_203 = arith.constant 0 : i32
    %dma_start3A_204 = tpu.memref_slice %arg4[%dma_start3A_202, %dma_start3A_203] : memref<100000x128xf32, #tpu.memory_space<hbm>> -> memref<100000x128xf32, #tpu.memory_space<hbm>>
    tpu.enqueue_indirect_dma source(%dma_start3A_204 : memref<100000x128xf32, #tpu.memory_space<hbm>>) target(%dma_start3A_199 : memref<128x128xf32, #tpu.memory_space<vmem>>) offsets(%dma_start3A_201 : memref<128xi32, #tpu.memory_space<vmem>>) semaphore(%arg21 : memref<!tpu.dma_semaphore, #tpu.memory_space<semaphore_mem>>) {add = true}
    %dma_wait3A_205 = arith.constant 0 : i32
    %dma_wait3A_206 = arith.constant 0 : i32
    %dma_wait3A_207 = tpu.memref_slice %arg14[%dma_wait3A_205, %dma_wait3A_206] : memref<128x128xf32, #tpu.memory_space<vmem>> -> memref<64x128xf32, #tpu.memory_space<vmem>>
    %dma_wait3A_208 = arith.constant 0 : i32
    %dma_wait3A_209 = tpu.memref_slice %arg7[%add3A_123, %dma_wait3A_208] : memref<16384x128xf32, #tpu.memory_space<hbm>> -> memref<64x128xf32, #tpu.memory_space<hbm>>
    %dma_wait3A_210 = arith.constant 0 : i32
    %dma_wait3A_211 = tpu.memref_slice %arg7[%add3A_123, %dma_wait3A_210] : memref<16384x128xf32, #tpu.memory_space<hbm>> -> memref<64x128xf32, #tpu.memory_space<hbm>>
    %dma_wait3A_212 = arith.constant 0 : i32
    %dma_wait3A_213 = arith.constant 0 : i32
    %dma_wait3A_214 = tpu.memref_slice %arg14[%dma_wait3A_212, %dma_wait3A_213] : memref<128x128xf32, #tpu.memory_space<vmem>> -> memref<64x128xf32, #tpu.memory_space<vmem>>
    tpu.wait_dma2 semaphore(%arg22 : memref<!tpu.dma_semaphore, #tpu.memory_space<semaphore_mem>>) src(%dma_wait3A_214 : memref<64x128xf32, #tpu.memory_space<vmem>>) dst(%dma_wait3A_211 : memref<64x128xf32, #tpu.memory_space<hbm>>)
    %parallel_loop3A_215 = arith.constant 0 : i32
    %parallel_loop3A_216 = arith.constant 128 : i32
    %parallel_loop3A_217 = arith.constant 1 : i32
    scf.for %parallel_loop3A_332 = %parallel_loop3A_215 to %parallel_loop3A_216 step %parallel_loop3A_217  : i32 {
      %parallel_loop3A_333 = arith.index_cast %parallel_loop3A_332 : i32 to index
      %parallel_loop3A_334 = arith.constant 0 : index
      %parallel_loop3A_335 = tpu.vector_load %arg12[%parallel_loop3A_333, %parallel_loop3A_334] {strides = array<i32>} : memref<128x128xf32, #tpu.memory_space<vmem>>, vector<16xf32>,
      %parallel_loop3A_336 = arith.addf %parallel_loop3A_335, %add3A_52 : vector<16xf32>
      %parallel_loop3A_337 = arith.index_cast %parallel_loop3A_332 : i32 to index
      %parallel_loop3A_338 = arith.constant 16 : index
      %parallel_loop3A_339 = tpu.vector_load %arg12[%parallel_loop3A_337, %parallel_loop3A_338] {strides = array<i32>} : memref<128x128xf32, #tpu.memory_space<vmem>>, vector<16xf32>,
      %parallel_loop3A_340 = arith.addf %parallel_loop3A_339, %add3A_57 : vector<16xf32>
      %parallel_loop3A_341 = arith.index_cast %parallel_loop3A_332 : i32 to index
      %parallel_loop3A_342 = arith.constant 32 : index
      %parallel_loop3A_343 = tpu.vector_load %arg12[%parallel_loop3A_341, %parallel_loop3A_342] {strides = array<i32>} : memref<128x128xf32, #tpu.memory_space<vmem>>, vector<16xf32>,
      %parallel_loop3A_344 = arith.addf %parallel_loop3A_343, %add3A_62 : vector<16xf32>
      %parallel_loop3A_345 = arith.index_cast %parallel_loop3A_332 : i32 to index
      %parallel_loop3A_346 = arith.constant 48 : index
      %parallel_loop3A_347 = tpu.vector_load %arg12[%parallel_loop3A_345, %parallel_loop3A_346] {strides = array<i32>} : memref<128x128xf32, #tpu.memory_space<vmem>>, vector<16xf32>,
      %parallel_loop3A_348 = arith.addf %parallel_loop3A_347, %add3A_67 : vector<16xf32>
      %parallel_loop3A_349 = arith.index_cast %parallel_loop3A_332 : i32 to index
      %parallel_loop3A_350 = arith.constant 64 : index
      %parallel_loop3A_351 = tpu.vector_load %arg12[%parallel_loop3A_349, %parallel_loop3A_350] {strides = array<i32>} : memref<128x128xf32, #tpu.memory_space<vmem>>, vector<16xf32>,
      %parallel_loop3A_352 = arith.addf %parallel_loop3A_351, %add3A_72 : vector<16xf32>
      %parallel_loop3A_353 = arith.index_cast %parallel_loop3A_332 : i32 to index
      %parallel_loop3A_354 = arith.constant 80 : index
      %parallel_loop3A_355 = tpu.vector_load %arg12[%parallel_loop3A_353, %parallel_loop3A_354] {strides = array<i32>} : memref<128x128xf32, #tpu.memory_space<vmem>>, vector<16xf32>,
      %parallel_loop3A_356 = arith.addf %parallel_loop3A_355, %add3A_77 : vector<16xf32>
      %parallel_loop3A_357 = arith.index_cast %parallel_loop3A_332 : i32 to index
      %parallel_loop3A_358 = arith.constant 96 : index
      %parallel_loop3A_359 = tpu.vector_load %arg12[%parallel_loop3A_357, %parallel_loop3A_358] {strides = array<i32>} : memref<128x128xf32, #tpu.memory_space<vmem>>, vector<16xf32>,
      %parallel_loop3A_360 = arith.addf %parallel_loop3A_359, %add3A_82 : vector<16xf32>
      %parallel_loop3A_361 = arith.index_cast %parallel_loop3A_332 : i32 to index
      %parallel_loop3A_362 = arith.constant 112 : index
      %parallel_loop3A_363 = tpu.vector_load %arg12[%parallel_loop3A_361, %parallel_loop3A_362] {strides = array<i32>} : memref<128x128xf32, #tpu.memory_space<vmem>>, vector<16xf32>,
      %parallel_loop3A_364 = arith.addf %parallel_loop3A_363, %add3A_87 : vector<16xf32>
      %parallel_loop3A_365 = arith.mulf %parallel_loop3A_336, %parallel_loop3A_336 : vector<16xf32>
      %parallel_loop3A_366 = arith.mulf %parallel_loop3A_340, %parallel_loop3A_340 : vector<16xf32>
      %parallel_loop3A_367 = arith.mulf %parallel_loop3A_344, %parallel_loop3A_344 : vector<16xf32>
      %parallel_loop3A_368 = arith.mulf %parallel_loop3A_348, %parallel_loop3A_348 : vector<16xf32>
      %parallel_loop3A_369 = arith.mulf %parallel_loop3A_352, %parallel_loop3A_352 : vector<16xf32>
      %parallel_loop3A_370 = arith.mulf %parallel_loop3A_356, %parallel_loop3A_356 : vector<16xf32>
      %parallel_loop3A_371 = arith.mulf %parallel_loop3A_360, %parallel_loop3A_360 : vector<16xf32>
      %parallel_loop3A_372 = arith.mulf %parallel_loop3A_364, %parallel_loop3A_364 : vector<16xf32>
      %parallel_loop3A_373 = arith.addf %parallel_loop3A_365, %parallel_loop3A_366 : vector<16xf32>
      %parallel_loop3A_374 = arith.addf %parallel_loop3A_367, %parallel_loop3A_368 : vector<16xf32>
      %parallel_loop3A_375 = arith.addf %parallel_loop3A_369, %parallel_loop3A_370 : vector<16xf32>
      %parallel_loop3A_376 = arith.addf %parallel_loop3A_371, %parallel_loop3A_372 : vector<16xf32>
      %parallel_loop3A_377 = arith.addf %parallel_loop3A_373, %parallel_loop3A_374 : vector<16xf32>
      %parallel_loop3A_378 = arith.addf %parallel_loop3A_375, %parallel_loop3A_376 : vector<16xf32>
      %parallel_loop3A_379 = arith.addf %parallel_loop3A_377, %parallel_loop3A_378 : vector<16xf32>
      %parallel_loop3A_380 = arith.constant true
      %parallel_loop3A_381 = vector.broadcast %parallel_loop3A_380 : i1 to vector<16xi1>
      %parallel_loop3A_382 = tpu.scan <sum>, %parallel_loop3A_379 masked %parallel_loop3A_381 : vector<16xf32>, vector<16xi1> -> vector<16xf32>
      %parallel_loop3A_383 = vector.extract %parallel_loop3A_382[15] : f32 from vector<16xf32>
      %parallel_loop3A_384 = vector.broadcast %parallel_loop3A_383 : f32 to vector<16xf32>
      %parallel_loop3A_385 = vector.bitcast %parallel_loop3A_384 : vector<16xf32> to vector<16xi32>
      %parallel_loop3A_386 = arith.constant 1 : i32
      %parallel_loop3A_387 = vector.broadcast %parallel_loop3A_386 : i32 to vector<16xi32>
      %parallel_loop3A_388 = arith.shrsi %parallel_loop3A_385, %parallel_loop3A_387 : vector<16xi32>
      %parallel_loop3A_389 = arith.constant 1597463007 : i32
      %parallel_loop3A_390 = vector.broadcast %parallel_loop3A_389 : i32 to vector<16xi32>
      %parallel_loop3A_391 = arith.subi %parallel_loop3A_390, %parallel_loop3A_388 : vector<16xi32>
      %parallel_loop3A_392 = vector.bitcast %parallel_loop3A_391 : vector<16xi32> to vector<16xf32>
      %parallel_loop3A_393 = arith.constant 5.000000e-01 : f32
      %parallel_loop3A_394 = vector.broadcast %parallel_loop3A_393 : f32 to vector<16xf32>
      %parallel_loop3A_395 = arith.mulf %parallel_loop3A_394, %parallel_loop3A_384 : vector<16xf32>
      %parallel_loop3A_396 = arith.mulf %parallel_loop3A_395, %parallel_loop3A_392 : vector<16xf32>
      %parallel_loop3A_397 = arith.mulf %parallel_loop3A_396, %parallel_loop3A_392 : vector<16xf32>
      %parallel_loop3A_398 = arith.constant 1.500000e+00 : f32
      %parallel_loop3A_399 = vector.broadcast %parallel_loop3A_398 : f32 to vector<16xf32>
      %parallel_loop3A_400 = arith.subf %parallel_loop3A_399, %parallel_loop3A_397 : vector<16xf32>
      %parallel_loop3A_401 = arith.mulf %parallel_loop3A_392, %parallel_loop3A_400 : vector<16xf32>
      %parallel_loop3A_402 = arith.mulf %parallel_loop3A_395, %parallel_loop3A_401 : vector<16xf32>
      %parallel_loop3A_403 = arith.mulf %parallel_loop3A_402, %parallel_loop3A_401 : vector<16xf32>
      %parallel_loop3A_404 = arith.constant 1.500000e+00 : f32
      %parallel_loop3A_405 = vector.broadcast %parallel_loop3A_404 : f32 to vector<16xf32>
      %parallel_loop3A_406 = arith.subf %parallel_loop3A_405, %parallel_loop3A_403 : vector<16xf32>
      %parallel_loop3A_407 = arith.mulf %parallel_loop3A_401, %parallel_loop3A_406 : vector<16xf32>
      %parallel_loop3A_408 = arith.constant 9.99999995E+11 : f32
      %parallel_loop3A_409 = vector.broadcast %parallel_loop3A_408 : f32 to vector<16xf32>
      %parallel_loop3A_410 = arith.minimumf %parallel_loop3A_407, %parallel_loop3A_409 : vector<16xf32>
      %parallel_loop3A_411 = arith.mulf %parallel_loop3A_336, %parallel_loop3A_410 : vector<16xf32>
      %parallel_loop3A_412 = arith.index_cast %parallel_loop3A_332 : i32 to index
      %parallel_loop3A_413 = arith.constant 0 : index
      %parallel_loop3A_414 = tpu.vector_load %arg14[%parallel_loop3A_412, %parallel_loop3A_413] {strides = array<i32>} : memref<128x128xf32, #tpu.memory_space<vmem>>, vector<16xf32>,
      tpu.vector_store %arg14[%parallel_loop3A_412, %parallel_loop3A_413], %parallel_loop3A_411 {strides = array<i32>} : memref<128x128xf32, #tpu.memory_space<vmem>>, vector<16xf32>,
      %parallel_loop3A_415 = arith.mulf %parallel_loop3A_340, %parallel_loop3A_410 : vector<16xf32>
      %parallel_loop3A_416 = arith.index_cast %parallel_loop3A_332 : i32 to index
      %parallel_loop3A_417 = arith.constant 16 : index
      %parallel_loop3A_418 = tpu.vector_load %arg14[%parallel_loop3A_416, %parallel_loop3A_417] {strides = array<i32>} : memref<128x128xf32, #tpu.memory_space<vmem>>, vector<16xf32>,
      tpu.vector_store %arg14[%parallel_loop3A_416, %parallel_loop3A_417], %parallel_loop3A_415 {strides = array<i32>} : memref<128x128xf32, #tpu.memory_space<vmem>>, vector<16xf32>,
      %parallel_loop3A_419 = arith.mulf %parallel_loop3A_344, %parallel_loop3A_410 : vector<16xf32>
      %parallel_loop3A_420 = arith.index_cast %parallel_loop3A_332 : i32 to index
      %parallel_loop3A_421 = arith.constant 32 : index
      %parallel_loop3A_422 = tpu.vector_load %arg14[%parallel_loop3A_420, %parallel_loop3A_421] {strides = array<i32>} : memref<128x128xf32, #tpu.memory_space<vmem>>, vector<16xf32>,
      tpu.vector_store %arg14[%parallel_loop3A_420, %parallel_loop3A_421], %parallel_loop3A_419 {strides = array<i32>} : memref<128x128xf32, #tpu.memory_space<vmem>>, vector<16xf32>,
      %parallel_loop3A_423 = arith.mulf %parallel_loop3A_348, %parallel_loop3A_410 : vector<16xf32>
      %parallel_loop3A_424 = arith.index_cast %parallel_loop3A_332 : i32 to index
      %parallel_loop3A_425 = arith.constant 48 : index
      %parallel_loop3A_426 = tpu.vector_load %arg14[%parallel_loop3A_424, %parallel_loop3A_425] {strides = array<i32>} : memref<128x128xf32, #tpu.memory_space<vmem>>, vector<16xf32>,
      tpu.vector_store %arg14[%parallel_loop3A_424, %parallel_loop3A_425], %parallel_loop3A_423 {strides = array<i32>} : memref<128x128xf32, #tpu.memory_space<vmem>>, vector<16xf32>,
      %parallel_loop3A_427 = arith.mulf %parallel_loop3A_352, %parallel_loop3A_410 : vector<16xf32>
      %parallel_loop3A_428 = arith.index_cast %parallel_loop3A_332 : i32 to index
      %parallel_loop3A_429 = arith.constant 64 : index
      %parallel_loop3A_430 = tpu.vector_load %arg14[%parallel_loop3A_428, %parallel_loop3A_429] {strides = array<i32>} : memref<128x128xf32, #tpu.memory_space<vmem>>, vector<16xf32>,
      tpu.vector_store %arg14[%parallel_loop3A_428, %parallel_loop3A_429], %parallel_loop3A_427 {strides = array<i32>} : memref<128x128xf32, #tpu.memory_space<vmem>>, vector<16xf32>,
      %parallel_loop3A_431 = arith.mulf %parallel_loop3A_356, %parallel_loop3A_410 : vector<16xf32>
      %parallel_loop3A_432 = arith.index_cast %parallel_loop3A_332 : i32 to index
      %parallel_loop3A_433 = arith.constant 80 : index
      %parallel_loop3A_434 = tpu.vector_load %arg14[%parallel_loop3A_432, %parallel_loop3A_433] {strides = array<i32>} : memref<128x128xf32, #tpu.memory_space<vmem>>, vector<16xf32>,
      tpu.vector_store %arg14[%parallel_loop3A_432, %parallel_loop3A_433], %parallel_loop3A_431 {strides = array<i32>} : memref<128x128xf32, #tpu.memory_space<vmem>>, vector<16xf32>,
      %parallel_loop3A_435 = arith.mulf %parallel_loop3A_360, %parallel_loop3A_410 : vector<16xf32>
      %parallel_loop3A_436 = arith.index_cast %parallel_loop3A_332 : i32 to index
      %parallel_loop3A_437 = arith.constant 96 : index
      %parallel_loop3A_438 = tpu.vector_load %arg14[%parallel_loop3A_436, %parallel_loop3A_437] {strides = array<i32>} : memref<128x128xf32, #tpu.memory_space<vmem>>, vector<16xf32>,
      tpu.vector_store %arg14[%parallel_loop3A_436, %parallel_loop3A_437], %parallel_loop3A_435 {strides = array<i32>} : memref<128x128xf32, #tpu.memory_space<vmem>>, vector<16xf32>,
      %parallel_loop3A_439 = arith.mulf %parallel_loop3A_364, %parallel_loop3A_410 : vector<16xf32>
      %parallel_loop3A_440 = arith.index_cast %parallel_loop3A_332 : i32 to index
      %parallel_loop3A_441 = arith.constant 112 : index
      %parallel_loop3A_442 = tpu.vector_load %arg14[%parallel_loop3A_440, %parallel_loop3A_441] {strides = array<i32>} : memref<128x128xf32, #tpu.memory_space<vmem>>, vector<16xf32>,
      tpu.vector_store %arg14[%parallel_loop3A_440, %parallel_loop3A_441], %parallel_loop3A_439 {strides = array<i32>} : memref<128x128xf32, #tpu.memory_space<vmem>>, vector<16xf32>,
    } {sc.loop_unroll_factor = 4 : i64, sc.parallel_access}
    %add3A_218 = arith.constant 192 : i32
    %add3A_219 = arith.addi %mul3A_2, %add3A_218 : i32
    %dma_start3A_220 = arith.constant 0 : i32
    %dma_start3A_221 = arith.constant 0 : i32
    %dma_start3A_222 = tpu.memref_slice %arg14[%dma_start3A_220, %dma_start3A_221] : memref<128x128xf32, #tpu.memory_space<vmem>> -> memref<128x128xf32, #tpu.memory_space<vmem>>
    %dma_start3A_223 = arith.constant 0 : i32
    %dma_start3A_224 = tpu.memref_slice %arg7[%add3A_219, %dma_start3A_223] : memref<16384x128xf32, #tpu.memory_space<hbm>> -> memref<128x128xf32, #tpu.memory_space<hbm>>
    %dma_start3A_225 = arith.constant 0 : i32
    %dma_start3A_226 = tpu.memref_slice %arg7[%add3A_219, %dma_start3A_225] : memref<16384x128xf32, #tpu.memory_space<hbm>> -> memref<128x128xf32, #tpu.memory_space<hbm>>
    %dma_start3A_227 = arith.constant 0 : i32
    %dma_start3A_228 = arith.constant 0 : i32
    %dma_start3A_229 = tpu.memref_slice %arg14[%dma_start3A_227, %dma_start3A_228] : memref<128x128xf32, #tpu.memory_space<vmem>> -> memref<128x128xf32, #tpu.memory_space<vmem>>
    tpu.enqueue_dma source(%dma_start3A_229 : memref<128x128xf32, #tpu.memory_space<vmem>>) target(%dma_start3A_226 : memref<128x128xf32, #tpu.memory_space<hbm>>) target_semaphore(%arg22 : memref<!tpu.dma_semaphore, #tpu.memory_space<semaphore_mem>>)
    %dma_wait3A_230 = arith.constant 0 : i32
    %dma_wait3A_231 = arith.constant 0 : i32
    %dma_wait3A_232 = tpu.memref_slice %arg13[%dma_wait3A_230, %dma_wait3A_231] : memref<128x128xf32, #tpu.memory_space<vmem>> -> memref<128x128xf32, #tpu.memory_space<vmem>>
    %dma_wait3A_233 = arith.constant 320 : i32
    %dma_wait3A_234 = tpu.memref_slice %arg9[%dma_wait3A_233] : memref<512xi32, #tpu.memory_space<vmem>> -> memref<128xi32, #tpu.memory_space<vmem>>
    %dma_wait3A_235 = arith.constant 0 : i32
    %dma_wait3A_236 = arith.constant 0 : i32
    %dma_wait3A_237 = tpu.memref_slice %arg4[%dma_wait3A_235, %dma_wait3A_236] : memref<100000x128xf32, #tpu.memory_space<hbm>> -> memref<100000x128xf32, #tpu.memory_space<hbm>>
    tpu.wait_indirect_dma semaphore(%arg21 : memref<!tpu.dma_semaphore, #tpu.memory_space<semaphore_mem>>) src(%dma_wait3A_237 : memref<100000x128xf32, #tpu.memory_space<hbm>>) dst(%dma_wait3A_232 : memref<128x128xf32, #tpu.memory_space<vmem>>)
    %dma_wait3A_238 = arith.constant 0 : i32
    %dma_wait3A_239 = arith.constant 0 : i32
    %dma_wait3A_240 = tpu.memref_slice %arg10[%dma_wait3A_238, %dma_wait3A_239] : memref<128x128xf32, #tpu.memory_space<vmem>> -> memref<64x128xf32, #tpu.memory_space<vmem>>
    %dma_wait3A_241 = arith.constant 448 : i32
    %dma_wait3A_242 = tpu.memref_slice %arg8[%dma_wait3A_241] : memref<512xi32, #tpu.memory_space<vmem>> -> memref<64xi32, #tpu.memory_space<vmem>>
    %dma_wait3A_243 = arith.constant 0 : i32
    %dma_wait3A_244 = arith.constant 0 : i32
    %dma_wait3A_245 = tpu.memref_slice %arg4[%dma_wait3A_243, %dma_wait3A_244] : memref<100000x128xf32, #tpu.memory_space<hbm>> -> memref<100000x128xf32, #tpu.memory_space<hbm>>
    tpu.wait_indirect_dma semaphore(%arg18 : memref<!tpu.dma_semaphore, #tpu.memory_space<semaphore_mem>>) src(%dma_wait3A_245 : memref<100000x128xf32, #tpu.memory_space<hbm>>) dst(%dma_wait3A_240 : memref<64x128xf32, #tpu.memory_space<vmem>>)
    %dma_start3A_246 = arith.constant 0 : i32
    %dma_start3A_247 = arith.constant 0 : i32
    %dma_start3A_248 = tpu.memref_slice %arg10[%dma_start3A_246, %dma_start3A_247] : memref<128x128xf32, #tpu.memory_space<vmem>> -> memref<64x128xf32, #tpu.memory_space<vmem>>
    %dma_start3A_249 = arith.constant 448 : i32
    %dma_start3A_250 = tpu.memref_slice %arg9[%dma_start3A_249] : memref<512xi32, #tpu.memory_space<vmem>> -> memref<64xi32, #tpu.memory_space<vmem>>
    %dma_start3A_251 = arith.constant 0 : i32
    %dma_start3A_252 = arith.constant 0 : i32
    %dma_start3A_253 = tpu.memref_slice %arg4[%dma_start3A_251, %dma_start3A_252] : memref<100000x128xf32, #tpu.memory_space<hbm>> -> memref<100000x128xf32, #tpu.memory_space<hbm>>
    tpu.enqueue_indirect_dma source(%dma_start3A_253 : memref<100000x128xf32, #tpu.memory_space<hbm>>) target(%dma_start3A_248 : memref<64x128xf32, #tpu.memory_space<vmem>>) offsets(%dma_start3A_250 : memref<64xi32, #tpu.memory_space<vmem>>) semaphore(%arg18 : memref<!tpu.dma_semaphore, #tpu.memory_space<semaphore_mem>>) {add = true}
    %dma_wait3A_254 = arith.constant 0 : i32
    %dma_wait3A_255 = arith.constant 0 : i32
    %dma_wait3A_256 = tpu.memref_slice %arg15[%dma_wait3A_254, %dma_wait3A_255] : memref<128x128xf32, #tpu.memory_space<vmem>> -> memref<128x128xf32, #tpu.memory_space<vmem>>
    %dma_wait3A_257 = arith.constant 0 : i32
    %dma_wait3A_258 = tpu.memref_slice %arg7[%add3A_170, %dma_wait3A_257] : memref<16384x128xf32, #tpu.memory_space<hbm>> -> memref<128x128xf32, #tpu.memory_space<hbm>>
    %dma_wait3A_259 = arith.constant 0 : i32
    %dma_wait3A_260 = tpu.memref_slice %arg7[%add3A_170, %dma_wait3A_259] : memref<16384x128xf32, #tpu.memory_space<hbm>> -> memref<128x128xf32, #tpu.memory_space<hbm>>
    %dma_wait3A_261 = arith.constant 0 : i32
    %dma_wait3A_262 = arith.constant 0 : i32
    %dma_wait3A_263 = tpu.memref_slice %arg15[%dma_wait3A_261, %dma_wait3A_262] : memref<128x128xf32, #tpu.memory_space<vmem>> -> memref<128x128xf32, #tpu.memory_space<vmem>>
    tpu.wait_dma2 semaphore(%arg23 : memref<!tpu.dma_semaphore, #tpu.memory_space<semaphore_mem>>) src(%dma_wait3A_263 : memref<128x128xf32, #tpu.memory_space<vmem>>) dst(%dma_wait3A_260 : memref<128x128xf32, #tpu.memory_space<hbm>>)
    %parallel_loop3A_264 = arith.constant 0 : i32
    %parallel_loop3A_265 = arith.constant 128 : i32
    %parallel_loop3A_266 = arith.constant 1 : i32
    scf.for %parallel_loop3A_332 = %parallel_loop3A_264 to %parallel_loop3A_265 step %parallel_loop3A_266  : i32 {
      %parallel_loop3A_333 = arith.index_cast %parallel_loop3A_332 : i32 to index
      %parallel_loop3A_334 = arith.constant 0 : index
      %parallel_loop3A_335 = tpu.vector_load %arg13[%parallel_loop3A_333, %parallel_loop3A_334] {strides = array<i32>} : memref<128x128xf32, #tpu.memory_space<vmem>>, vector<16xf32>,
      %parallel_loop3A_336 = arith.addf %parallel_loop3A_335, %add3A_52 : vector<16xf32>
      %parallel_loop3A_337 = arith.index_cast %parallel_loop3A_332 : i32 to index
      %parallel_loop3A_338 = arith.constant 16 : index
      %parallel_loop3A_339 = tpu.vector_load %arg13[%parallel_loop3A_337, %parallel_loop3A_338] {strides = array<i32>} : memref<128x128xf32, #tpu.memory_space<vmem>>, vector<16xf32>,
      %parallel_loop3A_340 = arith.addf %parallel_loop3A_339, %add3A_57 : vector<16xf32>
      %parallel_loop3A_341 = arith.index_cast %parallel_loop3A_332 : i32 to index
      %parallel_loop3A_342 = arith.constant 32 : index
      %parallel_loop3A_343 = tpu.vector_load %arg13[%parallel_loop3A_341, %parallel_loop3A_342] {strides = array<i32>} : memref<128x128xf32, #tpu.memory_space<vmem>>, vector<16xf32>,
      %parallel_loop3A_344 = arith.addf %parallel_loop3A_343, %add3A_62 : vector<16xf32>
      %parallel_loop3A_345 = arith.index_cast %parallel_loop3A_332 : i32 to index
      %parallel_loop3A_346 = arith.constant 48 : index
      %parallel_loop3A_347 = tpu.vector_load %arg13[%parallel_loop3A_345, %parallel_loop3A_346] {strides = array<i32>} : memref<128x128xf32, #tpu.memory_space<vmem>>, vector<16xf32>,
      %parallel_loop3A_348 = arith.addf %parallel_loop3A_347, %add3A_67 : vector<16xf32>
      %parallel_loop3A_349 = arith.index_cast %parallel_loop3A_332 : i32 to index
      %parallel_loop3A_350 = arith.constant 64 : index
      %parallel_loop3A_351 = tpu.vector_load %arg13[%parallel_loop3A_349, %parallel_loop3A_350] {strides = array<i32>} : memref<128x128xf32, #tpu.memory_space<vmem>>, vector<16xf32>,
      %parallel_loop3A_352 = arith.addf %parallel_loop3A_351, %add3A_72 : vector<16xf32>
      %parallel_loop3A_353 = arith.index_cast %parallel_loop3A_332 : i32 to index
      %parallel_loop3A_354 = arith.constant 80 : index
      %parallel_loop3A_355 = tpu.vector_load %arg13[%parallel_loop3A_353, %parallel_loop3A_354] {strides = array<i32>} : memref<128x128xf32, #tpu.memory_space<vmem>>, vector<16xf32>,
      %parallel_loop3A_356 = arith.addf %parallel_loop3A_355, %add3A_77 : vector<16xf32>
      %parallel_loop3A_357 = arith.index_cast %parallel_loop3A_332 : i32 to index
      %parallel_loop3A_358 = arith.constant 96 : index
      %parallel_loop3A_359 = tpu.vector_load %arg13[%parallel_loop3A_357, %parallel_loop3A_358] {strides = array<i32>} : memref<128x128xf32, #tpu.memory_space<vmem>>, vector<16xf32>,
      %parallel_loop3A_360 = arith.addf %parallel_loop3A_359, %add3A_82 : vector<16xf32>
      %parallel_loop3A_361 = arith.index_cast %parallel_loop3A_332 : i32 to index
      %parallel_loop3A_362 = arith.constant 112 : index
      %parallel_loop3A_363 = tpu.vector_load %arg13[%parallel_loop3A_361, %parallel_loop3A_362] {strides = array<i32>} : memref<128x128xf32, #tpu.memory_space<vmem>>, vector<16xf32>,
      %parallel_loop3A_364 = arith.addf %parallel_loop3A_363, %add3A_87 : vector<16xf32>
      %parallel_loop3A_365 = arith.mulf %parallel_loop3A_336, %parallel_loop3A_336 : vector<16xf32>
      %parallel_loop3A_366 = arith.mulf %parallel_loop3A_340, %parallel_loop3A_340 : vector<16xf32>
      %parallel_loop3A_367 = arith.mulf %parallel_loop3A_344, %parallel_loop3A_344 : vector<16xf32>
      %parallel_loop3A_368 = arith.mulf %parallel_loop3A_348, %parallel_loop3A_348 : vector<16xf32>
      %parallel_loop3A_369 = arith.mulf %parallel_loop3A_352, %parallel_loop3A_352 : vector<16xf32>
      %parallel_loop3A_370 = arith.mulf %parallel_loop3A_356, %parallel_loop3A_356 : vector<16xf32>
      %parallel_loop3A_371 = arith.mulf %parallel_loop3A_360, %parallel_loop3A_360 : vector<16xf32>
      %parallel_loop3A_372 = arith.mulf %parallel_loop3A_364, %parallel_loop3A_364 : vector<16xf32>
      %parallel_loop3A_373 = arith.addf %parallel_loop3A_365, %parallel_loop3A_366 : vector<16xf32>
      %parallel_loop3A_374 = arith.addf %parallel_loop3A_367, %parallel_loop3A_368 : vector<16xf32>
      %parallel_loop3A_375 = arith.addf %parallel_loop3A_369, %parallel_loop3A_370 : vector<16xf32>
      %parallel_loop3A_376 = arith.addf %parallel_loop3A_371, %parallel_loop3A_372 : vector<16xf32>
      %parallel_loop3A_377 = arith.addf %parallel_loop3A_373, %parallel_loop3A_374 : vector<16xf32>
      %parallel_loop3A_378 = arith.addf %parallel_loop3A_375, %parallel_loop3A_376 : vector<16xf32>
      %parallel_loop3A_379 = arith.addf %parallel_loop3A_377, %parallel_loop3A_378 : vector<16xf32>
      %parallel_loop3A_380 = arith.constant true
      %parallel_loop3A_381 = vector.broadcast %parallel_loop3A_380 : i1 to vector<16xi1>
      %parallel_loop3A_382 = tpu.scan <sum>, %parallel_loop3A_379 masked %parallel_loop3A_381 : vector<16xf32>, vector<16xi1> -> vector<16xf32>
      %parallel_loop3A_383 = vector.extract %parallel_loop3A_382[15] : f32 from vector<16xf32>
      %parallel_loop3A_384 = vector.broadcast %parallel_loop3A_383 : f32 to vector<16xf32>
      %parallel_loop3A_385 = vector.bitcast %parallel_loop3A_384 : vector<16xf32> to vector<16xi32>
      %parallel_loop3A_386 = arith.constant 1 : i32
      %parallel_loop3A_387 = vector.broadcast %parallel_loop3A_386 : i32 to vector<16xi32>
      %parallel_loop3A_388 = arith.shrsi %parallel_loop3A_385, %parallel_loop3A_387 : vector<16xi32>
      %parallel_loop3A_389 = arith.constant 1597463007 : i32
      %parallel_loop3A_390 = vector.broadcast %parallel_loop3A_389 : i32 to vector<16xi32>
      %parallel_loop3A_391 = arith.subi %parallel_loop3A_390, %parallel_loop3A_388 : vector<16xi32>
      %parallel_loop3A_392 = vector.bitcast %parallel_loop3A_391 : vector<16xi32> to vector<16xf32>
      %parallel_loop3A_393 = arith.constant 5.000000e-01 : f32
      %parallel_loop3A_394 = vector.broadcast %parallel_loop3A_393 : f32 to vector<16xf32>
      %parallel_loop3A_395 = arith.mulf %parallel_loop3A_394, %parallel_loop3A_384 : vector<16xf32>
      %parallel_loop3A_396 = arith.mulf %parallel_loop3A_395, %parallel_loop3A_392 : vector<16xf32>
      %parallel_loop3A_397 = arith.mulf %parallel_loop3A_396, %parallel_loop3A_392 : vector<16xf32>
      %parallel_loop3A_398 = arith.constant 1.500000e+00 : f32
      %parallel_loop3A_399 = vector.broadcast %parallel_loop3A_398 : f32 to vector<16xf32>
      %parallel_loop3A_400 = arith.subf %parallel_loop3A_399, %parallel_loop3A_397 : vector<16xf32>
      %parallel_loop3A_401 = arith.mulf %parallel_loop3A_392, %parallel_loop3A_400 : vector<16xf32>
      %parallel_loop3A_402 = arith.mulf %parallel_loop3A_395, %parallel_loop3A_401 : vector<16xf32>
      %parallel_loop3A_403 = arith.mulf %parallel_loop3A_402, %parallel_loop3A_401 : vector<16xf32>
      %parallel_loop3A_404 = arith.constant 1.500000e+00 : f32
      %parallel_loop3A_405 = vector.broadcast %parallel_loop3A_404 : f32 to vector<16xf32>
      %parallel_loop3A_406 = arith.subf %parallel_loop3A_405, %parallel_loop3A_403 : vector<16xf32>
      %parallel_loop3A_407 = arith.mulf %parallel_loop3A_401, %parallel_loop3A_406 : vector<16xf32>
      %parallel_loop3A_408 = arith.constant 9.99999995E+11 : f32
      %parallel_loop3A_409 = vector.broadcast %parallel_loop3A_408 : f32 to vector<16xf32>
      %parallel_loop3A_410 = arith.minimumf %parallel_loop3A_407, %parallel_loop3A_409 : vector<16xf32>
      %parallel_loop3A_411 = arith.mulf %parallel_loop3A_336, %parallel_loop3A_410 : vector<16xf32>
      %parallel_loop3A_412 = arith.index_cast %parallel_loop3A_332 : i32 to index
      %parallel_loop3A_413 = arith.constant 0 : index
      %parallel_loop3A_414 = tpu.vector_load %arg15[%parallel_loop3A_412, %parallel_loop3A_413] {strides = array<i32>} : memref<128x128xf32, #tpu.memory_space<vmem>>, vector<16xf32>,
      tpu.vector_store %arg15[%parallel_loop3A_412, %parallel_loop3A_413], %parallel_loop3A_411 {strides = array<i32>} : memref<128x128xf32, #tpu.memory_space<vmem>>, vector<16xf32>,
      %parallel_loop3A_415 = arith.mulf %parallel_loop3A_340, %parallel_loop3A_410 : vector<16xf32>
      %parallel_loop3A_416 = arith.index_cast %parallel_loop3A_332 : i32 to index
      %parallel_loop3A_417 = arith.constant 16 : index
      %parallel_loop3A_418 = tpu.vector_load %arg15[%parallel_loop3A_416, %parallel_loop3A_417] {strides = array<i32>} : memref<128x128xf32, #tpu.memory_space<vmem>>, vector<16xf32>,
      tpu.vector_store %arg15[%parallel_loop3A_416, %parallel_loop3A_417], %parallel_loop3A_415 {strides = array<i32>} : memref<128x128xf32, #tpu.memory_space<vmem>>, vector<16xf32>,
      %parallel_loop3A_419 = arith.mulf %parallel_loop3A_344, %parallel_loop3A_410 : vector<16xf32>
      %parallel_loop3A_420 = arith.index_cast %parallel_loop3A_332 : i32 to index
      %parallel_loop3A_421 = arith.constant 32 : index
      %parallel_loop3A_422 = tpu.vector_load %arg15[%parallel_loop3A_420, %parallel_loop3A_421] {strides = array<i32>} : memref<128x128xf32, #tpu.memory_space<vmem>>, vector<16xf32>,
      tpu.vector_store %arg15[%parallel_loop3A_420, %parallel_loop3A_421], %parallel_loop3A_419 {strides = array<i32>} : memref<128x128xf32, #tpu.memory_space<vmem>>, vector<16xf32>,
      %parallel_loop3A_423 = arith.mulf %parallel_loop3A_348, %parallel_loop3A_410 : vector<16xf32>
      %parallel_loop3A_424 = arith.index_cast %parallel_loop3A_332 : i32 to index
      %parallel_loop3A_425 = arith.constant 48 : index
      %parallel_loop3A_426 = tpu.vector_load %arg15[%parallel_loop3A_424, %parallel_loop3A_425] {strides = array<i32>} : memref<128x128xf32, #tpu.memory_space<vmem>>, vector<16xf32>,
      tpu.vector_store %arg15[%parallel_loop3A_424, %parallel_loop3A_425], %parallel_loop3A_423 {strides = array<i32>} : memref<128x128xf32, #tpu.memory_space<vmem>>, vector<16xf32>,
      %parallel_loop3A_427 = arith.mulf %parallel_loop3A_352, %parallel_loop3A_410 : vector<16xf32>
      %parallel_loop3A_428 = arith.index_cast %parallel_loop3A_332 : i32 to index
      %parallel_loop3A_429 = arith.constant 64 : index
      %parallel_loop3A_430 = tpu.vector_load %arg15[%parallel_loop3A_428, %parallel_loop3A_429] {strides = array<i32>} : memref<128x128xf32, #tpu.memory_space<vmem>>, vector<16xf32>,
      tpu.vector_store %arg15[%parallel_loop3A_428, %parallel_loop3A_429], %parallel_loop3A_427 {strides = array<i32>} : memref<128x128xf32, #tpu.memory_space<vmem>>, vector<16xf32>,
      %parallel_loop3A_431 = arith.mulf %parallel_loop3A_356, %parallel_loop3A_410 : vector<16xf32>
      %parallel_loop3A_432 = arith.index_cast %parallel_loop3A_332 : i32 to index
      %parallel_loop3A_433 = arith.constant 80 : index
      %parallel_loop3A_434 = tpu.vector_load %arg15[%parallel_loop3A_432, %parallel_loop3A_433] {strides = array<i32>} : memref<128x128xf32, #tpu.memory_space<vmem>>, vector<16xf32>,
      tpu.vector_store %arg15[%parallel_loop3A_432, %parallel_loop3A_433], %parallel_loop3A_431 {strides = array<i32>} : memref<128x128xf32, #tpu.memory_space<vmem>>, vector<16xf32>,
      %parallel_loop3A_435 = arith.mulf %parallel_loop3A_360, %parallel_loop3A_410 : vector<16xf32>
      %parallel_loop3A_436 = arith.index_cast %parallel_loop3A_332 : i32 to index
      %parallel_loop3A_437 = arith.constant 96 : index
      %parallel_loop3A_438 = tpu.vector_load %arg15[%parallel_loop3A_436, %parallel_loop3A_437] {strides = array<i32>} : memref<128x128xf32, #tpu.memory_space<vmem>>, vector<16xf32>,
      tpu.vector_store %arg15[%parallel_loop3A_436, %parallel_loop3A_437], %parallel_loop3A_435 {strides = array<i32>} : memref<128x128xf32, #tpu.memory_space<vmem>>, vector<16xf32>,
      %parallel_loop3A_439 = arith.mulf %parallel_loop3A_364, %parallel_loop3A_410 : vector<16xf32>
      %parallel_loop3A_440 = arith.index_cast %parallel_loop3A_332 : i32 to index
      %parallel_loop3A_441 = arith.constant 112 : index
      %parallel_loop3A_442 = tpu.vector_load %arg15[%parallel_loop3A_440, %parallel_loop3A_441] {strides = array<i32>} : memref<128x128xf32, #tpu.memory_space<vmem>>, vector<16xf32>,
      tpu.vector_store %arg15[%parallel_loop3A_440, %parallel_loop3A_441], %parallel_loop3A_439 {strides = array<i32>} : memref<128x128xf32, #tpu.memory_space<vmem>>, vector<16xf32>,
    } {sc.loop_unroll_factor = 4 : i64, sc.parallel_access}
    %add3A_267 = arith.constant 320 : i32
    %add3A_268 = arith.addi %mul3A_2, %add3A_267 : i32
    %dma_start3A_269 = arith.constant 0 : i32
    %dma_start3A_270 = arith.constant 0 : i32
    %dma_start3A_271 = tpu.memref_slice %arg15[%dma_start3A_269, %dma_start3A_270] : memref<128x128xf32, #tpu.memory_space<vmem>> -> memref<128x128xf32, #tpu.memory_space<vmem>>
    %dma_start3A_272 = arith.constant 0 : i32
    %dma_start3A_273 = tpu.memref_slice %arg7[%add3A_268, %dma_start3A_272] : memref<16384x128xf32, #tpu.memory_space<hbm>> -> memref<128x128xf32, #tpu.memory_space<hbm>>
    %dma_start3A_274 = arith.constant 0 : i32
    %dma_start3A_275 = tpu.memref_slice %arg7[%add3A_268, %dma_start3A_274] : memref<16384x128xf32, #tpu.memory_space<hbm>> -> memref<128x128xf32, #tpu.memory_space<hbm>>
    %dma_start3A_276 = arith.constant 0 : i32
    %dma_start3A_277 = arith.constant 0 : i32
    %dma_start3A_278 = tpu.memref_slice %arg15[%dma_start3A_276, %dma_start3A_277] : memref<128x128xf32, #tpu.memory_space<vmem>> -> memref<128x128xf32, #tpu.memory_space<vmem>>
    tpu.enqueue_dma source(%dma_start3A_278 : memref<128x128xf32, #tpu.memory_space<vmem>>) target(%dma_start3A_275 : memref<128x128xf32, #tpu.memory_space<hbm>>) target_semaphore(%arg23 : memref<!tpu.dma_semaphore, #tpu.memory_space<semaphore_mem>>)
    %dma_wait3A_279 = arith.constant 0 : i32
    %dma_wait3A_280 = arith.constant 0 : i32
    %dma_wait3A_281 = tpu.memref_slice %arg10[%dma_wait3A_279, %dma_wait3A_280] : memref<128x128xf32, #tpu.memory_space<vmem>> -> memref<64x128xf32, #tpu.memory_space<vmem>>
    %dma_wait3A_282 = arith.constant 448 : i32
    %dma_wait3A_283 = tpu.memref_slice %arg9[%dma_wait3A_282] : memref<512xi32, #tpu.memory_space<vmem>> -> memref<64xi32, #tpu.memory_space<vmem>>
    %dma_wait3A_284 = arith.constant 0 : i32
    %dma_wait3A_285 = arith.constant 0 : i32
    %dma_wait3A_286 = tpu.memref_slice %arg4[%dma_wait3A_284, %dma_wait3A_285] : memref<100000x128xf32, #tpu.memory_space<hbm>> -> memref<100000x128xf32, #tpu.memory_space<hbm>>
    tpu.wait_indirect_dma semaphore(%arg18 : memref<!tpu.dma_semaphore, #tpu.memory_space<semaphore_mem>>) src(%dma_wait3A_286 : memref<100000x128xf32, #tpu.memory_space<hbm>>) dst(%dma_wait3A_281 : memref<64x128xf32, #tpu.memory_space<vmem>>)
    %dma_wait3A_287 = arith.constant 0 : i32
    %dma_wait3A_288 = arith.constant 0 : i32
    %dma_wait3A_289 = tpu.memref_slice %arg14[%dma_wait3A_287, %dma_wait3A_288] : memref<128x128xf32, #tpu.memory_space<vmem>> -> memref<128x128xf32, #tpu.memory_space<vmem>>
    %dma_wait3A_290 = arith.constant 0 : i32
    %dma_wait3A_291 = tpu.memref_slice %arg7[%add3A_219, %dma_wait3A_290] : memref<16384x128xf32, #tpu.memory_space<hbm>> -> memref<128x128xf32, #tpu.memory_space<hbm>>
    %dma_wait3A_292 = arith.constant 0 : i32
    %dma_wait3A_293 = tpu.memref_slice %arg7[%add3A_219, %dma_wait3A_292] : memref<16384x128xf32, #tpu.memory_space<hbm>> -> memref<128x128xf32, #tpu.memory_space<hbm>>
    %dma_wait3A_294 = arith.constant 0 : i32
    %dma_wait3A_295 = arith.constant 0 : i32
    %dma_wait3A_296 = tpu.memref_slice %arg14[%dma_wait3A_294, %dma_wait3A_295] : memref<128x128xf32, #tpu.memory_space<vmem>> -> memref<128x128xf32, #tpu.memory_space<vmem>>
    tpu.wait_dma2 semaphore(%arg22 : memref<!tpu.dma_semaphore, #tpu.memory_space<semaphore_mem>>) src(%dma_wait3A_296 : memref<128x128xf32, #tpu.memory_space<vmem>>) dst(%dma_wait3A_293 : memref<128x128xf32, #tpu.memory_space<hbm>>)
    %parallel_loop3A_297 = arith.constant 0 : i32
    %parallel_loop3A_298 = arith.constant 64 : i32
    %parallel_loop3A_299 = arith.constant 1 : i32
    scf.for %parallel_loop3A_332 = %parallel_loop3A_297 to %parallel_loop3A_298 step %parallel_loop3A_299  : i32 {
      %parallel_loop3A_333 = arith.index_cast %parallel_loop3A_332 : i32 to index
      %parallel_loop3A_334 = arith.constant 0 : index
      %parallel_loop3A_335 = tpu.vector_load %arg10[%parallel_loop3A_333, %parallel_loop3A_334] {strides = array<i32>} : memref<128x128xf32, #tpu.memory_space<vmem>>, vector<16xf32>,
      %parallel_loop3A_336 = arith.addf %parallel_loop3A_335, %add3A_52 : vector<16xf32>
      %parallel_loop3A_337 = arith.index_cast %parallel_loop3A_332 : i32 to index
      %parallel_loop3A_338 = arith.constant 16 : index
      %parallel_loop3A_339 = tpu.vector_load %arg10[%parallel_loop3A_337, %parallel_loop3A_338] {strides = array<i32>} : memref<128x128xf32, #tpu.memory_space<vmem>>, vector<16xf32>,
      %parallel_loop3A_340 = arith.addf %parallel_loop3A_339, %add3A_57 : vector<16xf32>
      %parallel_loop3A_341 = arith.index_cast %parallel_loop3A_332 : i32 to index
      %parallel_loop3A_342 = arith.constant 32 : index
      %parallel_loop3A_343 = tpu.vector_load %arg10[%parallel_loop3A_341, %parallel_loop3A_342] {strides = array<i32>} : memref<128x128xf32, #tpu.memory_space<vmem>>, vector<16xf32>,
      %parallel_loop3A_344 = arith.addf %parallel_loop3A_343, %add3A_62 : vector<16xf32>
      %parallel_loop3A_345 = arith.index_cast %parallel_loop3A_332 : i32 to index
      %parallel_loop3A_346 = arith.constant 48 : index
      %parallel_loop3A_347 = tpu.vector_load %arg10[%parallel_loop3A_345, %parallel_loop3A_346] {strides = array<i32>} : memref<128x128xf32, #tpu.memory_space<vmem>>, vector<16xf32>,
      %parallel_loop3A_348 = arith.addf %parallel_loop3A_347, %add3A_67 : vector<16xf32>
      %parallel_loop3A_349 = arith.index_cast %parallel_loop3A_332 : i32 to index
      %parallel_loop3A_350 = arith.constant 64 : index
      %parallel_loop3A_351 = tpu.vector_load %arg10[%parallel_loop3A_349, %parallel_loop3A_350] {strides = array<i32>} : memref<128x128xf32, #tpu.memory_space<vmem>>, vector<16xf32>,
      %parallel_loop3A_352 = arith.addf %parallel_loop3A_351, %add3A_72 : vector<16xf32>
      %parallel_loop3A_353 = arith.index_cast %parallel_loop3A_332 : i32 to index
      %parallel_loop3A_354 = arith.constant 80 : index
      %parallel_loop3A_355 = tpu.vector_load %arg10[%parallel_loop3A_353, %parallel_loop3A_354] {strides = array<i32>} : memref<128x128xf32, #tpu.memory_space<vmem>>, vector<16xf32>,
      %parallel_loop3A_356 = arith.addf %parallel_loop3A_355, %add3A_77 : vector<16xf32>
      %parallel_loop3A_357 = arith.index_cast %parallel_loop3A_332 : i32 to index
      %parallel_loop3A_358 = arith.constant 96 : index
      %parallel_loop3A_359 = tpu.vector_load %arg10[%parallel_loop3A_357, %parallel_loop3A_358] {strides = array<i32>} : memref<128x128xf32, #tpu.memory_space<vmem>>, vector<16xf32>,
      %parallel_loop3A_360 = arith.addf %parallel_loop3A_359, %add3A_82 : vector<16xf32>
      %parallel_loop3A_361 = arith.index_cast %parallel_loop3A_332 : i32 to index
      %parallel_loop3A_362 = arith.constant 112 : index
      %parallel_loop3A_363 = tpu.vector_load %arg10[%parallel_loop3A_361, %parallel_loop3A_362] {strides = array<i32>} : memref<128x128xf32, #tpu.memory_space<vmem>>, vector<16xf32>,
      %parallel_loop3A_364 = arith.addf %parallel_loop3A_363, %add3A_87 : vector<16xf32>
      %parallel_loop3A_365 = arith.mulf %parallel_loop3A_336, %parallel_loop3A_336 : vector<16xf32>
      %parallel_loop3A_366 = arith.mulf %parallel_loop3A_340, %parallel_loop3A_340 : vector<16xf32>
      %parallel_loop3A_367 = arith.mulf %parallel_loop3A_344, %parallel_loop3A_344 : vector<16xf32>
      %parallel_loop3A_368 = arith.mulf %parallel_loop3A_348, %parallel_loop3A_348 : vector<16xf32>
      %parallel_loop3A_369 = arith.mulf %parallel_loop3A_352, %parallel_loop3A_352 : vector<16xf32>
      %parallel_loop3A_370 = arith.mulf %parallel_loop3A_356, %parallel_loop3A_356 : vector<16xf32>
      %parallel_loop3A_371 = arith.mulf %parallel_loop3A_360, %parallel_loop3A_360 : vector<16xf32>
      %parallel_loop3A_372 = arith.mulf %parallel_loop3A_364, %parallel_loop3A_364 : vector<16xf32>
      %parallel_loop3A_373 = arith.addf %parallel_loop3A_365, %parallel_loop3A_366 : vector<16xf32>
      %parallel_loop3A_374 = arith.addf %parallel_loop3A_367, %parallel_loop3A_368 : vector<16xf32>
      %parallel_loop3A_375 = arith.addf %parallel_loop3A_369, %parallel_loop3A_370 : vector<16xf32>
      %parallel_loop3A_376 = arith.addf %parallel_loop3A_371, %parallel_loop3A_372 : vector<16xf32>
      %parallel_loop3A_377 = arith.addf %parallel_loop3A_373, %parallel_loop3A_374 : vector<16xf32>
      %parallel_loop3A_378 = arith.addf %parallel_loop3A_375, %parallel_loop3A_376 : vector<16xf32>
      %parallel_loop3A_379 = arith.addf %parallel_loop3A_377, %parallel_loop3A_378 : vector<16xf32>
      %parallel_loop3A_380 = arith.constant true
      %parallel_loop3A_381 = vector.broadcast %parallel_loop3A_380 : i1 to vector<16xi1>
      %parallel_loop3A_382 = tpu.scan <sum>, %parallel_loop3A_379 masked %parallel_loop3A_381 : vector<16xf32>, vector<16xi1> -> vector<16xf32>
      %parallel_loop3A_383 = vector.extract %parallel_loop3A_382[15] : f32 from vector<16xf32>
      %parallel_loop3A_384 = vector.broadcast %parallel_loop3A_383 : f32 to vector<16xf32>
      %parallel_loop3A_385 = vector.bitcast %parallel_loop3A_384 : vector<16xf32> to vector<16xi32>
      %parallel_loop3A_386 = arith.constant 1 : i32
      %parallel_loop3A_387 = vector.broadcast %parallel_loop3A_386 : i32 to vector<16xi32>
      %parallel_loop3A_388 = arith.shrsi %parallel_loop3A_385, %parallel_loop3A_387 : vector<16xi32>
      %parallel_loop3A_389 = arith.constant 1597463007 : i32
      %parallel_loop3A_390 = vector.broadcast %parallel_loop3A_389 : i32 to vector<16xi32>
      %parallel_loop3A_391 = arith.subi %parallel_loop3A_390, %parallel_loop3A_388 : vector<16xi32>
      %parallel_loop3A_392 = vector.bitcast %parallel_loop3A_391 : vector<16xi32> to vector<16xf32>
      %parallel_loop3A_393 = arith.constant 5.000000e-01 : f32
      %parallel_loop3A_394 = vector.broadcast %parallel_loop3A_393 : f32 to vector<16xf32>
      %parallel_loop3A_395 = arith.mulf %parallel_loop3A_394, %parallel_loop3A_384 : vector<16xf32>
      %parallel_loop3A_396 = arith.mulf %parallel_loop3A_395, %parallel_loop3A_392 : vector<16xf32>
      %parallel_loop3A_397 = arith.mulf %parallel_loop3A_396, %parallel_loop3A_392 : vector<16xf32>
      %parallel_loop3A_398 = arith.constant 1.500000e+00 : f32
      %parallel_loop3A_399 = vector.broadcast %parallel_loop3A_398 : f32 to vector<16xf32>
      %parallel_loop3A_400 = arith.subf %parallel_loop3A_399, %parallel_loop3A_397 : vector<16xf32>
      %parallel_loop3A_401 = arith.mulf %parallel_loop3A_392, %parallel_loop3A_400 : vector<16xf32>
      %parallel_loop3A_402 = arith.mulf %parallel_loop3A_395, %parallel_loop3A_401 : vector<16xf32>
      %parallel_loop3A_403 = arith.mulf %parallel_loop3A_402, %parallel_loop3A_401 : vector<16xf32>
      %parallel_loop3A_404 = arith.constant 1.500000e+00 : f32
      %parallel_loop3A_405 = vector.broadcast %parallel_loop3A_404 : f32 to vector<16xf32>
      %parallel_loop3A_406 = arith.subf %parallel_loop3A_405, %parallel_loop3A_403 : vector<16xf32>
      %parallel_loop3A_407 = arith.mulf %parallel_loop3A_401, %parallel_loop3A_406 : vector<16xf32>
      %parallel_loop3A_408 = arith.constant 9.99999995E+11 : f32
      %parallel_loop3A_409 = vector.broadcast %parallel_loop3A_408 : f32 to vector<16xf32>
      %parallel_loop3A_410 = arith.minimumf %parallel_loop3A_407, %parallel_loop3A_409 : vector<16xf32>
      %parallel_loop3A_411 = arith.mulf %parallel_loop3A_336, %parallel_loop3A_410 : vector<16xf32>
      %parallel_loop3A_412 = arith.index_cast %parallel_loop3A_332 : i32 to index
      %parallel_loop3A_413 = arith.constant 0 : index
      %parallel_loop3A_414 = tpu.vector_load %arg14[%parallel_loop3A_412, %parallel_loop3A_413] {strides = array<i32>} : memref<128x128xf32, #tpu.memory_space<vmem>>, vector<16xf32>,
      tpu.vector_store %arg14[%parallel_loop3A_412, %parallel_loop3A_413], %parallel_loop3A_411 {strides = array<i32>} : memref<128x128xf32, #tpu.memory_space<vmem>>, vector<16xf32>,
      %parallel_loop3A_415 = arith.mulf %parallel_loop3A_340, %parallel_loop3A_410 : vector<16xf32>
      %parallel_loop3A_416 = arith.index_cast %parallel_loop3A_332 : i32 to index
      %parallel_loop3A_417 = arith.constant 16 : index
      %parallel_loop3A_418 = tpu.vector_load %arg14[%parallel_loop3A_416, %parallel_loop3A_417] {strides = array<i32>} : memref<128x128xf32, #tpu.memory_space<vmem>>, vector<16xf32>,
      tpu.vector_store %arg14[%parallel_loop3A_416, %parallel_loop3A_417], %parallel_loop3A_415 {strides = array<i32>} : memref<128x128xf32, #tpu.memory_space<vmem>>, vector<16xf32>,
      %parallel_loop3A_419 = arith.mulf %parallel_loop3A_344, %parallel_loop3A_410 : vector<16xf32>
      %parallel_loop3A_420 = arith.index_cast %parallel_loop3A_332 : i32 to index
      %parallel_loop3A_421 = arith.constant 32 : index
      %parallel_loop3A_422 = tpu.vector_load %arg14[%parallel_loop3A_420, %parallel_loop3A_421] {strides = array<i32>} : memref<128x128xf32, #tpu.memory_space<vmem>>, vector<16xf32>,
      tpu.vector_store %arg14[%parallel_loop3A_420, %parallel_loop3A_421], %parallel_loop3A_419 {strides = array<i32>} : memref<128x128xf32, #tpu.memory_space<vmem>>, vector<16xf32>,
      %parallel_loop3A_423 = arith.mulf %parallel_loop3A_348, %parallel_loop3A_410 : vector<16xf32>
      %parallel_loop3A_424 = arith.index_cast %parallel_loop3A_332 : i32 to index
      %parallel_loop3A_425 = arith.constant 48 : index
      %parallel_loop3A_426 = tpu.vector_load %arg14[%parallel_loop3A_424, %parallel_loop3A_425] {strides = array<i32>} : memref<128x128xf32, #tpu.memory_space<vmem>>, vector<16xf32>,
      tpu.vector_store %arg14[%parallel_loop3A_424, %parallel_loop3A_425], %parallel_loop3A_423 {strides = array<i32>} : memref<128x128xf32, #tpu.memory_space<vmem>>, vector<16xf32>,
      %parallel_loop3A_427 = arith.mulf %parallel_loop3A_352, %parallel_loop3A_410 : vector<16xf32>
      %parallel_loop3A_428 = arith.index_cast %parallel_loop3A_332 : i32 to index
      %parallel_loop3A_429 = arith.constant 64 : index
      %parallel_loop3A_430 = tpu.vector_load %arg14[%parallel_loop3A_428, %parallel_loop3A_429] {strides = array<i32>} : memref<128x128xf32, #tpu.memory_space<vmem>>, vector<16xf32>,
      tpu.vector_store %arg14[%parallel_loop3A_428, %parallel_loop3A_429], %parallel_loop3A_427 {strides = array<i32>} : memref<128x128xf32, #tpu.memory_space<vmem>>, vector<16xf32>,
      %parallel_loop3A_431 = arith.mulf %parallel_loop3A_356, %parallel_loop3A_410 : vector<16xf32>
      %parallel_loop3A_432 = arith.index_cast %parallel_loop3A_332 : i32 to index
      %parallel_loop3A_433 = arith.constant 80 : index
      %parallel_loop3A_434 = tpu.vector_load %arg14[%parallel_loop3A_432, %parallel_loop3A_433] {strides = array<i32>} : memref<128x128xf32, #tpu.memory_space<vmem>>, vector<16xf32>,
      tpu.vector_store %arg14[%parallel_loop3A_432, %parallel_loop3A_433], %parallel_loop3A_431 {strides = array<i32>} : memref<128x128xf32, #tpu.memory_space<vmem>>, vector<16xf32>,
      %parallel_loop3A_435 = arith.mulf %parallel_loop3A_360, %parallel_loop3A_410 : vector<16xf32>
      %parallel_loop3A_436 = arith.index_cast %parallel_loop3A_332 : i32 to index
      %parallel_loop3A_437 = arith.constant 96 : index
      %parallel_loop3A_438 = tpu.vector_load %arg14[%parallel_loop3A_436, %parallel_loop3A_437] {strides = array<i32>} : memref<128x128xf32, #tpu.memory_space<vmem>>, vector<16xf32>,
      tpu.vector_store %arg14[%parallel_loop3A_436, %parallel_loop3A_437], %parallel_loop3A_435 {strides = array<i32>} : memref<128x128xf32, #tpu.memory_space<vmem>>, vector<16xf32>,
      %parallel_loop3A_439 = arith.mulf %parallel_loop3A_364, %parallel_loop3A_410 : vector<16xf32>
      %parallel_loop3A_440 = arith.index_cast %parallel_loop3A_332 : i32 to index
      %parallel_loop3A_441 = arith.constant 112 : index
      %parallel_loop3A_442 = tpu.vector_load %arg14[%parallel_loop3A_440, %parallel_loop3A_441] {strides = array<i32>} : memref<128x128xf32, #tpu.memory_space<vmem>>, vector<16xf32>,
      tpu.vector_store %arg14[%parallel_loop3A_440, %parallel_loop3A_441], %parallel_loop3A_439 {strides = array<i32>} : memref<128x128xf32, #tpu.memory_space<vmem>>, vector<16xf32>,
    } {sc.loop_unroll_factor = 4 : i64, sc.parallel_access}
    %add3A_300 = arith.constant 448 : i32
    %add3A_301 = arith.addi %mul3A_2, %add3A_300 : i32
    %dma_start3A_302 = arith.constant 0 : i32
    %dma_start3A_303 = arith.constant 0 : i32
    %dma_start3A_304 = tpu.memref_slice %arg14[%dma_start3A_302, %dma_start3A_303] : memref<128x128xf32, #tpu.memory_space<vmem>> -> memref<64x128xf32, #tpu.memory_space<vmem>>
    %dma_start3A_305 = arith.constant 0 : i32
    %dma_start3A_306 = tpu.memref_slice %arg7[%add3A_301, %dma_start3A_305] : memref<16384x128xf32, #tpu.memory_space<hbm>> -> memref<64x128xf32, #tpu.memory_space<hbm>>
    %dma_start3A_307 = arith.constant 0 : i32
    %dma_start3A_308 = tpu.memref_slice %arg7[%add3A_301, %dma_start3A_307] : memref<16384x128xf32, #tpu.memory_space<hbm>> -> memref<64x128xf32, #tpu.memory_space<hbm>>
    %dma_start3A_309 = arith.constant 0 : i32
    %dma_start3A_310 = arith.constant 0 : i32
    %dma_start3A_311 = tpu.memref_slice %arg14[%dma_start3A_309, %dma_start3A_310] : memref<128x128xf32, #tpu.memory_space<vmem>> -> memref<64x128xf32, #tpu.memory_space<vmem>>
    tpu.enqueue_dma source(%dma_start3A_311 : memref<64x128xf32, #tpu.memory_space<vmem>>) target(%dma_start3A_308 : memref<64x128xf32, #tpu.memory_space<hbm>>) target_semaphore(%arg22 : memref<!tpu.dma_semaphore, #tpu.memory_space<semaphore_mem>>)
    %dma_wait3A_312 = arith.constant 0 : i32
    %dma_wait3A_313 = arith.constant 0 : i32
    %dma_wait3A_314 = tpu.memref_slice %arg15[%dma_wait3A_312, %dma_wait3A_313] : memref<128x128xf32, #tpu.memory_space<vmem>> -> memref<128x128xf32, #tpu.memory_space<vmem>>
    %dma_wait3A_315 = arith.constant 0 : i32
    %dma_wait3A_316 = tpu.memref_slice %arg7[%add3A_268, %dma_wait3A_315] : memref<16384x128xf32, #tpu.memory_space<hbm>> -> memref<128x128xf32, #tpu.memory_space<hbm>>
    %dma_wait3A_317 = arith.constant 0 : i32
    %dma_wait3A_318 = tpu.memref_slice %arg7[%add3A_268, %dma_wait3A_317] : memref<16384x128xf32, #tpu.memory_space<hbm>> -> memref<128x128xf32, #tpu.memory_space<hbm>>
    %dma_wait3A_319 = arith.constant 0 : i32
    %dma_wait3A_320 = arith.constant 0 : i32
    %dma_wait3A_321 = tpu.memref_slice %arg15[%dma_wait3A_319, %dma_wait3A_320] : memref<128x128xf32, #tpu.memory_space<vmem>> -> memref<128x128xf32, #tpu.memory_space<vmem>>
    tpu.wait_dma2 semaphore(%arg23 : memref<!tpu.dma_semaphore, #tpu.memory_space<semaphore_mem>>) src(%dma_wait3A_321 : memref<128x128xf32, #tpu.memory_space<vmem>>) dst(%dma_wait3A_318 : memref<128x128xf32, #tpu.memory_space<hbm>>)
    %dma_wait3A_322 = arith.constant 0 : i32
    %dma_wait3A_323 = arith.constant 0 : i32
    %dma_wait3A_324 = tpu.memref_slice %arg14[%dma_wait3A_322, %dma_wait3A_323] : memref<128x128xf32, #tpu.memory_space<vmem>> -> memref<64x128xf32, #tpu.memory_space<vmem>>
    %dma_wait3A_325 = arith.constant 0 : i32
    %dma_wait3A_326 = tpu.memref_slice %arg7[%add3A_301, %dma_wait3A_325] : memref<16384x128xf32, #tpu.memory_space<hbm>> -> memref<64x128xf32, #tpu.memory_space<hbm>>
    %dma_wait3A_327 = arith.constant 0 : i32
    %dma_wait3A_328 = tpu.memref_slice %arg7[%add3A_301, %dma_wait3A_327] : memref<16384x128xf32, #tpu.memory_space<hbm>> -> memref<64x128xf32, #tpu.memory_space<hbm>>
    %dma_wait3A_329 = arith.constant 0 : i32
    %dma_wait3A_330 = arith.constant 0 : i32
    %dma_wait3A_331 = tpu.memref_slice %arg14[%dma_wait3A_329, %dma_wait3A_330] : memref<128x128xf32, #tpu.memory_space<vmem>> -> memref<64x128xf32, #tpu.memory_space<vmem>>
    tpu.wait_dma2 semaphore(%arg22 : memref<!tpu.dma_semaphore, #tpu.memory_space<semaphore_mem>>) src(%dma_wait3A_331 : memref<64x128xf32, #tpu.memory_space<vmem>>) dst(%dma_wait3A_328 : memref<64x128xf32, #tpu.memory_space<hbm>>)
    return
  }
}

</mosaic_0001>

<sc_bundles>
// kernel: kernel.3.cloned.1.call-start
scs
__scs_entry_jumppad:
0x0: {  	(pc) =	sbr.rel $0x88, $3  }
0x1: {  	(tag) =	ssettag $0x0;
	lr =	simm.s32 $0x1  }
0x2: {  	[smem:$0x3F9C] =	sst lr;
	_ =	strace $0xD0000000  }
0x3: {  	_ = 	snop  }
0x4: {  	_ = 	snop  }
0x5: {  	_ = 	snop  }
0x6: {  	_ = 	snop  }
0x7: {  	_ = 	snop  }
__scs_overlays_trampoline_lowered:
0x8: {  	[smem:$0x3FAB] =	sst s0  }
0x9: {  	[smem:$0x3FAC] =	sst s1  }
0xa: {  	[smem:$0x3FAD] =	sst s2  }
0xb: {  	[smem:$0x3FAE] =	sst s3  }
0xc: {  	[smem:$0x3FAF] =	sst s4  }
0xd: {  	[smem:$0x3FB0] =	sst s5  }
0xe: {  	[smem:$0x3FB1] =	sst s6  }
0xf: {  	[smem:$0x3FB2] =	sst s7  }
0x10: {  	[smem:$0x3FB3] =	sst s8  }
0x11: {  	[smem:$0x3FB4] =	sst s9;
	s0 =	simm.s32 @!p0 $0x0  }
0x12: {  	s1 =	sld [smem:$0x3F9A];
	s0 =	simm.s32 @p0 $0x1  }
0x13: {  	[smem:$0x3FB5] =	sst s0;
	s0 =	simm.s32 @!p1 $0x0  }
0x14: {  	s2 =	sld [smem:$0x3F99];
	s0 =	simm.s32 @p1 $0x1  }
0x15: {  	[smem:$0x3FB6] =	sst s0;
	s0 =	simm.s32 @!p2 $0x0  }
0x16: {  	s3 =	sld [smem:$0x3FDB];
	s0 =	simm.s32 @p2 $0x1  }
0x17: {  	s4 =	simm.s32 $0x1BF5;
	[smem:$0x3FB8] =	sst s0  }
0x18: {  	s0 =	sld [smem:$0x3F9B];
	_ =	swait.ge [sflag:s4], $0x0  }
0x19: {  	s7 =	sld [smem:$0x3F9C]  }
0x1a: {  	s8 =	sadd.s32 $0xFFFFE003, lr  }
0x1b: {  	s9 =	sadd.s32 $0xFFFFFEF7, lr;
	s5 =	simm.s32 $0xFFFFFFFF;
	p2 =	slt.u32 s8, $0xFFFFF086  }
0x1c: {  	p1 =	slt.u32 s9, $0xF7A;
	s5 =	simm.s32 @!p2 $0x0  }
0x1d: {  	s5 =	simm.s32 @p1 $0x1;
	p0 =	seq.s32 s7, s2  }
0x1e: {  	s7 =	smul.u32 @!p0 $0xF7A, s2;
	p2 =	seq.s32 @!p0 s5, $0x0  }
0x1f: {  	s9 =	smul.u32 $0xF7A, s1;
	s8 =	simm.s32 @!p0 $0x1BF5;
	p2 =	por !p2, p0  }
0x20: {  	[sflag:s8] =	ssyncset.s32 @!p0 $0xFFFFF086;
	s6 =	sadd.s32 @!p0 s3, s7;
	s7 =	simm.s32 @!p0 $0x108  }
0x21: {  	s3 =	sadd.s32 s3, s9;
	s6 =	sadd.s32 @!p0 $0x88, s6;
	s7 =	simm.s32 @p2 $0x1082  }
0x22: {  	[simem:s7], [sflag:s8] =	dma.local @!p0 [hbm:s6], $0xF7A  }
0x23: {  	s9 =	sor.u32 $0xD0000000, s2;
	s6 =	simm.s32 $0x108;
	_ =	swait.ge @!p0 [sflag:s8], $0x0  }
0x24: {  	s3 =	sadd.s32 $0x88, s3;
	s6 =	simm.s32 @!p1 $0x1082;
	[sflag:s4] =	ssyncset.s32 $0xFFFFF086  }
0x25: {  	[simem:s6], [sflag:s4] =	dma.local [hbm:s3], $0xF7A  }
0x26: {  	[smem:$0x3F9C] =	sst s1;
	(tag) =	ssettag s2;
	_ =	strace s9  }
0x27: {  	s1 =	sld [smem:$0x3FAC]  }
0x28: {  	s2 =	sld [smem:$0x3FAD]  }
0x29: {  	s4 =	sld [smem:$0x3FAF]  }
0x2a: {  	p0 =	seq.s32 s5, $0x0;
	s5 =	sld [smem:$0x3FB0]  }
0x2b: {  	s6 =	sld [smem:$0x3FB1]  }
0x2c: {  	s7 =	sld [smem:$0x3FB2]  }
0x2d: {  	s3 =	simm.s32 $0x108;
	s8 =	sld [smem:$0x3FB3]  }
0x2e: {  	s3 =	simm.s32 @!p0 $0x1082;
	s9 =	sld [smem:$0x3FB4]  }
0x2f: {  	lr =	sadd.s32 s0, s3;
	s0 =	sld [smem:$0x3FAB]  }
0x30: {  	s3 =	sld [smem:$0x3FAE]  }
0x31: {  	[smem:$0x3FB7] =	sst s10  }
0x32: {  	s10 =	sld [smem:$0x3FB5];
	_ =	sdelay $0x3  }
0x33: {  	p0 =	seq.s32 s10, $0x1;
	s10 =	sld [smem:$0x3FB7];
	_ =	sdelay $0x3  }
0x34: {  	[smem:$0x3FB7] =	sst s10  }
0x35: {  	s10 =	sld [smem:$0x3FB6];
	_ =	sdelay $0x3  }
0x36: {  	p1 =	seq.s32 s10, $0x1;
	s10 =	sld [smem:$0x3FB7];
	_ =	sdelay $0x3  }
0x37: {  	[smem:$0x3FB7] =	sst s10  }
0x38: {  	s10 =	sld [smem:$0x3FB8]  }
0x39: {  	_ = 	snop;
	(pc) =	sbr.ind lr, $3  }
0x3a: {  	_ = 	snop  }
0x3b: {  	_ = 	snop  }
0x3c: {  	p2 =	seq.s32 s10, $0x1;
	s10 =	sld [smem:$0x3FB7]  }
0x3d: {  	_ =	shalt  }
0x3e: {  	_ =	shalt  }
0x3f: {  	_ =	shalt  }
0x40: {  	_ =	shalt  }
0x41: {  	_ =	shalt  }
0x42: {  	_ =	shalt  }
0x43: {  	_ =	shalt  }
0x44: {  	_ =	shalt  }
0x45: {  	_ =	shalt  }
0x46: {  	_ =	shalt  }
0x47: {  	_ =	shalt  }
0x48: {  	_ =	shalt  }
0x49: {  	_ =	shalt  }
0x4a: {  	_ =	shalt  }
0x4b: {  	_ =	shalt  }
0x4c: {  	_ =	shalt  }
0x4d: {  	_ =	shalt  }
0x4e: {  	_ =	shalt  }
0x4f: {  	_ =	shalt  }
0x50: {  	_ =	shalt  }
0x51: {  	_ =	shalt  }
0x52: {  	_ =	shalt  }
0x53: {  	_ =	shalt  }
0x54: {  	_ =	shalt  }
0x55: {  	_ =	shalt  }
0x56: {  	_ =	shalt  }
0x57: {  	_ =	shalt  }
0x58: {  	_ =	shalt  }
0x59: {  	_ =	shalt  }
0x5a: {  	_ =	shalt  }
0x5b: {  	_ =	shalt  }
0x5c: {  	_ =	shalt  }
0x5d: {  	_ =	shalt  }
0x5e: {  	_ =	shalt  }
0x5f: {  	_ =	shalt  }
0x60: {  	_ =	shalt  }
0x61: {  	_ =	shalt  }
0x62: {  	_ =	shalt  }
0x63: {  	_ =	shalt  }
0x64: {  	_ =	shalt  }
0x65: {  	_ =	shalt  }
0x66: {  	_ =	shalt  }
0x67: {  	_ =	shalt  }
0x68: {  	_ =	shalt  }
0x69: {  	_ =	shalt  }
0x6a: {  	_ =	shalt  }
0x6b: {  	_ =	shalt  }
0x6c: {  	_ =	shalt  }
0x6d: {  	_ =	shalt  }
0x6e: {  	_ =	shalt  }
0x6f: {  	_ =	shalt  }
0x70: {  	_ =	shalt  }
0x71: {  	_ =	shalt  }
0x72: {  	_ =	shalt  }
0x73: {  	_ =	shalt  }
0x74: {  	_ =	shalt  }
0x75: {  	_ =	shalt  }
0x76: {  	_ =	shalt  }
0x77: {  	_ =	shalt  }
0x78: {  	_ =	shalt  }
0x79: {  	_ =	shalt  }
0x7a: {  	_ =	shalt  }
0x7b: {  	_ =	shalt  }
0x7c: {  	_ =	shalt  }
0x7d: {  	_ =	shalt  }
0x7e: {  	_ =	shalt  }
0x7f: {  	_ =	shalt  }
0x80: {  	_ =	shalt  }
0x81: {  	_ =	shalt  }
0x82: {  	_ =	shalt  }
0x83: {  	_ =	shalt  }
0x84: {  	_ =	shalt  }
0x85: {  	_ =	shalt  }
0x86: {  	_ =	shalt  }
0x87: {  	_ =	shalt  }
.Lfunc_end0:
.L_simem_size_0:
called_computation_lowered:
.L_overlay_start_0:
0x88: {  	s2 =	sld [smem:$0x3FD9]  }
0x89: {  	s3 =	sld [smem:$0x3FFE];
	_ =	sdelay $0x1  }
0x8a: {  	s1 =	srdreg.scid  }
0x8b: {  	s0 =	sand.u32 $0x1, s1  }
0x8c: {  	s18 =	sshll.u32 s0, $0xA;
	s2 =	sadd.s32 s3, s2  }
0x8d: {  	s2 =	sadd.s32 s2, s18  }
0x8e: {  	[smem:$0x3FC3] =	sst s2  }
0x8f: {  	_ = 	snop  }
0x90: {  	s2 =	sld [smem:$0x3FC9]  }
0x91: {  	s19 =	sld [smem:$0x3FC8]  }
0x92: {  	s4 =	sld [smem:$0x3FC7]  }
0x93: {  	s5 =	sld [smem:$0x3FC6]  }
0x94: {  	s6 =	sld [smem:$0x3FC5]  }
0x95: {  	s7 =	sld [smem:$0x3FD0];
	(tm) =	ssettm $0x1  }
0x96: {  	s8 =	sld [smem:$0x3FFB];
	_ =	sdelay $0x3  }
0x97: {  	_ =	strace s8  }
0x98: {  	s8 =	sld [smem:$0x3FFC];
	_ =	sdelay $0x3  }
0x99: {  	_ =	strace s8  }
0x9a: {  	s8 =	sld [smem:$0x3FFD];
	_ =	sdelay $0x3  }
0x9b: {  	_ =	strace s8  }
0x9c: {  	_ =	strace $0x8FFFFFFF  }
0x9d: {  	s20 =	sld [smem:$0x3FDB];
	_ =	sdelay $0x1  }
0x9e: {  	s9 =	simm.s32 $_scs_section_size  }
0x9f: {  	s10 =	simm.s32 $_size__tile_overlayer_lowered;
	s11 =	simm.s32 $_tile_overlayer_lowered  }
0xa0: {  	s23 =	simm.s32 $0x1BFF;
	s22 =	sshll.u32 s11, $0x1;
	s8 =	sadd.s32 s9, s20  }
0xa1: {  	s12 =	simm.s32 $0x0;
	s21 =	sshll.u32 s10, $0x1;
	s10 =	sadd.s32 s22, s8  }
0xa2: {  	[timem:s12], [sflag:s23] =	dma.local [hbm:s10], s21  }
0xa3: {  	_ =	swait.ge [sflag:s23], s21  }
0xa4: {  	s9 =	ssub.s32 $0x0, s21;
	[sflag:s23] =	ssyncset.done $0x0  }
0xa5: {  	[sflag:s23] =	ssyncadd.s32 s9;
	_ =	sdelay $0x1  }
0xa6: {  	s24 =	simm.s32 $0x1B8B  }
0xa7: {  	_ =	swait.ge [sflag:s24], $0x1  }
0xa8: {  	[sflag:s24] =	ssyncset.done $0x0  }
0xa9: {  	s25 =	simm.s32 $0x1B8E;
	[sflag:s24] =	ssyncadd.s32 $0xFFFFFFFF  }
0xaa: {  	s26 =	simm.s32 $execute0_lowered;
	[smem:$0x3FD2] =	sst s25  }
0xab: {  	s9 =	sshll.u32 s26, $0x1;
	_ =	strace $0x80000046;
	[dreg:$0x1] =	wrdreg $0xFFFFFFFF  }
0xac: {  	s28 =	simm.s32 $_size_execute0_lowered;
	s8 =	sadd.s32 s8, s9;
	[dreg:$0x0] =	wrdreg $0x0  }
0xad: {  	s9 =	sshll.u32 s28, $0x1;
	[dreg:$0x2] =	wrdreg s8  }
0xae: {  	[dreg:$0x3] =	wrdreg s9  }
0xaf: {  	[dreg:$0x4] =	wrdreg $0xC0  }
0xb0: {  	_ =	task [dreg:s12], $0x5FFFF  }
0xb1: {  	[dreg:$0x1] =	wrdreg $0xFFFFFFFF  }
0xb2: {  	[dreg:$0x0] =	wrdreg $0x60  }
0xb3: {  	[dreg:$0x2] =	wrdreg s2  }
0xb4: {  	[dreg:$0x3] =	wrdreg s19  }
0xb5: {  	[dreg:$0x4] =	wrdreg s4  }
0xb6: {  	[dreg:$0x5] =	wrdreg s5  }
0xb7: {  	[dreg:$0x6] =	wrdreg s6  }
0xb8: {  	[dreg:$0x7] =	wrdreg s7  }
0xb9: {  	[dreg:$0x8] =	wrdreg $0x9  }
0xba: {  	_ =	task.clear_ibuf [dreg:s12], $0x9FFFF;
	_ =	strace $0x90000046  }
0xbb: {  	s29 =	simm.s32 $0x9;
	_ =	strace $0x80000048  }
0xbc: {  	_ =	swait.ge [sflag:s29], $0x1  }
0xbd: {  	[sflag:s29] =	ssyncadd.s32 $0xFFFFFFFF  }
0xbe: {  	_ =	strace $0x90000048  }
0xbf: {  	_ =	sfence  }
0xc0: {  	s30 =	sld [smem:$0x0];
	_ =	sdelay $0x2  }
0xc1: {  	s31 =	sshll.u32 s1, $0xD;
	s1 =	sshrl.u32 s1, $0x2  }
0xc2: {  	s3 =	sand.u32 $0x4000, s31;
	s1 =	sadd.s32 s1, s30  }
0xc3: {  	s0 =	sor.u32 s3, s0;
	s1 =	sshll.u32 s1, $0x11  }
0xc4: {  	s0 =	sor.u32 s1, s0  }
0xc5: {  	s0 =	sadd.s32 $0x8F2B, s0  }
0xc6: {  	[sflag:s0] =	ssyncadd.remote.s32 $0x1  }
0xc7: {  	_ =	sfence.sel $0xFFFF  }
0xc8: {  	[dreg:$0x0] =	wrdreg $0xFFFFFFFF;
	(pc) =	sbr.abs _section_cstart, $3  }
0xc9: {  	[dreg:$0x1] =	wrdreg $0xFFFFFFFF  }
0xca: {  	_ =	task.clear_ibuf [dreg:s12], $0x2FFFF;
	_ =	strace $0x9FFFFFFF  }
0xcb: {  	(tm) =	ssettm $0x7FFFFFFF  }
tec
execute0_lowered:
.L_overlay_start_1:
0x0: {  	(tag) =	ssettag $0x1  }
0x1: {  	s0 =	rddreg [dreg:$0x0]  }
0x2: {  	s2 =	rddreg [dreg:$0x1]  }
0x3: {  	s1 =	rddreg [dreg:$0x2]  }
0x4: {  	s3 =	rddreg [dreg:$0x5]  }
0x5: {  	s4 =	srdreg.scid;
	s6 =	stileid.u32;
	s5 =	simm.s32 $0x0  }
0x6: {  	s14 =	simm.s32 $0x200;
	s17 =	simm.s32 $0x7;
	s18 =	simm.s32 $0x40  }
0x7: {  	s19 =	simm.s32 $0x400;
	s20 =	simm.s32 $0x80;
	s21 =	simm.s32 $0x4400  }
0x8: {  	s23 =	simm.s32 $0x8400;
	s24 =	simm.s32 $0x1;
	s26 =	simm.s32 $0xC400  }
0x9: {  	s28 =	simm.s32 $0x2;
	s30 =	simm.s32 $0x10400;
	s16 =	simm.s32 $0x5  }
0xa: {  	s25 =	simm.s32 $0x6;
	s29 =	simm.s32 $0x0;
	s4 =	sand.u32 $0x1, s4  }
0xb: {  	s6 =	sshll.u32 s6, $0xA;
	[smem:$0x7FF] =	sst s5;
	s7 =	sshll.u32 s4, $0x9  }
0xc: {  	s4 =	ssub.s32 $0x2, s4;
	_ =	strace $0x80000047;
	s6 =	sor.u32 s7, s6  }
0xd: {  	s31 =	sshrl.u32 s4, $0x1;
	s8 =	sshll.u32 s6, $0x4;
	s9 =	sshrl.u32 s6, $0x3  }
0xe: {  	s4 =	ssub.s32 s4, s31;
	s6 =	sadd.s32 s3, s8;
	s7 =	sadd.s32 s0, s9  }
0xf: {  	s8 =	sadd.s32 s2, s9;
	s13 =	smax.u32 s4, $0x1;
	s0 =	simm.s32 $0x3  }
0x10: {  	s2 =	simm.s32 $0x14400;
	s4 =	simm.s32 $0x4;
	s9 =	sadd.s32 $0x400, s6  }
0x11: {  	s10 =	sadd.s32 $0xC00, s6;
	s11 =	sadd.s32 $0x1400, s6;
	s12 =	sadd.s32 $0x1C00, s6  }
.LBB2_1:
0x12: {  	[tilespmem:s5], [sflag:$0x7] =	stream.linear.gather [hbm4b:s7+s5], $0x200, $0x38;
	[tilespmem:$0x18500] =	vst v63  }
0x13: {  	_ = 	snop  }
0x14: {  	[tilespmem:s14], [sflag:$0x7] =	stream.linear.gather [hbm4b:s8+s5], $0x200, $0x38;
	[tilespmem:$0x18500] =	vst v63  }
0x15: {  	s3 =	rddreg [dreg:$0x3];
	s15 =	simm.s32 $0x18400  }
0x16: {  	[tilespmem:s15], [sflag:$0x7] =	stream.linear.gather [hbm4b:s3+s5], $0x80, $0x38;
	[tilespmem:$0x18500] =	vst v63  }
0x17: {  	s22 =	simm.s32 $0x18480;
	s15 =	rddreg [dreg:$0x4]  }
0x18: {  	[tilespmem:s22], [sflag:$0x7] =	stream.linear.gather [hbm4b:s15+s5], $0x80, $0x38;
	[tilespmem:$0x18500] =	vst v63  }
0x19: {  	_ =	swait.ge [sflag:s17], $0x200  }
0x1a: {  	[sflag:s17] =	ssyncset.done $0x0  }
0x1b: {  	[sflag:s17] =	ssyncadd.s32 $0xFFFFFE00  }
0x1c: {  	[tilespmem:s19], [sflag:$0x1] =	stream.indirect.gather [hbm4b:s1+s18], $0x80, s5, s18, $0xb8;
	[tilespmem:$0x18500] =	vst v63  }
0x1d: {  	_ = 	snop  }
0x1e: {  	[tilespmem:s21], [sflag:$0x2] =	stream.indirect.gather [hbm4b:s1+s20], $0x80, s18, s20, $0xb8;
	[tilespmem:$0x18500] =	vst v63  }
0x1f: {  	s22 =	simm.s32 $0xC0  }
0x20: {  	[tilespmem:s23], [sflag:$0x3] =	stream.indirect.gather [hbm4b:s1+s20], $0x80, s22, s20, $0xb8;
	[tilespmem:$0x18500] =	vst v63  }
0x21: {  	_ =	swait.ge [sflag:s17], $0x200  }
0x22: {  	[sflag:s17] =	ssyncset.done $0x0  }
0x23: {  	[sflag:s17] =	ssyncadd.s32 $0xFFFFFE00  }
0x24: {  	_ =	swait.ge [sflag:s24], $0x2000  }
0x25: {  	[sflag:s24] =	ssyncset.done $0x0  }
0x26: {  	[sflag:s24] =	ssyncadd.s32 $0xFFFFE000  }
0x27: {  	[tilespmem:s19], [sflag:$0x1] =	stream.indirect.gather.add.f32 [hbm:s1], $0x80, s14, s18, $0xb8;
	[tilespmem:$0x18500] =	vst v63  }
0x28: {  	_ =	swait.ge [sflag:s17], $0x80  }
0x29: {  	[sflag:s17] =	ssyncset.done $0x0  }
0x2a: {  	[sflag:s17] =	ssyncadd.s32 $0xFFFFFF80  }
0x2b: {  	_ =	swait.ge [sflag:s17], $0x80  }
0x2c: {  	[sflag:s17] =	ssyncset.done $0x0  }
0x2d: {  	[sflag:s17] =	ssyncadd.s32 $0xFFFFFF80  }
0x2e: {  	v0 =	vld [tilespmem:$0x18400]  }
0x2f: {  	v1 =	vld [tilespmem:$0x18480]  }
0x30: {  	v2 =	vld [tilespmem:$0x18410]  }
0x31: {  	v3 =	vld [tilespmem:$0x18490]  }
0x32: {  	v4 =	vld [tilespmem:$0x18420]  }
0x33: {  	v5 =	vld [tilespmem:$0x184A0]  }
0x34: {  	v6 =	vld [tilespmem:$0x18430]  }
0x35: {  	v7 =	vld [tilespmem:$0x184B0]  }
0x36: {  	v8 =	vld [tilespmem:$0x18440]  }
0x37: {  	v9 =	vld [tilespmem:$0x184C0]  }
0x38: {  	v10 =	vld [tilespmem:$0x18450]  }
0x39: {  	v11 =	vld [tilespmem:$0x184D0]  }
0x3a: {  	v12 =	vld [tilespmem:$0x18460]  }
0x3b: {  	v13 =	vld [tilespmem:$0x184E0]  }
0x3c: {  	s15 =	simm.s32 $0x140;
	v14 =	vld [tilespmem:$0x18470]  }
0x3d: {  	v15 =	vld [tilespmem:$0x184F0];
	[tilespmem:s26], [sflag:$0x4] =	stream.indirect.gather [hbm4b:s1+s20], $0x80, s15, s20, $0xb8  }
0x3e: {  	_ =	swait.ge [sflag:s24], $0x2000  }
0x3f: {  	[sflag:s24] =	ssyncset.done $0x0  }
0x40: {  	[sflag:s24] =	ssyncadd.s32 $0xFFFFE000  }
0x41: {  	_ =	swait.ge [sflag:s28], $0x4000  }
0x42: {  	[sflag:s28] =	ssyncset.done $0x0  }
0x43: {  	s22 =	simm.s32 $0x240;
	s15 =	simm.s32 $0x500;
	[sflag:s28] =	ssyncadd.s32 $0xFFFFC000  }
0x44: {  	[tilespmem:s21], [sflag:$0x2] =	stream.indirect.gather.add.f32 [hbm:s1], $0x80, s22, s20, $0xb8;
	[tilespmem:$0x18500] =	vst v63  }
0x45: {  	v16 =	vld [tilespmem:s15+$0x80]  }
0x46: {  	v17 =	vld [tilespmem:s15+$0x90]  }
0x47: {  	v18 =	vld [tilespmem:s15+$0xA0]  }
0x48: {  	v19 =	vld [tilespmem:s15+$0xB0]  }
0x49: {  	v0 =	vadd.f32 v1, v0;
	v1 =	vadd.f32 v3, v2;
	v20 =	vld [tilespmem:s15+$0xC0]  }
0x4a: {  	v2 =	vadd.f32 v5, v4;
	v3 =	vadd.f32 v7, v6;
	v21 =	vld [tilespmem:s15+$0xD0]  }
0x4b: {  	v4 =	vadd.f32 v9, v8;
	v5 =	vadd.f32 v11, v10;
	v8 =	vld [tilespmem:s15+$0xE0]  }
0x4c: {  	v6 =	vadd.f32 v13, v12;
	v7 =	vadd.f32 v15, v14;
	v9 =	vld [tilespmem:s15+$0xF0]  }
0x4d: {  	v10 =	vld [tilespmem:s15+$0xFFFFFF10];
	v50 =	vadd.f32 v16, v0;
	v41 =	vadd.f32 v17, v1  }
0x4e: {  	v54 =	vadd.f32 v18, v2;
	v44 =	vadd.f32 v19, v3  }
0x4f: {  	v58 =	vadd.f32 v20, v4;
	v48 =	vadd.f32 v21, v5  }
0x50: {  	v11 =	vld [tilespmem:s15+$0xFFFFFF20];
	v53 =	vadd.f32 v8, v6;
	v8 =	vmul.f32 v50, v50;
	v13 =	vmul.f32 v41, v41  }
0x51: {  	v12 =	vld [tilespmem:s15+$0xFFFFFF30];
	v43 =	vadd.f32 v9, v7;
	v9 =	vmul.f32 v54, v54;
	v15 =	vmul.f32 v44, v44  }
0x52: {  	v14 =	vld [tilespmem:s15+$0xFFFFFF40];
	v17 =	vadd.f32 v10, v1;
	v18 =	vmul.f32 v58, v58;
	v19 =	vmul.f32 v48, v48  }
0x53: {  	v23 =	vld [tilespmem:s15+$0xFFFFFF70];
	v21 =	vmul.f32 v53, v53;
	v22 =	vmul.f32 v43, v43;
	v8 =	vadd.f32 v13, v8  }
0x54: {  	v16 =	vld [tilespmem:s15+$0xFFFFFF50];
	v9 =	vadd.f32 v15, v9;
	v15 =	vadd.f32 v19, v18  }
0x55: {  	v20 =	vld [tilespmem:s15+$0xFFFFFF60];
	v18 =	vadd.f32 v22, v21;
	v21 =	vadd.f32 v11, v2  }
0x56: {  	v13 =	vld [tilespmem:s15+$0xFFFFFF80];
	[tilespmem:$0x1FED0] =	vst v17  }
0x57: {  	v19 =	vadd.f32 v14, v4;
	[tilespmem:$0x1FEE0] =	vst v21;
	v8 =	vadd.f32 v9, v8  }
0x58: {  	v9 =	vadd.f32 v18, v15;
	v18 =	vadd.f32 v12, v3;
	v10 =	vld [tilespmem:s15+$0xFFFFFF90]  }
0x59: {  	v14 =	vmul.f32 v21, v21;
	v21 =	vadd.f32 v16, v5;
	v11 =	vld [tilespmem:s15+$0xFFFFFFA0];
	[tilespmem:$0x1FF00] =	vst v19  }
0x5a: {  	v20 =	vadd.f32 v20, v6;
	[tilespmem:$0x1FEF0] =	vst v18  }
0x5b: {  	v22 =	vadd.f32 v23, v7;
	v12 =	vld [tilespmem:s15+$0xFFFFFFB0];
	[tilespmem:$0x1FF10] =	vst v21  }
0x5c: {  	v8 =	vadd.f32 v9, v8;
	v9 =	vmul.f32 v18, v18;
	v15 =	vld [tilespmem:s15+$0xFFFFFFC0];
	[tilespmem:$0x1FF20] =	vst v20  }
0x5d: {  	v18 =	vmul.f32 v19, v19;
	v19 =	vmul.f32 v21, v21;
	v21 =	vadd.f32 v13, v0;
	[tilespmem:$0x1FF30] =	vst v22  }
0x5e: {  	v16 =	vld [tilespmem:s15+$0xFFFFFFD0]  }
0x5f: {  	[tilespmem:$0x1FE70] =	vst v21;
	v24 =	vadd.f32 v10, v1  }
0x60: {  	v13 =	vld [tilespmem:s15+$0xFFFFFFE0];
	v10 =	vmul.f32 v22, v22;
	v22 =	vadd.f32 v11, v2  }
0x61: {  	(xrf2) =	vadd.scan.msk.f32 $0xffff, v8;
	v8 =	vmul.f32 v20, v20;
	[tilespmem:$0x1FE80] =	vst v24;
	v23 =	vadd.f32 v12, v3  }
0x62: {  	v11 =	vmul.f32 v21, v21;
	v21 =	vmul.f32 v24, v24;
	v20 =	vld [tilespmem:s15+$0xFFFFFFF0];
	[tilespmem:$0x1FE90] =	vst v22;
	v24 =	vadd.f32 v15, v4  }
0x63: {  	v15 =	vmul.f32 v22, v22;
	[tilespmem:$0x1FEA0] =	vst v23;
	v22 =	vadd.f32 v16, v5  }
0x64: {  	v9 =	vadd.f32 v9, v14;
	v12 =	vld [tilespmem:s15+$0x0];
	[tilespmem:$0x1FEB0] =	vst v24  }
0x65: {  	v18 =	vadd.f32 v19, v18;
	v19 =	vmul.f32 v23, v23;
	v23 =	vadd.f32 v13, v6;
	v14 =	vld [tilespmem:s15+$0x10];
	[tilespmem:$0x1FF40] =	vst v22  }
0x66: {  	v16 =	vld [tilespmem:s15+$0xFFFFFF00]  }
0x67: {  	[tilespmem:$0x1FF50] =	vst v23  }
0x68: {  	v8 =	vadd.f32 v10, v8;
	v13 =	vmul.f32 v24, v24;
	v10 =	vld [tilespmem:s15+$0x20];
	v24 =	vadd.f32 v20, v7  }
0x69: {  	v11 =	vadd.f32 v21, v11;
	v21 =	vmul.f32 v23, v23;
	v23 =	vadd.f32 v12, v0  }
0x6a: {  	v20 =	vmul.f32 v22, v22;
	[tilespmem:$0x1FF60] =	vst v24;
	v22 =	vadd.f32 v14, v1  }
0x6b: {  	v8 =	vadd.f32 v8, v18;
	v12 =	vmul.f32 v24, v24;
	[tilespmem:$0x1FF70] =	vst v23;
	v24 =	vadd.f32 v16, v0  }
0x6c: {  	v15 =	vadd.f32 v19, v15;
	v18, _, _ =	vpop (xrf2);
	v13 =	vadd.f32 v20, v13;
	v14 =	vmul.f32 v17, v17;
	v19 =	vld [tilespmem:s15+$0x30];
	[tilespmem:$0x1FF90] =	vst v22  }
0x6d: {  	v12 =	vadd.f32 v12, v21;
	v17 =	vadd.f32 v10, v2;
	v10 =	vbroadcast v18, $0xF;
	[tilespmem:$0x1FEC0] =	vst v24  }
0x6e: {  	v11 =	vadd.f32 v15, v11;
	v18 =	vmul.f32 v24, v24;
	v16 =	vld [tilespmem:s15+$0x40]  }
0x6f: {  	v12 =	vadd.f32 v12, v13;
	v20 =	vld [tilespmem:s15+$0x50];
	[tilespmem:$0x1FFA0] =	vst v17;
	v15 =	vshra.s32 v10, $0x1;
	v10 =	vmul.f32 $5.000000000e-01, v10  }
0x70: {  	v21 =	vld [tilespmem:s15+$0x60];
	v14 =	vadd.f32 v14, v18;
	v15 =	vsub.s32 $0x5F3759DF, v15  }
0x71: {  	v13 =	vld [tilespmem:s15+$0x70];
	v11 =	vadd.f32 v12, v11;
	v12 =	vmul.f32 v15, v10  }
0x72: {  	v19 =	vadd.f32 v19, v3;
	v9 =	vadd.f32 v9, v14  }
0x73: {  	v14 =	vmul.f32 v22, v22;
	(xrf2) =	vadd.scan.msk.f32 $0xffff, v11;
	v11 =	vmul.f32 v15, v12;
	v22 =	vadd.f32 v16, v4  }
0x74: {  	v18 =	vmul.f32 v23, v23;
	[tilespmem:$0x1FFB0] =	vst v19;
	v20 =	vadd.f32 v20, v5;
	v8 =	vadd.f32 v8, v9  }
0x75: {  	v9 =	vmul.f32 v19, v19;
	v19 =	vadd.f32 v21, v6;
	v11 =	vsub.f32 $1.500000000e+00, v11;
	[tilespmem:$0x1FFC0] =	vst v22  }
0x76: {  	v16 =	vmul.f32 v17, v17;
	v17 =	vadd.f32 v13, v7;
	[tilespmem:$0x1FFD0] =	vst v20;
	v12 =	vmul.f32 v22, v22  }
0x77: {  	v14 =	vadd.f32 v14, v18;
	v13 =	vmul.f32 v20, v20;
	[tilespmem:$0x1FFE0] =	vst v19;
	v11 =	vmul.f32 v15, v11  }
0x78: {  	s22 =	simm.s32 $0x700;
	(xrf2) =	vadd.scan.msk.f32 $0xffff, v8;
	[tilespmem:$0x1FFF0] =	vst v17;
	v8 =	vmul.f32 v19, v19;
	v19 =	vmul.f32 v17, v17  }
0x79: {  	v9 =	vadd.f32 v9, v16;
	v12 =	vadd.f32 v13, v12;
	v13 =	vld [tilespmem:s22+$0x80];
	v10 =	vmul.f32 v11, v10  }
0x7a: {  	v15 =	vld [tilespmem:s22+$0x90];
	v8 =	vadd.f32 v19, v8  }
0x7b: {  	v9 =	vadd.f32 v9, v14;
	v14 =	vld [tilespmem:s22+$0xB0];
	v10 =	vmul.f32 v10, v11  }
0x7c: {  	v16 =	vld [tilespmem:s22+$0xC0];
	v8 =	vadd.f32 v8, v12  }
0x7d: {  	v19 =	vld [tilespmem:s22+$0xD0];
	v10 =	vsub.f32 $1.500000000e+00, v10  }
0x7e: {  	v12 =	vld [tilespmem:s22+$0xA0];
	v8 =	vadd.f32 v8, v9  }
0x7f: {  	v9, _, _ =	vpop (xrf2);
	v46 =	vmul.f32 v10, v11;
	v11 =	vld [tilespmem:s22+$0xF0]  }
0x80: {  	v23 =	vadd.f32 v15, v1;
	v9 =	vbroadcast v9, $0xF;
	(xrf2) =	vadd.scan.msk.f32 $0xffff, v8  }
0x81: {  	v18 =	vadd.f32 v14, v3;
	v16 =	vadd.f32 v16, v4;
	v8 =	vld [tilespmem:s22+$0xE0]  }
0x82: {  	v32 =	vadd.f32 v13, v0;
	v15 =	vadd.f32 v19, v5;
	v13 =	vmul.f32 v23, v23  }
0x83: {  	v19 =	vmul.f32 v18, v18;
	v21 =	vmul.f32 v16, v16;
	v10 =	vshra.s32 v9, $0x1  }
0x84: {  	v63 =	vmul.f32 $5.000000000e-01, v9;
	v34 =	vadd.f32 v12, v2;
	v9, _, _ =	vpop (xrf2);
	v14 =	vadd.f32 v11, v7  }
0x85: {  	v29 =	vmul.f32 v15, v15;
	v10 =	vsub.s32 $0x5F3759DF, v10;
	v9 =	vbroadcast v9, $0xF  }
0x86: {  	v12 =	vmul.f32 v10, v63;
	v37 =	vadd.f32 v8, v6;
	v8 =	vmul.f32 v32, v32;
	[tilespmem:$0x1FF80] =	vst v14  }
0x87: {  	v11 =	vmul.f32 v34, v34;
	v25 =	vmul.f32 $5.000000000e-01, v9;
	v26 =	vld [tilespmem:s22+$0xFFFFFF20]  }
0x88: {  	v17 =	vmul.f32 v37, v37;
	v14 =	vmul.f32 v14, v14;
	v33 =	vld [tilespmem:s22+$0xFFFFFF30]  }
0x89: {  	v21 =	vadd.f32 v29, v21;
	v12 =	vmul.f32 v10, v12;
	v8 =	vadd.f32 v13, v8;
	v24 =	vld [tilespmem:s22+$0xFFFFFF40]  }
0x8a: {  	v11 =	vadd.f32 v19, v11;
	v29 =	vld [tilespmem:s22+$0xFFFFFF50];
	[tilespmem:$0x1FE50] =	vst v25;
	v17 =	vadd.f32 v14, v17;
	v19, _, _ =	vpop (xrf2)  }
0x8b: {  	v13 =	vshra.s32 v9, $0x1;
	v12 =	vsub.f32 $1.500000000e+00, v12;
	v22 =	vld [tilespmem:s22+$0xFFFFFF60];
	v9 =	vbroadcast v19, $0xF  }
0x8c: {  	v14 =	vsub.s32 $0x5F3759DF, v13;
	v8 =	vadd.f32 v11, v8;
	v20 =	vld [tilespmem:s22+$0xFFFFFF70];
	v11 =	vadd.f32 v17, v21  }
0x8d: {  	v52 =	vmul.f32 v10, v12;
	v21 =	vld [tilespmem:s22+$0xFFFFFF80];
	v13 =	vshra.s32 v9, $0x1;
	v38 =	vmul.f32 $5.000000000e-01, v9  }
0x8e: {  	v19 =	vld [tilespmem:s22+$0xFFFFFF90];
	v40 =	vadd.f32 v11, v8;
	v8 =	vmul.f32 v14, v25;
	v10 =	vadd.f32 v33, v3  }
0x8f: {  	v27 =	vadd.f32 v29, v5;
	v17 =	vsub.s32 $0x5F3759DF, v13;
	v13 =	vadd.f32 v26, v2  }
0x90: {  	v39 =	vld [tilespmem:s22+$0xFFFFFFB0];
	v12 =	vadd.f32 v22, v6;
	v26 =	vmul.f32 v14, v8;
	v8 =	vadd.f32 v24, v4  }
0x91: {  	v11 =	vadd.f32 v20, v7;
	v9 =	vmul.f32 v17, v38;
	v24 =	vld [tilespmem:s22+$0xFFFFFFA0];
	v60 =	vmul.f32 v13, v13  }
0x92: {  	v25 =	vld [tilespmem:s22+$0xFFFFFFC0];
	[tilespmem:$0x1FD70] =	vst v27;
	v20 =	vmovc v8;
	v8 =	vadd.f32 v21, v0;
	v21 =	vmov v10;
	v10 =	vmul.f32 v10, v10  }
0x93: {  	v29 =	vmul.f32 v27, v27;
	(xrf2) =	vadd.scan.msk.f32 $0xffff, v40;
	v36 =	vld [tilespmem:s22+$0xFFFFFFD0];
	v30 =	vmul.f32 v17, v9;
	v9 =	vadd.f32 v19, v1  }
0x94: {  	v35 =	vld [tilespmem:s22+$0xFFFFFFE0];
	v31 =	vmul.f32 v20, v20;
	[tilespmem:$0x1FD80] =	vst v8;
	v22 =	vmul.f32 v8, v8;
	v8 =	vadd.f32 v10, v60  }
0x95: {  	v28 =	vmul.f32 v12, v12;
	v26 =	vsub.f32 $1.500000000e+00, v26;
	v30 =	vsub.f32 $1.500000000e+00, v30;
	[tilespmem:$0x1FD90] =	vst v9  }
0x96: {  	v19 =	vmul.f32 v9, v9;
	v40 =	vadd.f32 v29, v31;
	v10 =	vadd.f32 v24, v2;
	[tilespmem:$0x1FE60] =	vst v8  }
0x97: {  	v49 =	vmul.f32 v17, v30;
	v30 =	vmin.f32 v46, $9.999999950e+11;
	v8 =	vadd.f32 v39, v3;
	v31 =	vld [tilespmem:s22+$0xFFFFFFF0]  }
0x98: {  	v51 =	vmul.f32 v14, v26;
	v9 =	vadd.f32 v25, v4;
	v60 =	vmul.f32 v30, v43;
	v14 =	vld [tilespmem:s22+$0x0];
	[tilespmem:$0x1FDA0] =	vst v10  }
0x99: {  	v61 =	vmul.f32 v10, v10;
	v43 =	vld [tilespmem:s22+$0x10];
	[tilespmem:$0x1FDB0] =	vst v8;
	v8 =	vmul.f32 v8, v8  }
0x9a: {  	v27 =	vmul.f32 v11, v11;
	v42 =	vadd.f32 v19, v22;
	v19 =	vadd.f32 v36, v5;
	v10 =	vld [tilespmem:s22+$0x20];
	[tilespmem:$0x1FDC0] =	vst v9  }
0x9b: {  	v22 =	vadd.f32 v35, v6;
	v55 =	vmul.f32 v30, v50;
	v35 =	vadd.f32 v8, v61;
	v8 =	vld [tilespmem:s22+$0x30]  }
0x9c: {  	v62 =	vmul.f32 v19, v19;
	v39 =	vld [tilespmem:s22+$0x40];
	v29 =	vadd.f32 v31, v7;
	v31 =	vmul.f32 v9, v9  }
0x9d: {  	v27 =	vadd.f32 v27, v28;
	v56 =	vmul.f32 v30, v41;
	v54 =	vmul.f32 v30, v54;
	v28 =	vld [tilespmem:s22+$0x50];
	[tilespmem:$0x1FDD0] =	vst v2  }
0x9e: {  	v47 =	vadd.f32 v62, v31;
	v62 =	vmul.f32 v30, v53;
	v53 =	vadd.f32 v35, v42;
	v42 =	vld [tilespmem:s22+$0xFFFFFF10];
	[tilespmem:$0x1FDE0] =	vst v3  }
0x9f: {  	v57 =	vmul.f32 v30, v44;
	v58 =	vmul.f32 v30, v58;
	v61 =	vadd.f32 v27, v40;
	v44 =	vld [tilespmem:s22+$0x60];
	[tilespmem:$0x1FDF0] =	vst v4  }
0xa0: {  	v59 =	vmul.f32 v30, v48;
	v27 =	vadd.f32 v14, v0;
	v9 =	vadd.f32 v43, v1;
	[tilespmem:$0x1FE00] =	vst v5  }
0xa1: {  	v31 =	vmul.f32 v22, v22;
	v26 =	vmul.f32 v29, v29;
	v30, _, _ =	vpop (xrf2);
	v17 =	vadd.f32 v10, v2;
	v50 =	vld [tilespmem:s22+$0xFFFFFF00]  }
0xa2: {  	v43 =	vmul.f32 v27, v27;
	v35 =	vbroadcast v30, $0xF;
	v30 =	vadd.f32 v8, v3;
	v40 =	vld [tilespmem:s22+$0x70];
	[tilespmem:$0x1FE10] =	vst v1  }
0xa3: {  	v46 =	vmul.f32 v9, v9;
	v10 =	vadd.f32 v28, v5;
	v45 =	vadd.f32 v26, v31;
	[tilespmem:$0x1FE20] =	vst v0  }
0xa4: {  	v26 =	vadd.f32 v39, v4;
	v39 =	vmul.f32 v17, v17;
	[tilespmem:$0x1FE30] =	vst v6;
	v2 =	vmul.f32 v30, v30  }
0xa5: {  	s31 =	simm.s32 $0x10500;
	[tilespmem:$0x1FE40] =	vst v7;
	v46 =	vadd.f32 v46, v43;
	v5 =	vmul.f32 v10, v10  }
0xa6: {  	[tilespmem:s31+$0xF0] =	vst v60;
	v48 =	vmul.f32 v26, v26;
	v43 =	vadd.f32 v2, v39;
	v39 =	vmul.f32 v52, v63  }
0xa7: {  	[tilespmem:s31+$0x80] =	vst v55  }
0xa8: {  	[tilespmem:s31+$0x90] =	vst v56;
	v48 =	vadd.f32 v5, v48;
	v5 =	vmul.f32 v39, v52  }
0xa9: {  	[tilespmem:s31+$0xA0] =	vst v54  }
0xaa: {  	v41 =	vmul.f32 $5.000000000e-01, v35;
	v36 =	vshra.s32 v35, $0x1;
	v39 =	vsub.f32 $1.500000000e+00, v5;
	v5 =	vld [tilespmem:$0x1FE50];
	[tilespmem:s31+$0xB0] =	vst v57  }
0xab: {  	v63 =	vsub.s32 $0x5F3759DF, v36;
	v28 =	vadd.f32 v44, v6;
	v14 =	vadd.f32 v40, v7;
	v7 =	vld [tilespmem:$0x1FE60];
	[tilespmem:s31+$0xC0] =	vst v58  }
0xac: {  	v4 =	vmul.f32 v63, v41;
	[tilespmem:s31+$0xD0] =	vst v59  }
0xad: {  	v2 =	vmul.f32 v28, v28;
	v3 =	vmul.f32 v14, v14;
	v36 =	vld [tilespmem:$0x1FE70]  }
0xae: {  	v31 =	vadd.f32 v50, v0  }
0xaf: {  	v0 =	vmul.f32 v63, v4;
	v39 =	vmul.f32 v39, v52;
	v4 =	vadd.f32 v3, v2  }
0xb0: {  	[tilespmem:s31+$0xE0] =	vst v62  }
0xb1: {  	v44 =	vadd.f32 v4, v48;
	v39 =	vmin.f32 v39, $9.999999950e+11;
	v48 =	vld [tilespmem:$0x1FE80]  }
0xb2: {  	v35 =	vmul.f32 v49, v38;
	v38 =	vmul.f32 v39, v36;
	_ =	sdelay $0x1  }
0xb3: {  	[tilespmem:s31+$0xFFFFFF80] =	vst v38  }
0xb4: {  	v33 =	vadd.f32 v42, v1;
	v52 =	vld [tilespmem:$0x1FE90]  }
0xb5: {  	v50 =	vmul.f32 v39, v48  }
0xb6: {  	v42 =	vmul.f32 v33, v33;
	v1 =	vmul.f32 v31, v31  }
0xb7: {  	v45 =	vadd.f32 v45, v47;
	[tilespmem:s31+$0xFFFFFF90] =	vst v50  }
0xb8: {  	v42 =	vadd.f32 v42, v1;
	v59 =	vld [tilespmem:$0x1FEA0]  }
0xb9: {  	v45 =	vadd.f32 v45, v53;
	v53 =	vmul.f32 v39, v52  }
0xba: {  	v42 =	vadd.f32 v7, v42  }
0xbb: {  	[tilespmem:s31+$0xFFFFFFA0] =	vst v53  }
0xbc: {  	v6 =	vmul.f32 v51, v5;
	v42 =	vadd.f32 v61, v42;
	v61 =	vld [tilespmem:$0x1FEB0]  }
0xbd: {  	v60 =	vmul.f32 v39, v59  }
0xbe: {  	v43 =	vadd.f32 v43, v46;
	v40 =	vsub.f32 $1.500000000e+00, v0;
	v46 =	vmul.f32 v6, v51  }
0xbf: {  	[tilespmem:s31+$0xFFFFFFB0] =	vst v60  }
0xc0: {  	v40 =	vmul.f32 v63, v40;
	v46 =	vsub.f32 $1.500000000e+00, v46;
	v63 =	vld [tilespmem:$0x1FEC0]  }
0xc1: {  	v62 =	vmul.f32 v39, v61  }
0xc2: {  	v51 =	vmul.f32 v46, v51;
	v5 =	vld [tilespmem:$0x1FED0]  }
0xc3: {  	[tilespmem:s31+$0xFFFFFFC0] =	vst v62  }
0xc4: {  	(xrf2) =	vadd.scan.msk.f32 $0xffff, v45;
	v45 =	vmin.f32 v51, $9.999999950e+11;
	v7 =	vld [tilespmem:$0x1FEE0]  }
0xc5: {  	v4 =	vmul.f32 v45, v63  }
0xc6: {  	v36 =	vld [tilespmem:$0x1FEF0]  }
0xc7: {  	v6 =	vmul.f32 v45, v5;
	[tilespmem:s31+$0xFFFFFF00] =	vst v4  }
0xc8: {  	v55 =	vld [tilespmem:$0x1FF00]  }
0xc9: {  	v47 =	vmul.f32 v35, v49;
	v56 =	vld [tilespmem:$0x1FF10];
	[tilespmem:s31+$0xFFFFFF10] =	vst v6;
	v35 =	vmul.f32 v45, v7  }
0xca: {  	v57 =	vld [tilespmem:$0x1FF20]  }
0xcb: {  	v59 =	vld [tilespmem:$0x1FF30];
	v38 =	vmul.f32 v45, v36;
	[tilespmem:s31+$0xFFFFFF20] =	vst v35  }
0xcc: {  	v41 =	vmul.f32 v40, v41;
	v61 =	vld [tilespmem:$0x1FF40]  }
0xcd: {  	v43 =	vadd.f32 v44, v43;
	v44 =	vmul.f32 v45, v55;
	v63 =	vld [tilespmem:$0x1FF50];
	[tilespmem:s31+$0xFFFFFF30] =	vst v38  }
0xce: {  	v41 =	vmul.f32 v41, v40;
	(xrf2) =	vadd.scan.msk.f32 $0xffff, v42;
	v5 =	vld [tilespmem:$0x1FF60]  }
0xcf: {  	v7 =	vld [tilespmem:$0x1FF70];
	[tilespmem:s31+$0xFFFFFF40] =	vst v44  }
0xd0: {  	v41 =	vsub.f32 $1.500000000e+00, v41;
	v36 =	vld [tilespmem:$0x1FF80]  }
0xd1: {  	v47 =	vsub.f32 $1.500000000e+00, v47  }
0xd2: {  	v40 =	vmul.f32 v41, v40  }
0xd3: {  	v54 =	vmul.f32 v47, v49;
	(xrf2) =	vadd.scan.msk.f32 $0xffff, v43;
	v47 =	vmul.f32 v45, v56  }
0xd4: {  	v42 =	vmin.f32 v40, $9.999999950e+11  }
0xd5: {  	[tilespmem:s31+$0xFFFFFF50] =	vst v47;
	v38 =	vmul.f32 v42, v36  }
0xd6: {  	s3 =	simm.s32 $0x10700;
	v58 =	vmul.f32 v45, v57;
	v60 =	vmul.f32 v45, v59;
	v45 =	vld [tilespmem:$0x1FF90]  }
0xd7: {  	v6, _, _ =	vpop (xrf2);
	v47 =	vld [tilespmem:$0x1FFA0];
	[tilespmem:s3+$0xF0] =	vst v38  }
0xd8: {  	v51 =	vmin.f32 v54, $9.999999950e+11;
	v40 =	vbroadcast v6, $0xF;
	v53, _, _ =	vpop (xrf2);
	v62 =	vmul.f32 v39, v61;
	v54 =	vld [tilespmem:$0x1FFB0];
	[tilespmem:s31+$0xFFFFFF60] =	vst v58  }
0xd9: {  	v41 =	vbroadcast v53, $0xF;
	v4 =	vmul.f32 v39, v63;
	v56 =	vld [tilespmem:$0x1FFC0];
	[tilespmem:s31+$0xFFFFFF70] =	vst v60  }
0xda: {  	v50 =	vshra.s32 v40, $0x1;
	v40 =	vmul.f32 $5.000000000e-01, v40;
	v39 =	vmul.f32 v39, v5;
	v58 =	vld [tilespmem:$0x1FFD0];
	[tilespmem:s31+$0xFFFFFFD0] =	vst v62  }
0xdb: {  	v50 =	vsub.s32 $0x5F3759DF, v50;
	v59 =	vshra.s32 v41, $0x1;
	v41 =	vmul.f32 $5.000000000e-01, v41;
	v61 =	vld [tilespmem:$0x1FFE0];
	[tilespmem:s31+$0xFFFFFFE0] =	vst v4  }
0xdc: {  	v57 =	vmul.f32 v50, v40;
	v53 =	vsub.s32 $0x5F3759DF, v59;
	[tilespmem:s31+$0xFFFFFFF0] =	vst v39  }
0xdd: {  	v52 =	vmul.f32 v53, v41;
	v35 =	vmul.f32 v51, v7;
	v60, _, _ =	vpop (xrf2);
	v63 =	vld [tilespmem:$0x1FFF0]  }
0xde: {  	v44 =	vmul.f32 v51, v45;
	v62 =	vbroadcast v60, $0xF  }
0xdf: {  	v45 =	vmul.f32 v51, v54;
	v54 =	vmul.f32 v50, v57  }
0xe0: {  	v43 =	vmul.f32 v51, v47;
	v39 =	vmul.f32 $5.000000000e-01, v62  }
0xe1: {  	v46 =	vmul.f32 v51, v56;
	v47 =	vmul.f32 v51, v58;
	v54 =	vsub.f32 $1.500000000e+00, v54  }
0xe2: {  	s15 =	simm.s32 $0x4;
	s22 =	simm.s32 $0x900;
	[tilespmem:s31+$0x0] =	vst v35;
	v48 =	vmul.f32 v51, v61;
	v49 =	vmul.f32 v51, v63;
	v51 =	vshra.s32 v62, $0x1  }
.LBB2_2:
0xe3: {  	v55 =	vld [tilespmem:s22+$0x80]  }
0xe4: {  	v36 =	vld [tilespmem:s22+$0x90]  }
0xe5: {  	v60 =	vld [tilespmem:s22+$0xA0]  }
0xe6: {  	v58 =	vld [tilespmem:s22+$0xB0]  }
0xe7: {  	v61 =	vld [tilespmem:s22+$0xC0]  }
0xe8: {  	v63 =	vld [tilespmem:s22+$0xD0]  }
0xe9: {  	v1 =	vld [tilespmem:s22+$0xE0]  }
0xea: {  	[tilespmem:$0x1FD00] =	vst v13;
	v5 =	vld [tilespmem:s22+$0xFFFFFF10]  }
0xeb: {  	[tilespmem:$0x1FD10] =	vst v21;
	v21 =	vld [tilespmem:$0x1FE20]  }
0xec: {  	[tilespmem:$0x1FD30] =	vst v27;
	v13 =	vld [tilespmem:$0x1FE10]  }
0xed: {  	[tilespmem:$0x1FD40] =	vst v17;
	v51 =	vsub.s32 $0x5F3759DF, v51;
	v25 =	vmul.f32 v42, v32;
	v56 =	vmul.f32 v42, v23;
	v17 =	vld [tilespmem:$0x1FDD0]  }
0xee: {  	[tilespmem:$0x1FD20] =	vst v22;
	v22 =	vld [tilespmem:$0x1FE00];
	v50 =	vmul.f32 v50, v54;
	v38 =	vmul.f32 v51, v39  }
0xef: {  	[tilespmem:$0x1FD60] =	vst v26;
	v57 =	vmul.f32 v42, v34;
	v26 =	vld [tilespmem:$0x1FE30];
	v52 =	vmul.f32 v53, v52  }
0xf0: {  	[tilespmem:$0x1FD50] =	vst v30;
	v6 =	vld [tilespmem:s22+$0xFFFFFF20];
	v23 =	vmul.f32 v50, v40;
	v24 =	vmul.f32 v51, v38  }
0xf1: {  	[tilespmem:s31+$0x20] =	vst v43;
	v62 =	vmul.f32 v42, v18;
	v2 =	vmul.f32 v42, v15;
	v3 =	vld [tilespmem:s22+$0xF0]  }
0xf2: {  	v30 =	vmovc v33;
	v33 =	vmovc v19;
	v19 =	vld [tilespmem:$0x1FDE0];
	[tilespmem:s31+$0x10] =	vst v44;
	v52 =	vsub.f32 $1.500000000e+00, v52;
	v18 =	vmul.f32 v23, v50;
	v23 =	vsub.f32 $1.500000000e+00, v24  }
0xf3: {  	v4 =	vmul.f32 v42, v37;
	v7 =	vld [tilespmem:s22+$0xFFFFFF40];
	[tilespmem:s3+$0x80] =	vst v25;
	v32 =	vadd.f32 v55, v21;
	v25 =	vadd.f32 v60, v17  }
0xf4: {  	[tilespmem:s3+$0x90] =	vst v56;
	v56 =	vld [tilespmem:s22+$0xFFFFFF30];
	v40 =	vmul.f32 v53, v52;
	v15 =	vadd.f32 v63, v22;
	v37 =	vadd.f32 v1, v26  }
0xf5: {  	v0 =	vmul.f32 v42, v16;
	v27 =	vld [tilespmem:$0x1FE40];
	[tilespmem:s31+$0x30] =	vst v45;
	v42 =	vadd.f32 v5, v13;
	v43 =	vadd.f32 v6, v17  }
0xf6: {  	[tilespmem:s3+$0xB0] =	vst v62;
	v62 =	vld [tilespmem:s22+$0xFFFFFF90];
	v16 =	vmul.f32 v40, v41;
	v59 =	vsub.f32 $1.500000000e+00, v18;
	v41 =	vmul.f32 v51, v23  }
0xf7: {  	v38 =	vmovc v20;
	v20 =	vld [tilespmem:$0x1FDF0];
	v23 =	vadd.f32 v36, v13;
	v34 =	vmul.f32 v32, v32;
	v36 =	vmul.f32 v25, v25  }
0xf8: {  	[tilespmem:s3+$0xE0] =	vst v4;
	v4 =	vld [tilespmem:s22+$0xFFFFFF70];
	v18 =	vadd.f32 v58, v19;
	v5 =	vmul.f32 v37, v37;
	v53 =	vmul.f32 v43, v43  }
0xf9: {  	[tilespmem:s31+$0x40] =	vst v46;
	v60 =	vld [tilespmem:s22+$0xFFFFFF80];
	v46 =	vadd.f32 v56, v19;
	v45 =	vmul.f32 v16, v40;
	v55 =	vmul.f32 v41, v39  }
0xfa: {  	[tilespmem:s31+$0x50] =	vst v47;
	v52 =	vld [tilespmem:s22+$0xFFFFFF50];
	v50 =	vmul.f32 v59, v50;
	v35 =	vmul.f32 v23, v23;
	v39 =	vadd.f32 v3, v27  }
0xfb: {  	[tilespmem:s3+$0xC0] =	vst v0;
	v62 =	vadd.f32 v62, v13;
	v0 =	vmul.f32 v18, v18;
	v3 =	vmul.f32 v15, v15;
	v59 =	vld [tilespmem:s22+$0xFFFFFFD0]  }
0xfc: {  	[tilespmem:s31+$0x60] =	vst v48;
	v16 =	vadd.f32 v61, v20;
	v47 =	vadd.f32 v7, v20;
	v7 =	vld [tilespmem:s22+$0xFFFFFFA0];
	v6 =	vmul.f32 v39, v39  }
0xfd: {  	[tilespmem:s31+$0x70] =	vst v49;
	v54 =	vld [tilespmem:s22+$0xFFFFFFC0];
	v48 =	vadd.f32 v35, v34;
	v49 =	vadd.f32 v0, v36;
	v63 =	vmul.f32 v55, v41  }
0xfe: {  	[tilespmem:s3+$0xD0] =	vst v2;
	v1 =	vld [tilespmem:s22+$0xFFFFFF60];
	v0 =	vadd.f32 v60, v21;
	v2 =	vmul.f32 v16, v16;
	v44 =	vadd.f32 v6, v5  }
0xff: {  	v34 =	vld [tilespmem:s22+$0xFFFFFFB0];
	v51 =	vmul.f32 v47, v47;
	v35 =	vadd.f32 v49, v48;
	v49 =	vadd.f32 v52, v22  }
0x100: {  	[tilespmem:s3+$0xA0] =	vst v57;
	v60 =	vld [tilespmem:s22+$0xFFFFFFE0];
	v52 =	vmul.f32 v46, v46;
	v48 =	vadd.f32 v4, v27;
	v57 =	vadd.f32 v3, v2  }
0x101: {  	v8 =	vadd.f32 v59, v22;
	v36 =	vmul.f32 v49, v49;
	v3 =	vadd.f32 v7, v17  }
0x102: {  	v56 =	vld [tilespmem:s22+$0xFFFFFFF0];
	v2 =	vmul.f32 v48, v48;
	v6 =	vadd.f32 v52, v53;
	v57 =	vadd.f32 v44, v57  }
0x103: {  	v24 =	vmovc v14;
	v14 =	vmovc v10;
	v10 =	vld [tilespmem:s22+$0x30];
	v7 =	vadd.f32 v54, v20;
	v44 =	vmin.f32 v50, $9.999999950e+11;
	v50 =	vadd.f32 v1, v26  }
0x104: {  	v5 =	vld [tilespmem:s22+$0x0];
	v4 =	vadd.f32 v34, v19;
	v34 =	vmul.f32 v0, v0;
	v57 =	vadd.f32 v57, v35  }
0x105: {  	v54 =	vld [tilespmem:s22+$0x10];
	v59 =	vadd.f32 v60, v26;
	v60 =	vmul.f32 v8, v8;
	v51 =	vadd.f32 v36, v51  }
0x106: {  	v1 =	vmul.f32 v50, v50;
	v35 =	vmul.f32 v62, v62;
	v36 =	vmovc v9;
	v9 =	vld [tilespmem:s22+$0x20];
	(xrf2) =	vadd.scan.msk.f32 $0xffff, v57  }
0x107: {  	v53 =	vadd.f32 v56, v27;
	v52 =	vmul.f32 v3, v3;
	v58 =	vmul.f32 v4, v4  }
0x108: {  	v1 =	vadd.f32 v2, v1;
	v2 =	vmul.f32 v7, v7;
	v55 =	vadd.f32 v35, v34  }
0x109: {  	v57 =	vld [tilespmem:s22+$0x40];
	v34 =	vmovc v28;
	v28 =	vmov v11;
	v52 =	vadd.f32 v58, v52;
	v58 =	vadd.f32 v5, v21  }
0x10a: {  	v11 =	vmul.f32 v59, v59;
	v5 =	vld [tilespmem:s22+$0x50];
	v56 =	vadd.f32 v54, v13;
	v54 =	vadd.f32 v10, v19;
	v35 =	vmovc v29  }
0x10b: {  	v29 =	vmovc v12;
	v12 =	vmul.f32 v53, v53;
	v2 =	vadd.f32 v60, v2;
	v60 =	vadd.f32 v9, v17;
	v9 =	vld [tilespmem:s22+$0x70]  }
0x10c: {  	v1 =	vadd.f32 v1, v51;
	v51 =	vmul.f32 v58, v58;
	v10 =	vmul.f32 v56, v56;
	v17 =	vld [tilespmem:s22+$0xFFFFFF00]  }
0x10d: {  	v13 =	vld [tilespmem:s22+$0x60];
	v11 =	vadd.f32 v12, v11  }
0x10e: {  	v12 =	vadd.f32 v52, v55;
	v10 =	vadd.f32 v10, v51  }
0x10f: {  	v61 =	vmul.f32 v42, v42;
	v57 =	vadd.f32 v57, v20;
	v55 =	vadd.f32 v5, v22  }
0x110: {  	v5 =	vmul.f32 v54, v54;
	v19 =	vmul.f32 v60, v60;
	v2 =	vadd.f32 v11, v2;
	v52, _, _ =	vpop (xrf2)  }
0x111: {  	v51 =	vadd.f32 v9, v27;
	v17 =	vadd.f32 v17, v21;
	v20 =	vbroadcast v52, $0xF  }
0x112: {  	v21 =	vmul.f32 v55, v55;
	v52 =	vadd.f32 v13, v26;
	v13 =	vmul.f32 v57, v57  }
0x113: {  	v26 =	vmul.f32 v17, v17;
	v9 =	vshra.s32 v20, $0x1;
	v20 =	vmul.f32 $5.000000000e-01, v20  }
0x114: {  	v5 =	vadd.f32 v5, v19;
	v22 =	vmul.f32 v52, v52;
	v9 =	vsub.s32 $0x5F3759DF, v9  }
0x115: {  	v13 =	vadd.f32 v21, v13;
	v11 =	vadd.f32 v61, v26;
	v21 =	vld [tilespmem:$0x1FD80];
	v19 =	vmul.f32 v9, v20  }
0x116: {  	v27 =	vmul.f32 v51, v51  }
0x117: {  	v5 =	vadd.f32 v5, v10;
	v6 =	vadd.f32 v6, v11;
	v10 =	vmul.f32 v9, v19  }
0x118: {  	v19 =	vadd.f32 v27, v22;
	v22 =	vmovc v0;
	v0 =	vadd.f32 v2, v12;
	v12 =	vmov v62;
	v62 =	vld [tilespmem:$0x1FDB0]  }
0x119: {  	v61 =	vsub.f32 $1.500000000e+00, v10;
	v10 =	vld [tilespmem:$0x1FD90]  }
0x11a: {  	v1 =	vadd.f32 v1, v6;
	v21 =	vmul.f32 v44, v21;
	[tilespmem:$0x1FD90] =	vst v12;
	v11 =	vadd.f32 v19, v13;
	v12 =	vld [tilespmem:$0x1FDA0]  }
0x11b: {  	v6 =	vmul.f32 v44, v33;
	v33 =	vmovc v42;
	[tilespmem:$0x1FD80] =	vst v22;
	v2 =	vmul.f32 v9, v61;
	v61 =	vsub.f32 $1.500000000e+00, v45  }
0x11c: {  	v42 =	vld [tilespmem:$0x1FD10];
	(xrf2) =	vadd.scan.msk.f32 $0xffff, v0;
	v13 =	vmovc v3;
	[tilespmem:s3+$0xFFFFFF80] =	vst v21;
	v9 =	vsub.f32 $1.500000000e+00, v63;
	v3 =	vadd.f32 v11, v5  }
0x11d: {  	[tilespmem:$0x1FDA0] =	vst v13;
	v19 =	vmovc v8;
	v8 =	vmov v49;
	v11 =	vmul.f32 v44, v62;
	v0 =	vmul.f32 v61, v40;
	v40 =	vld [tilespmem:$0x1FDC0]  }
0x11e: {  	v45 =	vmul.f32 v9, v41;
	v9 =	vld [tilespmem:$0x1FD70];
	[tilespmem:$0x1FD70] =	vst v8;
	v10 =	vmul.f32 v44, v10  }
0x11f: {  	v63 =	vmul.f32 v2, v20;
	v41 =	vld [tilespmem:$0x1FD00];
	v12 =	vmul.f32 v44, v12;
	[tilespmem:s3+$0xFFFFFFB0] =	vst v11  }
0x120: {  	v0 =	vmin.f32 v0, $9.999999950e+11;
	[tilespmem:s3+$0xFFFFFF90] =	vst v10  }
0x121: {  	v61 =	vmov v7;
	v62 =	vmul.f32 v63, v2;
	[tilespmem:s3+$0xFFFFFFA0] =	vst v12;
	v63 =	vmul.f32 v0, v31  }
0x122: {  	(xrf2) =	vadd.scan.msk.f32 $0xffff, v1;
	v22 =	vmov v59;
	v8 =	vld [tilespmem:$0x1FD30];
	[tilespmem:$0x1FDC0] =	vst v61;
	v5 =	vmul.f32 v0, v42  }
0x123: {  	v59 =	vld [tilespmem:$0x1FD60];
	(xrf2) =	vadd.scan.msk.f32 $0xffff, v3;
	v61 =	vmul.f32 v0, v29;
	v10 =	vmovc v4;
	v1 =	vmul.f32 v44, v40;
	[tilespmem:s3+$0xFFFFFF00] =	vst v63  }
0x124: {  	v40 =	vsub.f32 $1.500000000e+00, v62;
	v3 =	vmul.f32 v0, v41;
	v9 =	vmul.f32 v0, v9;
	[tilespmem:$0x1FDB0] =	vst v10  }
0x125: {  	v62 =	vld [tilespmem:$0x1FD20];
	v10 =	vmul.f32 v0, v30;
	[tilespmem:s3+$0xFFFFFFC0] =	vst v1;
	v1 =	vmin.f32 v45, $9.999999950e+11;
	v45 =	vmul.f32 v0, v38  }
0x126: {  	[tilespmem:s3+$0xFFFFFF30] =	vst v5;
	v26 =	vmul.f32 v40, v2;
	v0 =	vmul.f32 v0, v28  }
0x127: {  	v12 =	vmov v50;
	v50 =	vld [tilespmem:$0x1FD40];
	[tilespmem:s3+$0xFFFFFF20] =	vst v3;
	v63, _, _ =	vpop (xrf2);
	v38 =	vmul.f32 v44, v35;
	v8 =	vmul.f32 v1, v8  }
0x128: {  	s31 =	smov.u32 s3;
	v21 =	vmovc v46;
	v20 =	vmov v47;
	[tilespmem:s3+$0xFFFFFF10] =	vst v10;
	v49 =	vbroadcast v63, $0xF;
	v46 =	vmul.f32 v1, v59  }
0x129: {  	v11 =	vmovc v48;
	v47 =	vmul.f32 v1, v14;
	[tilespmem:s31+$0xFFFFFFD0] =	vst v6;
	v48 =	vmul.f32 v1, v34;
	v42 =	vmin.f32 v26, $9.999999950e+11  }
0x12a: {  	v27 =	vmovc v58;
	v13 =	vmov v43;
	[tilespmem:s3+$0xFFFFFF40] =	vst v45;
	v3 =	vmul.f32 v44, v62;
	v10 =	vmul.f32 v42, v39  }
0x12b: {  	s15 =	sadd.s32 $0x4, s15;
	v29 =	vmovc v53;
	v31 =	vmovc v17;
	s3 =	sadd.s32 $0x200, s3;
	[tilespmem:s31+$0xFFFFFF50] =	vst v9;
	v44 =	vmul.f32 v1, v36;
	v53 =	vshra.s32 v49, $0x1;
	v40 =	vmul.f32 $5.000000000e-01, v49  }
0x12c: {  	p0 =	slt.u32 s15, $0x3C;
	v43 =	vmul.f32 v1, v50;
	v9 =	vmov v56;
	v56, _, _ =	vpop (xrf2);
	v50 =	vsub.s32 $0x5F3759DF, v53;
	[tilespmem:s3+$0xF0] =	vst v10;
	v10 =	vld [tilespmem:$0x1FD50]  }
.Ltmp0:
0x12d: {  	v17 =	vmov v60;
	[tilespmem:s31+$0xFFFFFFF0] =	vst v38;
	v58 =	vbroadcast v56, $0xF;
	v62, _, _ =	vpop (xrf2);
	v60 =	vmul.f32 v50, v40;
	(pc) =	sbr.rel @p0 .LBB2_2-.Ltmp0, $4  }
0x12e: {  	v30 =	vmov v54;
	[tilespmem:s31+$0xFFFFFF60] =	vst v61;
	v49 =	vmul.f32 v1, v24;
	v2 =	vbroadcast v62, $0xF  }
0x12f: {  	v28 =	vmovc v52;
	v34 =	vmovc v25;
	[tilespmem:s31+$0xFFFFFF70] =	vst v0;
	v61 =	vshra.s32 v58, $0x1;
	v41 =	vmul.f32 $5.000000000e-01, v58;
	v63 =	vmul.f32 v50, v60  }
0x130: {  	v14 =	vmovc v51;
	[tilespmem:s31+$0x0] =	vst v8;
	v26 =	vmovc v57;
	v53 =	vsub.s32 $0x5F3759DF, v61;
	v51 =	vshra.s32 v2, $0x1;
	v39 =	vmul.f32 $5.000000000e-01, v2  }
0x131: {  	s22 =	sadd.s32 $0x200, s22;
	[tilespmem:s31+$0xFFFFFFE0] =	vst v3;
	v52 =	vmul.f32 v53, v41;
	v54 =	vsub.f32 $1.500000000e+00, v63;
	v45 =	vmul.f32 v1, v10;
	v10 =	vmovc v55  }
0x132: {  	[tilespmem:s31+$0x10] =	vst v44  }
0x133: {  	[tilespmem:s31+$0x20] =	vst v43  }
0x134: {  	[tilespmem:s31+$0x40] =	vst v46  }
0x135: {  	[tilespmem:s31+$0x50] =	vst v47  }
0x136: {  	[tilespmem:s31+$0x60] =	vst v48  }
0x137: {  	v3 =	vmul.f32 v42, v32;
	[tilespmem:s31+$0x70] =	vst v49  }
0x138: {  	v4 =	vmul.f32 v42, v23;
	[tilespmem:s31+$0x30] =	vst v45  }
0x139: {  	v5 =	vmul.f32 v42, v34;
	v0 =	vmul.f32 v50, v54;
	[tilespmem:s3+$0x80] =	vst v3  }
0x13a: {  	v57 =	vmul.f32 v42, v18;
	[tilespmem:s3+$0x90] =	vst v4  }
0x13b: {  	v58 =	vmul.f32 v42, v16;
	[tilespmem:s3+$0xA0] =	vst v5;
	v2 =	vmul.f32 v0, v40  }
0x13c: {  	v60 =	vmul.f32 v42, v15;
	[tilespmem:s3+$0xB0] =	vst v57  }
0x13d: {  	[tilespmem:s3+$0xC0] =	vst v58;
	v2 =	vmul.f32 v2, v0  }
0x13e: {  	v1 =	vmul.f32 v53, v52;
	[tilespmem:s3+$0xD0] =	vst v60  }
0x13f: {  	v4 =	vld [tilespmem:$0x1FD80];
	v2 =	vsub.f32 $1.500000000e+00, v2  }
0x140: {  	v7 =	vmul.f32 v42, v37;
	v1 =	vsub.f32 $1.500000000e+00, v1  }
0x141: {  	v0 =	vmul.f32 v2, v0  }
0x142: {  	[tilespmem:s3+$0xE0] =	vst v7;
	v1 =	vmul.f32 v53, v1  }
0x143: {  	v63 =	vld [tilespmem:$0x1FD90];
	v0 =	vmin.f32 v0, $9.999999950e+11  }
0x144: {  	v6 =	vmul.f32 v1, v41;
	v4 =	vmul.f32 v0, v4;
	_ =	sdelay $0x1  }
0x145: {  	v6 =	vmul.f32 v6, v1;
	[tilespmem:s3+$0xFFFFFF80] =	vst v4  }
0x146: {  	v4 =	vld [tilespmem:$0x1FDA0]  }
0x147: {  	v62 =	vsub.f32 $1.500000000e+00, v6;
	v6 =	vmul.f32 v0, v63;
	_ =	sdelay $0x1  }
0x148: {  	[tilespmem:s3+$0xFFFFFF90] =	vst v6  }
0x149: {  	v8 =	vld [tilespmem:$0x1FDB0]  }
0x14a: {  	v59 =	vsub.s32 $0x5F3759DF, v51;
	v4 =	vmul.f32 v0, v4  }
0x14b: {  	v61 =	vmul.f32 v59, v39  }
0x14c: {  	v1 =	vmul.f32 v62, v1;
	[tilespmem:s3+$0xFFFFFFA0] =	vst v4  }
0x14d: {  	v3 =	vmul.f32 v59, v61;
	v4 =	vld [tilespmem:$0x1FDC0]  }
0x14e: {  	v1 =	vmin.f32 v1, $9.999999950e+11;
	v5 =	vmul.f32 v0, v8  }
0x14f: {  	v3 =	vsub.f32 $1.500000000e+00, v3;
	v32 =	vmul.f32 v1, v31  }
0x150: {  	v33 =	vmul.f32 v1, v33;
	[tilespmem:s3+$0xFFFFFFB0] =	vst v5  }
0x151: {  	v2 =	vmul.f32 v59, v3;
	v35 =	vmul.f32 v1, v13;
	[tilespmem:s3+$0xFFFFFF00] =	vst v32  }
0x152: {  	[tilespmem:s3+$0xFFFFFF10] =	vst v33;
	v4 =	vmul.f32 v0, v4  }
0x153: {  	v34 =	vmul.f32 v2, v39;
	[tilespmem:s3+$0xFFFFFF20] =	vst v35  }
0x154: {  	v36 =	vmul.f32 v1, v21;
	[tilespmem:s3+$0xFFFFFFC0] =	vst v4  }
0x155: {  	v37 =	vmul.f32 v1, v20;
	v4 =	vmul.f32 v34, v2;
	v6 =	vld [tilespmem:$0x1FD70]  }
0x156: {  	v39 =	vmul.f32 v1, v12;
	[tilespmem:s3+$0xFFFFFF30] =	vst v36  }
0x157: {  	v40 =	vmul.f32 v0, v19;
	[tilespmem:s3+$0xFFFFFF40] =	vst v37;
	v38 =	vsub.f32 $1.500000000e+00, v4  }
0x158: {  	v41 =	vmul.f32 v0, v22;
	[tilespmem:s3+$0xFFFFFF60] =	vst v39  }
0x159: {  	v0 =	vmul.f32 v0, v29;
	[tilespmem:s3+$0xFFFFFFD0] =	vst v40;
	v2 =	vmul.f32 v38, v2  }
0x15a: {  	[tilespmem:s3+$0xFFFFFFE0] =	vst v41;
	v6 =	vmul.f32 v1, v6  }
0x15b: {  	[tilespmem:s3+$0xFFFFFFF0] =	vst v0;
	v1 =	vmul.f32 v1, v11;
	v42 =	vmin.f32 v2, $9.999999950e+11  }
0x15c: {  	v2 =	vmul.f32 v42, v27;
	[tilespmem:s3+$0xFFFFFF50] =	vst v6  }
0x15d: {  	v43 =	vmul.f32 v42, v9;
	[tilespmem:s3+$0xFFFFFF70] =	vst v1  }
0x15e: {  	v44 =	vmul.f32 v42, v17;
	[tilespmem:s3+$0x0] =	vst v2  }
0x15f: {  	v45 =	vmul.f32 v42, v30;
	[tilespmem:s3+$0x10] =	vst v43  }
0x160: {  	v46 =	vmul.f32 v42, v26;
	[tilespmem:s3+$0x20] =	vst v44  }
0x161: {  	v47 =	vmul.f32 v42, v10;
	[tilespmem:s3+$0x30] =	vst v45  }
0x162: {  	v48 =	vmul.f32 v42, v28;
	[tilespmem:s3+$0x40] =	vst v46  }
0x163: {  	v1 =	vmul.f32 v42, v14;
	[tilespmem:s3+$0x50] =	vst v47  }
0x164: {  	[tilespmem:s3+$0x60] =	vst v48  }
0x165: {  	[tilespmem:s3+$0x70] =	vst v1  }
0x166: {  	[hbm4b:s6+s5] =	stream.linear.scatter [tilespmem:s30], [sflag:$0x5], $0x2000, $0x38;
	[tilespmem:$0x18500] =	vst v63  }
0x167: {  	s15 =	simm.s32 $0x1C0  }
0x168: {  	[tilespmem:s19], [sflag:$0x1] =	stream.indirect.gather [hbm4b:s1+s18], $0x80, s15, s18, $0xb8;
	[tilespmem:$0x18500] =	vst v63  }
0x169: {  	_ =	swait.ge [sflag:s28], $0x4000  }
0x16a: {  	[sflag:s28] =	ssyncset.done $0x0  }
0x16b: {  	[sflag:s28] =	ssyncadd.s32 $0xFFFFC000  }
0x16c: {  	_ =	swait.ge [sflag:s0], $0x4000  }
0x16d: {  	v63 =	vld [tilespmem:$0x1FE20]  }
0x16e: {  	v56 =	vld [tilespmem:$0x1FE10]  }
0x16f: {  	v39 =	vld [tilespmem:$0x1FDD0]  }
0x170: {  	v41 =	vld [tilespmem:$0x1FDE0]  }
0x171: {  	v40 =	vld [tilespmem:$0x1FDF0]  }
0x172: {  	[sflag:s0] =	ssyncset.done $0x0;
	v36 =	vld [tilespmem:$0x1FE00]  }
0x173: {  	s22 =	simm.s32 $0x2C0;
	s15 =	simm.s32 $0x4500;
	v54 =	vld [tilespmem:$0x1FE30];
	[sflag:s0] =	ssyncadd.s32 $0xFFFFC000  }
0x174: {  	v55 =	vld [tilespmem:$0x1FE40];
	[tilespmem:s23], [sflag:$0x3] =	stream.indirect.gather.add.f32 [hbm:s1], $0x80, s22, s20, $0xb8  }
0x175: {  	v49 =	vld [tilespmem:s15+$0x80]  }
0x176: {  	v50 =	vld [tilespmem:s15+$0x90]  }
0x177: {  	v51 =	vld [tilespmem:s15+$0xA0]  }
0x178: {  	v52 =	vld [tilespmem:s15+$0xB0]  }
0x179: {  	v6 =	vld [tilespmem:s15+$0xE0]  }
0x17a: {  	v7 =	vld [tilespmem:s15+$0xF0]  }
0x17b: {  	v8 =	vld [tilespmem:s15+$0xFFFFFF10]  }
0x17c: {  	v57 =	vld [tilespmem:s15+$0xFFFFFF20]  }
0x17d: {  	v53 =	vld [tilespmem:s15+$0xC0]  }
0x17e: {  	v5 =	vld [tilespmem:s15+$0xD0]  }
0x17f: {  	v59 =	vld [tilespmem:s15+$0xFFFFFF40];
	v31 =	vadd.f32 v49, v63  }
0x180: {  	v58 =	vld [tilespmem:s15+$0xFFFFFF30];
	v30 =	vadd.f32 v6, v54;
	v15 =	vadd.f32 v8, v56  }
0x181: {  	v62 =	vld [tilespmem:s15+$0xFFFFFF50];
	v28 =	vadd.f32 v7, v55;
	v14 =	vadd.f32 v57, v39  }
0x182: {  	v34 =	vld [tilespmem:s15+$0xFFFFFF60];
	v35 =	vadd.f32 v50, v56;
	v46 =	vadd.f32 v51, v39;
	[tilespmem:$0x1FBE0] =	vst v15  }
0x183: {  	v50 =	vadd.f32 v52, v41;
	v43 =	vmul.f32 v30, v30;
	v12 =	vmul.f32 v28, v28;
	v42 =	vld [tilespmem:s15+$0xFFFFFF70];
	[tilespmem:$0x1FBF0] =	vst v14  }
0x184: {  	v51 =	vadd.f32 v53, v40;
	v52 =	vadd.f32 v59, v40;
	v13 =	vld [tilespmem:s15+$0xFFFFFF80]  }
0x185: {  	v60 =	vmul.f32 v31, v31;
	v47 =	vld [tilespmem:s15+$0xFFFFFF90];
	v0 =	vadd.f32 v12, v43;
	v12 =	vadd.f32 v58, v41  }
0x186: {  	v45 =	vadd.f32 v5, v36;
	v61 =	vmul.f32 v35, v35;
	v32 =	vmul.f32 v46, v46;
	v49 =	vld [tilespmem:s15+$0xFFFFFFA0];
	[tilespmem:$0x1FC10] =	vst v52  }
0x187: {  	v16 =	vadd.f32 v62, v36;
	v33 =	vmul.f32 v50, v50;
	v37 =	vmul.f32 v51, v51;
	[tilespmem:$0x1FC00] =	vst v12  }
0x188: {  	v38 =	vmul.f32 v45, v45;
	v57 =	vmul.f32 v14, v14;
	v14 =	vadd.f32 v34, v54;
	v53 =	vld [tilespmem:s15+$0xFFFFFFB0]  }
0x189: {  	v3 =	vadd.f32 v61, v60;
	v44 =	vadd.f32 v33, v32;
	v58 =	vld [tilespmem:s15+$0xFFFFFFC0]  }
0x18a: {  	v48 =	vadd.f32 v38, v37;
	v59 =	vmul.f32 v12, v12;
	[tilespmem:$0x1FC20] =	vst v16;
	v12 =	vadd.f32 v42, v55  }
0x18b: {  	[tilespmem:$0x1FC30] =	vst v14;
	v61 =	vadd.f32 v13, v63;
	v13 =	vadd.f32 v47, v56  }
0x18c: {  	v3 =	vadd.f32 v44, v3;
	v32 =	vld [tilespmem:s15+$0xFFFFFFD0];
	[tilespmem:$0x1FC40] =	vst v12  }
0x18d: {  	v0 =	vadd.f32 v0, v48;
	v34 =	vld [tilespmem:s15+$0xFFFFFFE0];
	[tilespmem:$0x1FBB0] =	vst v13;
	v17 =	vadd.f32 v53, v41  }
0x18e: {  	v38 =	vld [tilespmem:s15+$0xFFFFFFF0];
	v18 =	vadd.f32 v58, v40  }
0x18f: {  	v33 =	vmul.f32 v52, v52;
	v37 =	vmul.f32 v16, v16;
	v0 =	vadd.f32 v0, v3;
	v43 =	vld [tilespmem:s15+$0x0];
	[tilespmem:$0x1FBC0] =	vst v17  }
0x190: {  	v42 =	vmul.f32 v14, v14;
	v2 =	vadd.f32 v59, v57;
	v60 =	vadd.f32 v49, v39;
	v14 =	vld [tilespmem:s15+$0x10];
	[tilespmem:$0x1FBD0] =	vst v18  }
0x191: {  	v12 =	vmul.f32 v12, v12;
	v44 =	vmul.f32 v61, v61;
	v16 =	vadd.f32 v32, v36;
	v48 =	vld [tilespmem:s15+$0x20]  }
0x192: {  	(xrf2) =	vadd.scan.msk.f32 $0xffff, v0;
	v13 =	vmul.f32 v13, v13;
	v49 =	vmul.f32 v17, v17;
	v17 =	vadd.f32 v34, v54  }
0x193: {  	v47 =	vmul.f32 v60, v60;
	v53 =	vmul.f32 v18, v18;
	[tilespmem:$0x1FC50] =	vst v16;
	v18 =	vadd.f32 v38, v55  }
0x194: {  	v1 =	vadd.f32 v13, v44;
	v52 =	vld [tilespmem:s15+$0x30];
	[tilespmem:$0x1FC60] =	vst v17;
	v13 =	vmul.f32 v17, v17;
	v17 =	vadd.f32 v43, v63  }
0x195: {  	v11 =	vadd.f32 v12, v42;
	v57 =	vmul.f32 v16, v16;
	v12 =	vld [tilespmem:s15+$0x40];
	[tilespmem:$0x1FC70] =	vst v18;
	v16 =	vadd.f32 v14, v56  }
0x196: {  	v62 =	vmul.f32 v18, v18;
	v58 =	vld [tilespmem:s15+$0xFFFFFF00];
	[tilespmem:$0x1FC80] =	vst v17;
	v14 =	vmul.f32 v15, v15;
	v15 =	vadd.f32 v48, v39  }
0x197: {  	v4 =	vadd.f32 v49, v47;
	v59 =	vld [tilespmem:s15+$0x50];
	[tilespmem:$0x1FC90] =	vst v16  }
0x198: {  	v0 =	vadd.f32 v57, v53;
	v8 =	vadd.f32 v62, v13;
	v32 =	vld [tilespmem:s15+$0x60];
	[tilespmem:$0x1FCA0] =	vst v15  }
0x199: {  	v9 =	vadd.f32 v37, v33;
	v1 =	vadd.f32 v4, v1;
	v33 =	vld [tilespmem:s15+$0x70]  }
0x19a: {  	v34 =	vmul.f32 v17, v17;
	v13 =	vadd.f32 v52, v41;
	v0 =	vadd.f32 v8, v0  }
0x19b: {  	v37 =	vmul.f32 v16, v16;
	v12 =	vadd.f32 v12, v40;
	v62 =	vadd.f32 v58, v63  }
0x19c: {  	v38 =	vmul.f32 v15, v15;
	[tilespmem:$0x1FCB0] =	vst v13;
	v42 =	vmul.f32 v13, v13;
	v15 =	vadd.f32 v59, v36  }
0x19d: {  	v0 =	vadd.f32 v0, v1;
	[tilespmem:$0x1FCC0] =	vst v12;
	v43 =	vmul.f32 v62, v62;
	v13 =	vadd.f32 v32, v54  }
0x19e: {  	v9 =	vadd.f32 v11, v9;
	v44 =	vmul.f32 v12, v12;
	[tilespmem:$0x1FCD0] =	vst v15;
	v12 =	vadd.f32 v33, v55  }
0x19f: {  	v48, _, _ =	vpop (xrf2);
	v49 =	vadd.f32 v37, v34;
	(xrf2) =	vadd.scan.msk.f32 $0xffff, v0;
	v7 =	vadd.f32 v14, v43;
	[tilespmem:$0x1FCE0] =	vst v13  }
0x1a0: {  	s22 =	simm.s32 $0x4700;
	v1 =	vbroadcast v48, $0xF;
	v4 =	vadd.f32 v42, v38;
	v47 =	vmul.f32 v15, v15;
	[tilespmem:$0x1FCF0] =	vst v12  }
0x1a1: {  	v52 =	vmul.f32 v13, v13;
	v53 =	vmul.f32 v12, v12;
	v2 =	vadd.f32 v2, v7;
	v43 =	vld [tilespmem:s22+$0xA0]  }
0x1a2: {  	v59 =	vshra.s32 v1, $0x1;
	v1 =	vmul.f32 $5.000000000e-01, v1;
	v57 =	vadd.f32 v47, v44;
	v47 =	vld [tilespmem:s22+$0xB0]  }
0x1a3: {  	v5 =	vsub.s32 $0x5F3759DF, v59;
	v48 =	vld [tilespmem:s22+$0xC0];
	v58 =	vadd.f32 v53, v52;
	v2 =	vadd.f32 v9, v2  }
0x1a4: {  	v10 =	vmul.f32 v5, v1;
	v37 =	vld [tilespmem:s22+$0xE0]  }
0x1a5: {  	v4 =	vadd.f32 v4, v49;
	v12 =	vld [tilespmem:s22+$0xF0];
	v0 =	vadd.f32 v58, v57;
	(xrf2) =	vadd.scan.msk.f32 $0xffff, v2  }
0x1a6: {  	v11 =	vmul.f32 v5, v10;
	v3 =	vld [tilespmem:s22+$0xFFFFFF30]  }
0x1a7: {  	v0 =	vadd.f32 v0, v4  }
0x1a8: {  	v32 =	vsub.f32 $1.500000000e+00, v11;
	v29 =	vadd.f32 v43, v39  }
0x1a9: {  	v53 =	vld [tilespmem:s22+$0xD0];
	v33, _, _ =	vpop (xrf2);
	v22 =	vadd.f32 v47, v41;
	v21 =	vadd.f32 v48, v40;
	(xrf2) =	vadd.scan.msk.f32 $0xffff, v0  }
0x1aa: {  	v34 =	vld [tilespmem:s22+$0x80];
	v14 =	vadd.f32 v37, v54;
	v8 =	vadd.f32 v12, v55;
	v2 =	vbroadcast v33, $0xF  }
0x1ab: {  	v19 =	vld [tilespmem:s22+$0xFFFFFF60];
	v3 =	vadd.f32 v3, v41;
	v0 =	vmul.f32 v5, v32;
	v47 =	vmul.f32 v29, v29  }
0x1ac: {  	v12 =	vmul.f32 v22, v22;
	v38 =	vshra.s32 v2, $0x1;
	v57 =	vmul.f32 $5.000000000e-01, v2;
	v2 =	vld [tilespmem:s22+$0x90]  }
0x1ad: {  	v27 =	vmul.f32 v14, v14;
	v1 =	vmul.f32 v0, v1;
	v4 =	vsub.s32 $0x5F3759DF, v38  }
0x1ae: {  	v17 =	vadd.f32 v53, v36;
	v53 =	vmul.f32 v8, v8;
	v44 =	vmul.f32 v4, v57  }
0x1af: {  	v33 =	vadd.f32 v34, v63;
	v34 =	vmul.f32 v3, v3;
	v1 =	vmul.f32 v1, v0;
	v42, _, _ =	vpop (xrf2)  }
0x1b0: {  	v19 =	vadd.f32 v19, v54;
	v7 =	vmul.f32 v4, v44;
	v5 =	vbroadcast v42, $0xF;
	v42 =	vld [tilespmem:s22+$0xFFFFFF20]  }
0x1b1: {  	v43 =	vmul.f32 v33, v33;
	v1 =	vsub.f32 $1.500000000e+00, v1;
	v23 =	vadd.f32 v2, v56  }
0x1b2: {  	v10 =	vld [tilespmem:s22+$0xFFFFFF50];
	v20 =	vmul.f32 v17, v17;
	v11 =	vadd.f32 v12, v47;
	v7 =	vsub.f32 $1.500000000e+00, v7  }
0x1b3: {  	v32 =	vld [tilespmem:s22+$0xFFFFFFA0];
	v26 =	vmul.f32 v1, v0;
	v44 =	vmul.f32 v23, v23;
	v49 =	vshra.s32 v5, $0x1;
	v52, _, _ =	vpop (xrf2)  }
0x1b4: {  	v2 =	vld [tilespmem:s22+$0xFFFFFF70];
	v59 =	vmul.f32 $5.000000000e-01, v5;
	v16 =	vsub.s32 $0x5F3759DF, v49;
	v5 =	vbroadcast v52, $0xF  }
0x1b5: {  	v6 =	vadd.f32 v44, v43;
	v49 =	vld [tilespmem:s22+$0xFFFFFF80];
	v44 =	vmul.f32 v4, v7;
	v52 =	vadd.f32 v42, v39  }
0x1b6: {  	v38 =	vmul.f32 v16, v59;
	v13 =	vshra.s32 v5, $0x1;
	v58 =	vmul.f32 $5.000000000e-01, v5;
	v5 =	vld [tilespmem:s22+$0xFFFFFF40]  }
0x1b7: {  	v42 =	vadd.f32 v10, v36;
	v18 =	vsub.s32 $0x5F3759DF, v13;
	v13 =	vmul.f32 v21, v21;
	v12 =	vmovc v52;
	v52 =	vld [tilespmem:s22+$0xFFFFFF90];
	[tilespmem:$0x1FB40] =	vst v3  }
0x1b8: {  	v9 =	vadd.f32 v11, v6;
	v1 =	vmul.f32 v16, v38;
	v48 =	vmul.f32 v18, v58;
	v38 =	vld [tilespmem:s22+$0xFFFFFFB0]  }
0x1b9: {  	v25 =	vmul.f32 v12, v12;
	v24 =	vld [tilespmem:s22+$0xFFFFFFC0];
	[tilespmem:$0x1FB50] =	vst v42;
	v13 =	vadd.f32 v20, v13;
	v20 =	vadd.f32 v53, v27  }
0x1ba: {  	v43 =	vadd.f32 v49, v63;
	v1 =	vsub.f32 $1.500000000e+00, v1;
	v49 =	vmul.f32 v19, v19;
	v6 =	vld [tilespmem:s22+$0xFFFFFFE0]  }
0x1bb: {  	v27 =	vmul.f32 v18, v48;
	v53 =	vadd.f32 v5, v40;
	v11 =	vadd.f32 v20, v13  }
0x1bc: {  	v48 =	vmul.f32 v42, v42;
	v20 =	vadd.f32 v2, v55;
	v47 =	vadd.f32 v52, v56  }
0x1bd: {  	v37 =	vld [tilespmem:s22+$0xFFFFFFD0];
	[tilespmem:$0x1FB60] =	vst v43;
	v2 =	vmul.f32 v43, v43;
	v27 =	vsub.f32 $1.500000000e+00, v27;
	v13 =	vmovc v53;
	v5 =	vadd.f32 v11, v9  }
0x1be: {  	v52 =	vmul.f32 v20, v20;
	v9 =	vadd.f32 v34, v25;
	v15 =	vmul.f32 v13, v13;
	[tilespmem:$0x1FB70] =	vst v47  }
0x1bf: {  	v53 =	vmul.f32 v47, v47;
	v47 =	vadd.f32 v32, v39;
	v34 =	vadd.f32 v6, v54;
	v25 =	vld [tilespmem:s22+$0xFFFFFFF0]  }
0x1c0: {  	v43 =	vmul.f32 v16, v1;
	(xrf2) =	vadd.scan.msk.f32 $0xffff, v5;
	v3 =	vadd.f32 v52, v49;
	v49 =	vadd.f32 v24, v40  }
0x1c1: {  	v42 =	vmul.f32 v18, v27;
	v7 =	vadd.f32 v48, v15;
	v48 =	vadd.f32 v38, v41  }
0x1c2: {  	v24 =	vld [tilespmem:s22+$0x0];
	v0 =	vadd.f32 v53, v2;
	v2 =	vmin.f32 v26, $9.999999950e+11;
	[tilespmem:$0x1FB80] =	vst v47;
	v52 =	vmul.f32 v47, v47  }
0x1c3: {  	v15 =	vadd.f32 v37, v36;
	v53 =	vmul.f32 v2, v28;
	v26 =	vld [tilespmem:s22+$0x10];
	[tilespmem:$0x1FB90] =	vst v48;
	v28 =	vmul.f32 v48, v48  }
0x1c4: {  	v10 =	vmul.f32 v49, v49;
	v47 =	vmul.f32 v2, v46;
	v27 =	vadd.f32 v25, v55;
	v25 =	vld [tilespmem:s22+$0x20];
	[tilespmem:$0x1FBA0] =	vst v49  }
0x1c5: {  	v50 =	vmul.f32 v2, v50;
	v11 =	vmul.f32 v15, v15;
	v6 =	vadd.f32 v28, v52;
	v28 =	vld [tilespmem:s22+$0x30]  }
0x1c6: {  	v48 =	vmul.f32 v2, v31;
	v31 =	vmul.f32 v34, v34  }
0x1c7: {  	v49 =	vmul.f32 v2, v35;
	v35 =	vadd.f32 v11, v10;
	v10 =	vadd.f32 v3, v7;
	v37 =	vld [tilespmem:s22+$0x40]  }
0x1c8: {  	v52 =	vmul.f32 v2, v45;
	v11 =	vmul.f32 v2, v30;
	v46 =	vld [tilespmem:s22+$0x50];
	v16 =	vadd.f32 v26, v56  }
0x1c9: {  	v30 =	vadd.f32 v24, v63;
	v32 =	vmul.f32 v27, v27;
	v45 =	vadd.f32 v6, v0  }
0x1ca: {  	s31 =	simm.s32 $0x14500;
	v3 =	vld [tilespmem:s22+$0x70];
	v4 =	vmul.f32 v16, v16;
	v26, _, _ =	vpop (xrf2);
	v24 =	vadd.f32 v25, v39;
	v28 =	vadd.f32 v28, v41  }
0x1cb: {  	v7 =	vld [tilespmem:s22+$0x60];
	[tilespmem:s31+$0xF0] =	vst v53;
	v38 =	vadd.f32 v32, v31;
	v6 =	vbroadcast v26, $0xF;
	v41 =	vmul.f32 v30, v30  }
0x1cc: {  	[tilespmem:s31+$0x80] =	vst v48;
	v26 =	vadd.f32 v37, v40;
	v32 =	vmul.f32 v24, v24;
	v39 =	vmul.f32 v28, v28  }
0x1cd: {  	v51 =	vmul.f32 v2, v51;
	[tilespmem:s31+$0xA0] =	vst v47;
	v25 =	vadd.f32 v46, v36;
	v40 =	vadd.f32 v4, v41  }
0x1ce: {  	[tilespmem:s31+$0xB0] =	vst v50;
	v4 =	vmul.f32 $5.000000000e-01, v6;
	v2 =	vadd.f32 v39, v32;
	v32 =	vmul.f32 v44, v57  }
0x1cf: {  	[tilespmem:s31+$0xC0] =	vst v51;
	v31 =	vadd.f32 v3, v55;
	v1 =	vmul.f32 v26, v26;
	v41 =	vmul.f32 v25, v25  }
0x1d0: {  	v5 =	vld [tilespmem:s22+$0xFFFFFF10];
	[tilespmem:s31+$0x90] =	vst v49;
	v6 =	vshra.s32 v6, $0x1;
	v57 =	vmul.f32 v32, v44;
	v32 =	vadd.f32 v7, v54  }
0x1d1: {  	[tilespmem:s31+$0xD0] =	vst v52;
	v6 =	vsub.s32 $0x5F3759DF, v6;
	v41 =	vadd.f32 v41, v1;
	v39 =	vadd.f32 v38, v35  }
0x1d2: {  	[tilespmem:s31+$0xE0] =	vst v11;
	v38 =	vmul.f32 v31, v31;
	v1 =	vsub.f32 $1.500000000e+00, v57;
	v7 =	vmul.f32 v32, v32  }
0x1d3: {  	v0 =	vmul.f32 v6, v4;
	v54 =	vld [tilespmem:$0x1FBB0]  }
0x1d4: {  	v1 =	vmul.f32 v1, v44;
	v47 =	vadd.f32 v38, v7  }
0x1d5: {  	v37 =	vadd.f32 v5, v56;
	v0 =	vmul.f32 v6, v0  }
0x1d6: {  	v2 =	vadd.f32 v2, v40;
	v5 =	vadd.f32 v47, v41;
	v1 =	vmin.f32 v1, $9.999999950e+11  }
0x1d7: {  	v53 =	vmul.f32 v1, v61  }
0x1d8: {  	v0 =	vsub.f32 $1.500000000e+00, v0;
	v2 =	vadd.f32 v5, v2;
	v5 =	vmul.f32 v1, v54  }
0x1d9: {  	[tilespmem:s31+$0xFFFFFF80] =	vst v53  }
0x1da: {  	v46 =	vld [tilespmem:s22+$0xFFFFFF00];
	v0 =	vmul.f32 v6, v0;
	v55 =	vmul.f32 v1, v60;
	[tilespmem:s31+$0xFFFFFF90] =	vst v5  }
0x1db: {  	v5 =	vld [tilespmem:$0x1FBC0]  }
0x1dc: {  	v4 =	vmul.f32 v0, v4;
	[tilespmem:s31+$0xFFFFFFA0] =	vst v55  }
0x1dd: {  	v48 =	vmul.f32 v43, v59;
	v57 =	vld [tilespmem:$0x1FBD0]  }
0x1de: {  	v4 =	vmul.f32 v4, v0  }
0x1df: {  	v36 =	vadd.f32 v46, v63;
	v6 =	vmul.f32 v48, v43  }
0x1e0: {  	v4 =	vsub.f32 $1.500000000e+00, v4;
	v5 =	vmul.f32 v1, v5  }
0x1e1: {  	v63 =	vmul.f32 v37, v37;
	v35 =	vmul.f32 v36, v36;
	v6 =	vsub.f32 $1.500000000e+00, v6  }
0x1e2: {  	v0 =	vmul.f32 v4, v0;
	v4 =	vmul.f32 v1, v57;
	[tilespmem:s31+$0xFFFFFFB0] =	vst v5  }
0x1e3: {  	v3 =	vadd.f32 v63, v35;
	v6 =	vmul.f32 v6, v43;
	v7 =	vld [tilespmem:$0x1FBE0]  }
0x1e4: {  	[tilespmem:s31+$0xFFFFFFC0] =	vst v4  }
0x1e5: {  	v3 =	vadd.f32 v9, v3;
	v6 =	vmin.f32 v6, $9.999999950e+11;
	v59 =	vld [tilespmem:$0x1FBF0]  }
0x1e6: {  	v50 =	vmul.f32 v42, v58;
	v49 =	vadd.f32 v39, v45;
	v58 =	vmul.f32 v6, v62  }
0x1e7: {  	v3 =	vadd.f32 v10, v3;
	v4 =	vld [tilespmem:$0x1FC00]  }
0x1e8: {  	(xrf2) =	vadd.scan.msk.f32 $0xffff, v49;
	[tilespmem:s31+$0xFFFFFF00] =	vst v58;
	v7 =	vmul.f32 v6, v7  }
0x1e9: {  	(xrf2) =	vadd.scan.msk.f32 $0xffff, v3;
	v5 =	vld [tilespmem:$0x1FC10]  }
0x1ea: {  	(xrf2) =	vadd.scan.msk.f32 $0xffff, v2;
	v60 =	vld [tilespmem:$0x1FC20];
	v2 =	vmul.f32 v6, v59;
	[tilespmem:s31+$0xFFFFFF10] =	vst v7  }
0x1eb: {  	v7 =	vld [tilespmem:$0x1FC30]  }
0x1ec: {  	v39 =	vmul.f32 v50, v42;
	v4 =	vmul.f32 v6, v4;
	v62 =	vld [tilespmem:$0x1FC40];
	[tilespmem:s31+$0xFFFFFF20] =	vst v2  }
0x1ed: {  	v2 =	vld [tilespmem:$0x1FC50]  }
0x1ee: {  	v39 =	vsub.f32 $1.500000000e+00, v39;
	v5 =	vmul.f32 v6, v5;
	v63 =	vld [tilespmem:$0x1FC60];
	[tilespmem:s31+$0xFFFFFF30] =	vst v4  }
0x1ef: {  	v61 =	vmul.f32 v6, v60;
	v52 =	vld [tilespmem:$0x1FC70]  }
0x1f0: {  	v56 =	vmul.f32 v39, v42;
	v42 =	vmin.f32 v0, $9.999999950e+11;
	v4 =	vld [tilespmem:$0x1FC80];
	[tilespmem:s31+$0xFFFFFF40] =	vst v5  }
0x1f1: {  	v54 =	vmul.f32 v42, v8;
	[tilespmem:s31+$0xFFFFFF50] =	vst v61  }
0x1f2: {  	s3 =	simm.s32 $0x14700;
	v55 =	vld [tilespmem:$0x1FC90];
	v7 =	vmul.f32 v6, v7  }
0x1f3: {  	v3 =	vmin.f32 v56, $9.999999950e+11;
	v56 =	vld [tilespmem:$0x1FCA0];
	[tilespmem:s3+$0xF0] =	vst v54;
	v6 =	vmul.f32 v6, v62  }
0x1f4: {  	v5 =	vld [tilespmem:$0x1FCB0];
	v2 =	vmul.f32 v1, v2;
	[tilespmem:s31+$0xFFFFFF60] =	vst v7  }
0x1f5: {  	v53, _, _ =	vpop (xrf2);
	v35 =	vmul.f32 v1, v63;
	v59 =	vld [tilespmem:$0x1FCC0];
	[tilespmem:s31+$0xFFFFFF70] =	vst v6  }
0x1f6: {  	v0 =	vmul.f32 v1, v52;
	v1 =	vbroadcast v53, $0xF;
	v6 =	vld [tilespmem:$0x1FCD0];
	[tilespmem:s31+$0xFFFFFFD0] =	vst v2  }
0x1f7: {  	v58, _, _ =	vpop (xrf2);
	v4 =	vmul.f32 v3, v4;
	v44 =	vmul.f32 v3, v55;
	v2 =	vld [tilespmem:$0x1FCE0];
	[tilespmem:s31+$0xFFFFFFE0] =	vst v35  }
0x1f8: {  	v57 =	vshra.s32 v1, $0x1;
	v40 =	vmul.f32 $5.000000000e-01, v1;
	v1 =	vbroadcast v58, $0xF;
	[tilespmem:s31+$0xFFFFFFF0] =	vst v0  }
0x1f9: {  	v43 =	vmul.f32 v3, v56;
	v45 =	vmul.f32 v3, v5;
	v53 =	vsub.s32 $0x5F3759DF, v57;
	v0 =	vld [tilespmem:$0x1FCF0]  }
0x1fa: {  	v62, _, _ =	vpop (xrf2);
	v60 =	vmul.f32 v53, v40;
	v61 =	vshra.s32 v1, $0x1;
	v41 =	vmul.f32 $5.000000000e-01, v1  }
0x1fb: {  	v1 =	vbroadcast v62, $0xF;
	v50 =	vsub.s32 $0x5F3759DF, v61;
	v46 =	vmul.f32 v3, v59  }
0x1fc: {  	v63 =	vmul.f32 v53, v60;
	v52 =	vmul.f32 v50, v41  }
0x1fd: {  	v51 =	vshra.s32 v1, $0x1;
	v39 =	vmul.f32 $5.000000000e-01, v1;
	v48 =	vmul.f32 v3, v6  }
0x1fe: {  	s15 =	simm.s32 $0x4;
	s22 =	simm.s32 $0x4900;
	[tilespmem:s31+$0x0] =	vst v4;
	v49 =	vmul.f32 v3, v2;
	v54 =	vsub.f32 $1.500000000e+00, v63;
	v47 =	vmul.f32 v3, v0  }
.LBB2_4:
0x1ff: {  	v0 =	vld [tilespmem:s22+$0x80]  }
0x200: {  	v4 =	vld [tilespmem:s22+$0x90]  }
0x201: {  	v7 =	vld [tilespmem:s22+$0xA0]  }
0x202: {  	v57 =	vld [tilespmem:s22+$0xB0]  }
0x203: {  	v58 =	vld [tilespmem:s22+$0xC0]  }
0x204: {  	v60 =	vld [tilespmem:s22+$0xD0]  }
0x205: {  	v62 =	vld [tilespmem:s22+$0xE0]  }
0x206: {  	v9 =	vld [tilespmem:s22+$0xF0]  }
0x207: {  	[tilespmem:$0x1FAD0] =	vst v20;
	v20 =	vld [tilespmem:$0x1FE20]  }
0x208: {  	[tilespmem:$0x1FB20] =	vst v32;
	v32 =	vmov v15;
	v15 =	vld [tilespmem:$0x1FE10]  }
0x209: {  	v3 =	vmul.f32 v42, v33;
	v55 =	vld [tilespmem:s22+$0xFFFFFF20]  }
0x20a: {  	[tilespmem:$0x1FAE0] =	vst v16;
	v2 =	vsub.s32 $0x5F3759DF, v51;
	v38 =	vmul.f32 v42, v23;
	v56 =	vmul.f32 v42, v29;
	v16 =	vld [tilespmem:$0x1FDD0]  }
0x20b: {  	[tilespmem:$0x1FAF0] =	vst v24;
	v24 =	vld [tilespmem:$0x1FE00];
	v1 =	vmul.f32 v50, v52;
	v6 =	vmul.f32 v2, v39  }
0x20c: {  	[tilespmem:$0x1FB10] =	vst v25;
	v59 =	vmul.f32 v42, v22;
	v25 =	vld [tilespmem:$0x1FE30];
	v5 =	vmul.f32 v53, v54  }
0x20d: {  	v61 =	vmul.f32 v42, v21;
	v35 =	vld [tilespmem:s22+$0xFFFFFF80];
	v1 =	vsub.f32 $1.500000000e+00, v1;
	v6 =	vmul.f32 v2, v6  }
0x20e: {  	[tilespmem:$0x1FB30] =	vst v31;
	v63 =	vmul.f32 v42, v17;
	v18 =	vld [tilespmem:$0x1FDE0];
	v23 =	vmul.f32 v5, v40  }
0x20f: {  	v31 =	vmovc v30;
	v30 =	vmovc v19;
	v19 =	vld [tilespmem:$0x1FDF0];
	v40 =	vmul.f32 v50, v1;
	v6 =	vsub.f32 $1.500000000e+00, v6;
	v33 =	vadd.f32 v0, v20  }
0x210: {  	[tilespmem:$0x1FB00] =	vst v26;
	v26 =	vld [tilespmem:$0x1FE40];
	v22 =	vmul.f32 v23, v5;
	v23 =	vadd.f32 v4, v15;
	v29 =	vadd.f32 v7, v16  }
0x211: {  	v11 =	vmul.f32 v42, v14;
	v51 =	vld [tilespmem:s22+$0xFFFFFFD0];
	[tilespmem:s31+$0x20] =	vst v43;
	v17 =	vadd.f32 v60, v24;
	v14 =	vadd.f32 v62, v25  }
0x212: {  	[tilespmem:s31+$0x30] =	vst v45;
	v54 =	vld [tilespmem:s22+$0xFFFFFF10];
	v43 =	vadd.f32 v55, v16;
	v62 =	vadd.f32 v35, v20;
	v21 =	vmul.f32 v40, v41  }
0x213: {  	[tilespmem:s31+$0x50] =	vst v48;
	v48 =	vld [tilespmem:s22+$0xFFFFFF50];
	v10 =	vsub.f32 $1.500000000e+00, v22;
	v41 =	vmul.f32 v2, v6;
	v7 =	vmul.f32 v33, v33  }
0x214: {  	[tilespmem:s3+$0xA0] =	vst v56;
	v22 =	vadd.f32 v57, v18;
	v6 =	vld [tilespmem:s22+$0xFFFFFF30];
	v56 =	vmul.f32 v23, v23;
	v57 =	vmul.f32 v29, v29  }
0x215: {  	[tilespmem:s3+$0x80] =	vst v3;
	v3 =	vld [tilespmem:s22+$0xFFFFFF60];
	v45 =	vmul.f32 v21, v40;
	v4 =	vmul.f32 v41, v39;
	v21 =	vadd.f32 v58, v19  }
0x216: {  	[tilespmem:s3+$0x90] =	vst v38;
	v1 =	vld [tilespmem:s22+$0xFFFFFF40];
	v5 =	vmul.f32 v10, v5;
	v39 =	vadd.f32 v9, v26;
	v58 =	vmul.f32 v22, v22  }
0x217: {  	[tilespmem:s3+$0xB0] =	vst v59;
	v38 =	vld [tilespmem:s22+$0xFFFFFF70];
	v42 =	vadd.f32 v54, v15;
	v9 =	vmul.f32 v17, v17;
	v10 =	vmul.f32 v14, v14  }
0x218: {  	[tilespmem:s3+$0xE0] =	vst v11;
	v7 =	vadd.f32 v56, v7;
	v56 =	vld [tilespmem:s22+$0xFFFFFFF0];
	v59 =	vmul.f32 v21, v21;
	v11 =	vmul.f32 v39, v39  }
0x219: {  	[tilespmem:s31+$0x40] =	vst v46;
	v57 =	vadd.f32 v58, v57;
	v58 =	vld [tilespmem:s22+$0xFFFFFF90];
	v46 =	vadd.f32 v6, v18  }
0x21a: {  	[tilespmem:s31+$0x60] =	vst v49;
	v53 =	vmul.f32 v43, v43;
	v49 =	vadd.f32 v9, v59;
	v2 =	vadd.f32 v11, v10;
	v59 =	vld [tilespmem:s22+$0xFFFFFFA0]  }
0x21b: {  	[tilespmem:s31+$0x70] =	vst v47;
	v50 =	vadd.f32 v3, v25;
	v35 =	vmul.f32 v62, v62;
	v47 =	vadd.f32 v1, v19;
	v9 =	vld [tilespmem:s22+$0xFFFFFFB0]  }
0x21c: {  	v7 =	vadd.f32 v57, v7;
	v11 =	vld [tilespmem:s22+$0xFFFFFFC0];
	v10 =	vmul.f32 v46, v46;
	v2 =	vadd.f32 v2, v49  }
0x21d: {  	[tilespmem:s31+$0x10] =	vst v44;
	v52 =	vld [tilespmem:s22+$0xFFFFFFE0];
	v54 =	vmul.f32 v50, v50;
	v49 =	vadd.f32 v48, v24;
	v48 =	vadd.f32 v38, v26  }
0x21e: {  	[tilespmem:s3+$0xD0] =	vst v63;
	v44 =	vmin.f32 v5, $9.999999950e+11;
	v63 =	vadd.f32 v58, v15;
	v3 =	vadd.f32 v10, v53  }
0x21f: {  	v0 =	vmul.f32 v47, v47;
	v53 =	vadd.f32 v56, v26;
	v2 =	vadd.f32 v2, v7  }
0x220: {  	v58 =	vld [tilespmem:s22+$0x0];
	v38 =	vmul.f32 v49, v49;
	v7 =	vadd.f32 v51, v24;
	v1 =	vadd.f32 v59, v16  }
0x221: {  	v55 =	vmul.f32 v48, v48;
	v5 =	vadd.f32 v11, v19;
	(xrf2) =	vadd.scan.msk.f32 $0xffff, v2;
	v2 =	vadd.f32 v9, v18;
	v9 =	vld [tilespmem:s22+$0x20]  }
0x222: {  	v8 =	vld [tilespmem:s22+$0x10];
	v57 =	vmul.f32 v63, v63;
	v59 =	vadd.f32 v52, v25;
	v0 =	vadd.f32 v38, v0  }
0x223: {  	v54 =	vadd.f32 v55, v54;
	v55 =	vld [tilespmem:s22+$0x30];
	v56 =	vmul.f32 v7, v7;
	v38 =	vmul.f32 v2, v2  }
0x224: {  	v11 =	vld [tilespmem:s22+$0x50];
	v60 =	vmul.f32 v1, v1;
	v52 =	vmul.f32 v5, v5;
	v6 =	vadd.f32 v57, v35  }
0x225: {  	v57 =	vld [tilespmem:s22+$0x40];
	v10 =	vmul.f32 v59, v59;
	v35 =	vmovc v27;
	v58 =	vadd.f32 v58, v20;
	v0 =	vadd.f32 v54, v0  }
0x226: {  	v27 =	vmovc v12;
	v12 =	vmul.f32 v53, v53;
	v51 =	vadd.f32 v38, v60;
	v60 =	vadd.f32 v9, v16;
	v16 =	vld [tilespmem:s22+$0xFFFFFF00]  }
0x227: {  	v38 =	vmovc v28;
	v28 =	vmov v13;
	v13 =	vadd.f32 v56, v52;
	v56 =	vadd.f32 v8, v15;
	v8 =	vld [tilespmem:s22+$0x60]  }
0x228: {  	[tilespmem:s3+$0xC0] =	vst v61;
	v61 =	vmul.f32 v42, v42;
	v10 =	vadd.f32 v12, v10;
	v9 =	vld [tilespmem:s22+$0x70];
	v54 =	vadd.f32 v55, v18  }
0x229: {  	v55 =	vadd.f32 v11, v24;
	v15 =	vmul.f32 v58, v58;
	v6 =	vadd.f32 v51, v6  }
0x22a: {  	v57 =	vadd.f32 v57, v19;
	v18 =	vmul.f32 v60, v60;
	v11 =	vmul.f32 v54, v54  }
0x22b: {  	v12 =	vmul.f32 v56, v56;
	v10 =	vadd.f32 v10, v13;
	v51, _, _ =	vpop (xrf2);
	v16 =	vadd.f32 v16, v20  }
0x22c: {  	v11 =	vadd.f32 v11, v18;
	v19 =	vbroadcast v51, $0xF;
	v52 =	vadd.f32 v8, v25  }
0x22d: {  	v12 =	vadd.f32 v12, v15;
	v51 =	vadd.f32 v9, v26;
	v24 =	vmul.f32 v16, v16  }
0x22e: {  	v9 =	vshra.s32 v19, $0x1;
	v15 =	vmul.f32 $5.000000000e-01, v19;
	v20 =	vmul.f32 v52, v52  }
0x22f: {  	v8 =	vmul.f32 v57, v57;
	v19 =	vmul.f32 v55, v55;
	v9 =	vsub.s32 $0x5F3759DF, v9  }
0x230: {  	v25 =	vmul.f32 v51, v51;
	v13 =	vadd.f32 v61, v24;
	v18 =	vmul.f32 v9, v15  }
0x231: {  	v11 =	vadd.f32 v11, v12;
	v8 =	vadd.f32 v19, v8;
	v19 =	vld [tilespmem:$0x1FB60]  }
0x232: {  	v3 =	vadd.f32 v3, v13;
	v13 =	vld [tilespmem:$0x1FB80];
	v12 =	vmul.f32 v9, v18;
	v18 =	vadd.f32 v25, v20;
	v20 =	vmovc v62  }
0x233: {  	v4 =	vmul.f32 v4, v41;
	v6 =	vadd.f32 v10, v6  }
0x234: {  	v62 =	vsub.f32 $1.500000000e+00, v45  }
0x235: {  	v4 =	vsub.f32 $1.500000000e+00, v4;
	(xrf2) =	vadd.scan.msk.f32 $0xffff, v6;
	[tilespmem:$0x1FB60] =	vst v20;
	v8 =	vadd.f32 v18, v8;
	v20 =	vmovc v63  }
0x236: {  	v61 =	vsub.f32 $1.500000000e+00, v12;
	v12 =	vld [tilespmem:$0x1FB70];
	v6 =	vmul.f32 v62, v40;
	v19 =	vmul.f32 v44, v19;
	v63 =	vmovc v1;
	[tilespmem:$0x1FB70] =	vst v20  }
0x237: {  	v10 =	vmul.f32 v4, v41;
	v13 =	vmul.f32 v44, v13;
	[tilespmem:$0x1FB80] =	vst v63  }
0x238: {  	v9 =	vmul.f32 v9, v61;
	v1 =	vadd.f32 v8, v11;
	v11 =	vld [tilespmem:$0x1FB90];
	v62 =	vmovc v2;
	v41 =	vmin.f32 v6, $9.999999950e+11;
	[tilespmem:s3+$0xFFFFFF80] =	vst v19  }
0x239: {  	[tilespmem:$0x1FB90] =	vst v62;
	v6 =	vmul.f32 v41, v36  }
0x23a: {  	v0 =	vadd.f32 v0, v3;
	v63 =	vld [tilespmem:$0x1FBA0];
	v36 =	vmul.f32 v41, v28;
	v61 =	vmul.f32 v9, v15;
	[tilespmem:s3+$0xFFFFFFA0] =	vst v13  }
0x23b: {  	v12 =	vmul.f32 v44, v12;
	[tilespmem:s3+$0xFFFFFF00] =	vst v6  }
0x23c: {  	(xrf2) =	vadd.scan.msk.f32 $0xffff, v0;
	v15 =	vmovc v7;
	v7 =	vmul.f32 v41, v30;
	[tilespmem:s3+$0xFFFFFF40] =	vst v36;
	v40 =	vmul.f32 v61, v9  }
0x23d: {  	v30 =	vmovc v58;
	v58 =	vld [tilespmem:$0x1FB10];
	v61 =	vmul.f32 v41, v37;
	[tilespmem:s3+$0xFFFFFF90] =	vst v12;
	v45 =	vmul.f32 v44, v11;
	v11 =	vmov v5  }
0x23e: {  	(xrf2) =	vadd.scan.msk.f32 $0xffff, v1;
	v5 =	vmul.f32 v44, v32;
	v32 =	vld [tilespmem:$0x1FB40];
	[tilespmem:$0x1FBA0] =	vst v11  }
0x23f: {  	v0 =	vmul.f32 v44, v63;
	[tilespmem:s3+$0xFFFFFF10] =	vst v61;
	v61 =	vld [tilespmem:$0x1FAD0]  }
0x240: {  	v4 =	vmul.f32 v44, v34;
	v36 =	vmovc v16;
	v16 =	vmov v56;
	v56 =	vld [tilespmem:$0x1FB00];
	v62 =	vsub.f32 $1.500000000e+00, v40;
	[tilespmem:s3+$0xFFFFFFB0] =	vst v45  }
0x241: {  	v13 =	vmovc v47;
	v47 =	vmovc v49;
	v63 =	vmul.f32 v41, v27;
	[tilespmem:s3+$0xFFFFFFC0] =	vst v0;
	v0 =	vmin.f32 v10, $9.999999950e+11;
	v12 =	vmov v43;
	v43 =	vld [tilespmem:$0x1FB50]  }
0x242: {  	v20 =	vmovc v48;
	[tilespmem:$0x1FB50] =	vst v47;
	v48 =	vmul.f32 v0, v58;
	v45 =	vmov v46;
	v46 =	vmul.f32 v62, v9  }
0x243: {  	v2 =	vld [tilespmem:$0x1FAE0];
	[tilespmem:s3+$0xFFFFFF20] =	vst v63;
	v9 =	vmul.f32 v0, v31;
	v3 =	vmul.f32 v41, v32  }
0x244: {  	s31 =	smov.u32 s3;
	[tilespmem:$0x1FB40] =	vst v45;
	v62, _, _ =	vpop (xrf2);
	v45 =	vmul.f32 v0, v38;
	v1 =	vmul.f32 v41, v61  }
0x245: {  	v37 =	vmovc v42;
	[tilespmem:s31+$0xFFFFFFD0] =	vst v5;
	v32 =	vld [tilespmem:$0x1FAF0];
	v42 =	vmin.f32 v46, $9.999999950e+11;
	v63 =	vbroadcast v62, $0xF;
	v46 =	vmul.f32 v0, v56  }
0x246: {  	v24 =	vmovc v60;
	v27 =	vmov v53;
	v61 =	vld [tilespmem:$0x1FB20];
	v8 =	vmul.f32 v41, v43;
	[tilespmem:s3+$0xFFFFFF30] =	vst v3;
	v3 =	vmul.f32 v44, v35  }
0x247: {  	s15 =	sadd.s32 $0x4, s15;
	[tilespmem:s31+$0xFFFFFFE0] =	vst v4;
	v10 =	vmul.f32 v42, v39;
	v39, _, _ =	vpop (xrf2);
	v35 =	vshra.s32 v63, $0x1;
	v40 =	vmul.f32 $5.000000000e-01, v63  }
0x248: {  	p0 =	slt.u32 s15, $0x7C;
	[tilespmem:s31+$0x0] =	vst v9;
	v44 =	vmul.f32 v0, v2;
	v41 =	vbroadcast v39, $0xF;
	v60, _, _ =	vpop (xrf2);
	v63 =	vld [tilespmem:$0x1FB30];
	v53 =	vsub.s32 $0x5F3759DF, v35  }
.Ltmp1:
0x249: {  	v26 =	vmov v57;
	[tilespmem:s31+$0xFFFFFF60] =	vst v7;
	v2 =	vbroadcast v60, $0xF;
	v57 =	vmul.f32 v53, v40;
	(pc) =	sbr.rel @p0 .LBB2_4-.Ltmp1, $4  }
0x24a: {  	v34 =	vmovc v59;
	[tilespmem:s31+$0xFFFFFF70] =	vst v1;
	v43 =	vmul.f32 v0, v32;
	v59 =	vshra.s32 v41, $0x1;
	v41 =	vmul.f32 $5.000000000e-01, v41  }
0x24b: {  	v25 =	vmovc v55;
	v28 =	vmov v54;
	s3 =	sadd.s32 $0x200, s3;
	[tilespmem:s31+$0xFFFFFF50] =	vst v8;
	v49 =	vmul.f32 v0, v61;
	v62 =	vmul.f32 v53, v57  }
0x24c: {  	v19 =	vmovc v50;
	v31 =	vmovc v51;
	[tilespmem:s3+$0xF0] =	vst v10;
	v50 =	vsub.s32 $0x5F3759DF, v59;
	v51 =	vshra.s32 v2, $0x1;
	v39 =	vmul.f32 $5.000000000e-01, v2  }
0x24d: {  	s22 =	sadd.s32 $0x200, s22;
	[tilespmem:s31+$0xFFFFFFF0] =	vst v3;
	v32 =	vmovc v52;
	v52 =	vmul.f32 v50, v41;
	v47 =	vmul.f32 v0, v63;
	v54 =	vsub.f32 $1.500000000e+00, v62  }
0x24e: {  	[tilespmem:s31+$0x10] =	vst v44  }
0x24f: {  	[tilespmem:s31+$0x20] =	vst v43  }
0x250: {  	[tilespmem:s31+$0x30] =	vst v45  }
0x251: {  	[tilespmem:s31+$0x40] =	vst v46  }
0x252: {  	[tilespmem:s31+$0x50] =	vst v48  }
0x253: {  	v3 =	vmul.f32 v42, v33;
	[tilespmem:s31+$0x60] =	vst v49  }
0x254: {  	v4 =	vmul.f32 v42, v23;
	[tilespmem:s31+$0x70] =	vst v47  }
0x255: {  	v5 =	vmul.f32 v42, v29;
	v0 =	vmul.f32 v53, v54;
	[tilespmem:s3+$0x80] =	vst v3  }
0x256: {  	v58 =	vmul.f32 v42, v22;
	[tilespmem:s3+$0x90] =	vst v4  }
0x257: {  	v59 =	vmul.f32 v42, v21;
	[tilespmem:s3+$0xA0] =	vst v5;
	v2 =	vmul.f32 v0, v40  }
0x258: {  	v61 =	vmul.f32 v42, v17;
	[tilespmem:s3+$0xB0] =	vst v58  }
0x259: {  	[tilespmem:s3+$0xC0] =	vst v59;
	v2 =	vmul.f32 v2, v0  }
0x25a: {  	[tilespmem:s3+$0xD0] =	vst v61  }
0x25b: {  	v4 =	vld [tilespmem:$0x1FB60];
	v2 =	vsub.f32 $1.500000000e+00, v2  }
0x25c: {  	v1 =	vmul.f32 v50, v52  }
0x25d: {  	v0 =	vmul.f32 v2, v0  }
0x25e: {  	v7 =	vmul.f32 v42, v14;
	v1 =	vsub.f32 $1.500000000e+00, v1  }
0x25f: {  	v0 =	vmin.f32 v0, $9.999999950e+11  }
0x260: {  	[tilespmem:s3+$0xE0] =	vst v7;
	v1 =	vmul.f32 v50, v1;
	v4 =	vmul.f32 v0, v4  }
0x261: {  	v9 =	vld [tilespmem:$0x1FB70]  }
0x262: {  	v6 =	vmul.f32 v1, v41;
	[tilespmem:s3+$0xFFFFFF80] =	vst v4  }
0x263: {  	v4 =	vld [tilespmem:$0x1FB80]  }
0x264: {  	v6 =	vmul.f32 v6, v1;
	_ =	sdelay $0x1  }
0x265: {  	v63 =	vsub.f32 $1.500000000e+00, v6;
	v6 =	vmul.f32 v0, v9;
	_ =	sdelay $0x1  }
0x266: {  	[tilespmem:s3+$0xFFFFFF90] =	vst v6;
	v4 =	vmul.f32 v0, v4  }
0x267: {  	v10 =	vld [tilespmem:$0x1FB90]  }
0x268: {  	v60 =	vsub.s32 $0x5F3759DF, v51;
	[tilespmem:s3+$0xFFFFFFA0] =	vst v4  }
0x269: {  	v62 =	vmul.f32 v60, v39;
	v4 =	vld [tilespmem:$0x1FBA0]  }
0x26a: {  	v1 =	vmul.f32 v63, v1  }
0x26b: {  	v3 =	vmul.f32 v60, v62  }
0x26c: {  	v1 =	vmin.f32 v1, $9.999999950e+11;
	v5 =	vmul.f32 v0, v10  }
0x26d: {  	v3 =	vsub.f32 $1.500000000e+00, v3;
	v11 =	vmul.f32 v1, v36  }
0x26e: {  	[tilespmem:s3+$0xFFFFFFB0] =	vst v5;
	v4 =	vmul.f32 v0, v4  }
0x26f: {  	v2 =	vmul.f32 v60, v3;
	v33 =	vmul.f32 v1, v37;
	[tilespmem:s3+$0xFFFFFF00] =	vst v11  }
0x270: {  	v36 =	vmul.f32 v1, v12;
	[tilespmem:s3+$0xFFFFFFC0] =	vst v4  }
0x271: {  	v35 =	vmul.f32 v2, v39;
	v3 =	vld [tilespmem:$0x1FB40];
	[tilespmem:s3+$0xFFFFFF10] =	vst v33  }
0x272: {  	v37 =	vmul.f32 v1, v13;
	[tilespmem:s3+$0xFFFFFF20] =	vst v36  }
0x273: {  	v39 =	vmul.f32 v1, v19;
	v4 =	vmul.f32 v35, v2;
	v6 =	vld [tilespmem:$0x1FB50]  }
0x274: {  	v40 =	vmul.f32 v0, v15;
	[tilespmem:s3+$0xFFFFFF40] =	vst v37  }
0x275: {  	v41 =	vmul.f32 v0, v34;
	v38 =	vsub.f32 $1.500000000e+00, v4;
	[tilespmem:s3+$0xFFFFFF60] =	vst v39  }
0x276: {  	v0 =	vmul.f32 v0, v27;
	[tilespmem:s3+$0xFFFFFFD0] =	vst v40  }
0x277: {  	[tilespmem:s3+$0xFFFFFFE0] =	vst v41;
	v2 =	vmul.f32 v38, v2;
	v3 =	vmul.f32 v1, v3  }
0x278: {  	[tilespmem:s3+$0xFFFFFFF0] =	vst v0;
	v6 =	vmul.f32 v1, v6  }
0x279: {  	v42 =	vmin.f32 v2, $9.999999950e+11;
	v1 =	vmul.f32 v1, v20;
	[tilespmem:s3+$0xFFFFFF30] =	vst v3  }
0x27a: {  	v2 =	vmul.f32 v42, v30;
	[tilespmem:s3+$0xFFFFFF50] =	vst v6  }
0x27b: {  	v43 =	vmul.f32 v42, v16;
	[tilespmem:s3+$0xFFFFFF70] =	vst v1  }
0x27c: {  	v44 =	vmul.f32 v42, v24;
	[tilespmem:s3+$0x0] =	vst v2  }
0x27d: {  	v45 =	vmul.f32 v42, v28;
	[tilespmem:s3+$0x10] =	vst v43  }
0x27e: {  	v46 =	vmul.f32 v42, v26;
	[tilespmem:s3+$0x20] =	vst v44  }
0x27f: {  	v47 =	vmul.f32 v42, v25;
	[tilespmem:s3+$0x30] =	vst v45  }
0x280: {  	v48 =	vmul.f32 v42, v32;
	[tilespmem:s3+$0x40] =	vst v46  }
0x281: {  	v1 =	vmul.f32 v42, v31;
	[tilespmem:s3+$0x50] =	vst v47  }
0x282: {  	[tilespmem:s3+$0x60] =	vst v48  }
0x283: {  	[tilespmem:s3+$0x70] =	vst v1  }
0x284: {  	[hbm4b:s9+s5] =	stream.linear.scatter [tilespmem:s2], [sflag:$0x6], $0x4000, $0x38;
	[tilespmem:$0x18500] =	vst v63  }
0x285: {  	_ =	swait.ge [sflag:s0], $0x4000  }
0x286: {  	[sflag:s0] =	ssyncset.done $0x0  }
0x287: {  	[sflag:s0] =	ssyncadd.s32 $0xFFFFC000  }
0x288: {  	_ =	swait.ge [sflag:s4], $0x4000  }
0x289: {  	[sflag:s4] =	ssyncset.done $0x0  }
0x28a: {  	s22 =	simm.s32 $0x340;
	[sflag:s4] =	ssyncadd.s32 $0xFFFFC000  }
0x28b: {  	[tilespmem:s26], [sflag:$0x4] =	stream.indirect.gather.add.f32 [hbm:s1], $0x80, s22, s20, $0xb8;
	[tilespmem:$0x18500] =	vst v63  }
0x28c: {  	_ =	swait.ge [sflag:s16], $0x2000  }
0x28d: {  	v63 =	vld [tilespmem:$0x1FE20]  }
0x28e: {  	v56 =	vld [tilespmem:$0x1FE10]  }
0x28f: {  	v39 =	vld [tilespmem:$0x1FDD0]  }
0x290: {  	v41 =	vld [tilespmem:$0x1FDE0]  }
0x291: {  	v40 =	vld [tilespmem:$0x1FDF0]  }
0x292: {  	v36 =	vld [tilespmem:$0x1FE00]  }
0x293: {  	[sflag:s16] =	ssyncset.done $0x0;
	v54 =	vld [tilespmem:$0x1FE30]  }
0x294: {  	s15 =	simm.s32 $0x8500;
	v55 =	vld [tilespmem:$0x1FE40];
	[sflag:s16] =	ssyncadd.s32 $0xFFFFE000  }
0x295: {  	v49 =	vld [tilespmem:s15+$0x80]  }
0x296: {  	v50 =	vld [tilespmem:s15+$0x90]  }
0x297: {  	v51 =	vld [tilespmem:s15+$0xA0]  }
0x298: {  	v52 =	vld [tilespmem:s15+$0xB0]  }
0x299: {  	v6 =	vld [tilespmem:s15+$0xE0]  }
0x29a: {  	v7 =	vld [tilespmem:s15+$0xF0]  }
0x29b: {  	v8 =	vld [tilespmem:s15+$0xFFFFFF10]  }
0x29c: {  	v60 =	vld [tilespmem:s15+$0xFFFFFF20]  }
0x29d: {  	v53 =	vld [tilespmem:s15+$0xC0]  }
0x29e: {  	v5 =	vld [tilespmem:s15+$0xD0]  }
0x29f: {  	v62 =	vld [tilespmem:s15+$0xFFFFFF40];
	v31 =	vadd.f32 v49, v63  }
0x2a0: {  	v61 =	vld [tilespmem:s15+$0xFFFFFF30];
	v30 =	vadd.f32 v6, v54;
	v15 =	vadd.f32 v8, v56  }
0x2a1: {  	v34 =	vld [tilespmem:s15+$0xFFFFFF50];
	v28 =	vadd.f32 v7, v55;
	v14 =	vadd.f32 v60, v39  }
0x2a2: {  	v9 =	vld [tilespmem:s15+$0xFFFFFF60];
	v35 =	vadd.f32 v50, v56;
	v46 =	vadd.f32 v51, v39;
	[tilespmem:$0x1F9B0] =	vst v15  }
0x2a3: {  	v50 =	vadd.f32 v52, v41;
	v43 =	vmul.f32 v30, v30;
	v12 =	vmul.f32 v28, v28;
	v11 =	vld [tilespmem:s15+$0xFFFFFF70];
	[tilespmem:$0x1F9C0] =	vst v14  }
0x2a4: {  	v51 =	vadd.f32 v53, v40;
	v52 =	vadd.f32 v62, v40;
	v13 =	vld [tilespmem:s15+$0xFFFFFF80]  }
0x2a5: {  	v32 =	vmul.f32 v31, v31;
	v47 =	vld [tilespmem:s15+$0xFFFFFF90];
	v0 =	vadd.f32 v12, v43;
	v12 =	vadd.f32 v61, v41  }
0x2a6: {  	v45 =	vadd.f32 v5, v36;
	v33 =	vmul.f32 v35, v35;
	v37 =	vmul.f32 v46, v46;
	v49 =	vld [tilespmem:s15+$0xFFFFFFA0];
	[tilespmem:$0x1F9E0] =	vst v52  }
0x2a7: {  	v16 =	vadd.f32 v34, v36;
	v38 =	vmul.f32 v50, v50;
	v42 =	vmul.f32 v51, v51;
	[tilespmem:$0x1F9D0] =	vst v12  }
0x2a8: {  	v10 =	vmul.f32 v45, v45;
	v57 =	vmul.f32 v14, v14;
	v14 =	vadd.f32 v9, v54;
	v53 =	vld [tilespmem:s15+$0xFFFFFFB0]  }
0x2a9: {  	v3 =	vadd.f32 v33, v32;
	v44 =	vadd.f32 v38, v37;
	v58 =	vld [tilespmem:s15+$0xFFFFFFC0]  }
0x2aa: {  	v48 =	vadd.f32 v10, v42;
	v59 =	vmul.f32 v12, v12;
	[tilespmem:$0x1F9F0] =	vst v16;
	v12 =	vadd.f32 v11, v55  }
0x2ab: {  	[tilespmem:$0x1FA00] =	vst v14;
	v61 =	vadd.f32 v13, v63;
	v13 =	vadd.f32 v47, v56  }
0x2ac: {  	v3 =	vadd.f32 v44, v3;
	v32 =	vld [tilespmem:s15+$0xFFFFFFD0];
	[tilespmem:$0x1FA10] =	vst v12  }
0x2ad: {  	v0 =	vadd.f32 v0, v48;
	v34 =	vld [tilespmem:s15+$0xFFFFFFE0];
	[tilespmem:$0x1F980] =	vst v13;
	v17 =	vadd.f32 v53, v41  }
0x2ae: {  	v38 =	vld [tilespmem:s15+$0xFFFFFFF0];
	v18 =	vadd.f32 v58, v40  }
0x2af: {  	v33 =	vmul.f32 v52, v52;
	v37 =	vmul.f32 v16, v16;
	v0 =	vadd.f32 v0, v3;
	v43 =	vld [tilespmem:s15+$0x0];
	[tilespmem:$0x1F990] =	vst v17  }
0x2b0: {  	v42 =	vmul.f32 v14, v14;
	v2 =	vadd.f32 v59, v57;
	v60 =	vadd.f32 v49, v39;
	v14 =	vld [tilespmem:s15+$0x10];
	[tilespmem:$0x1F9A0] =	vst v18  }
0x2b1: {  	v12 =	vmul.f32 v12, v12;
	v44 =	vmul.f32 v61, v61;
	v16 =	vadd.f32 v32, v36;
	v48 =	vld [tilespmem:s15+$0x20]  }
0x2b2: {  	(xrf2) =	vadd.scan.msk.f32 $0xffff, v0;
	v13 =	vmul.f32 v13, v13;
	v49 =	vmul.f32 v17, v17;
	v17 =	vadd.f32 v34, v54  }
0x2b3: {  	v47 =	vmul.f32 v60, v60;
	v53 =	vmul.f32 v18, v18;
	[tilespmem:$0x1FA20] =	vst v16;
	v18 =	vadd.f32 v38, v55  }
0x2b4: {  	v1 =	vadd.f32 v13, v44;
	v52 =	vld [tilespmem:s15+$0x30];
	[tilespmem:$0x1FA30] =	vst v17;
	v13 =	vmul.f32 v17, v17;
	v17 =	vadd.f32 v43, v63  }
0x2b5: {  	v11 =	vadd.f32 v12, v42;
	v57 =	vmul.f32 v16, v16;
	v12 =	vld [tilespmem:s15+$0x40];
	[tilespmem:$0x1FA40] =	vst v18;
	v16 =	vadd.f32 v14, v56  }
0x2b6: {  	v62 =	vmul.f32 v18, v18;
	v58 =	vld [tilespmem:s15+$0xFFFFFF00];
	[tilespmem:$0x1FA50] =	vst v17;
	v14 =	vmul.f32 v15, v15;
	v15 =	vadd.f32 v48, v39  }
0x2b7: {  	v4 =	vadd.f32 v49, v47;
	v59 =	vld [tilespmem:s15+$0x50];
	[tilespmem:$0x1FA60] =	vst v16  }
0x2b8: {  	v0 =	vadd.f32 v57, v53;
	v8 =	vadd.f32 v62, v13;
	v32 =	vld [tilespmem:s15+$0x60];
	[tilespmem:$0x1FA70] =	vst v15  }
0x2b9: {  	v9 =	vadd.f32 v37, v33;
	v1 =	vadd.f32 v4, v1;
	v33 =	vld [tilespmem:s15+$0x70]  }
0x2ba: {  	v34 =	vmul.f32 v17, v17;
	v13 =	vadd.f32 v52, v41;
	v0 =	vadd.f32 v8, v0  }
0x2bb: {  	v37 =	vmul.f32 v16, v16;
	v12 =	vadd.f32 v12, v40;
	v62 =	vadd.f32 v58, v63  }
0x2bc: {  	v38 =	vmul.f32 v15, v15;
	[tilespmem:$0x1FA80] =	vst v13;
	v42 =	vmul.f32 v13, v13;
	v15 =	vadd.f32 v59, v36  }
0x2bd: {  	v0 =	vadd.f32 v0, v1;
	[tilespmem:$0x1FA90] =	vst v12;
	v43 =	vmul.f32 v62, v62;
	v13 =	vadd.f32 v32, v54  }
0x2be: {  	v9 =	vadd.f32 v11, v9;
	v44 =	vmul.f32 v12, v12;
	[tilespmem:$0x1FAA0] =	vst v15;
	v12 =	vadd.f32 v33, v55  }
0x2bf: {  	v48, _, _ =	vpop (xrf2);
	v49 =	vadd.f32 v37, v34;
	(xrf2) =	vadd.scan.msk.f32 $0xffff, v0;
	v7 =	vadd.f32 v14, v43;
	[tilespmem:$0x1FAB0] =	vst v13  }
0x2c0: {  	s22 =	simm.s32 $0x8700;
	v1 =	vbroadcast v48, $0xF;
	v4 =	vadd.f32 v42, v38;
	v47 =	vmul.f32 v15, v15;
	[tilespmem:$0x1FAC0] =	vst v12  }
0x2c1: {  	v52 =	vmul.f32 v13, v13;
	v53 =	vmul.f32 v12, v12;
	v2 =	vadd.f32 v2, v7;
	v43 =	vld [tilespmem:s22+$0xA0]  }
0x2c2: {  	v59 =	vshra.s32 v1, $0x1;
	v1 =	vmul.f32 $5.000000000e-01, v1;
	v57 =	vadd.f32 v47, v44;
	v47 =	vld [tilespmem:s22+$0xB0]  }
0x2c3: {  	v5 =	vsub.s32 $0x5F3759DF, v59;
	v48 =	vld [tilespmem:s22+$0xC0];
	v58 =	vadd.f32 v53, v52;
	v2 =	vadd.f32 v9, v2  }
0x2c4: {  	v10 =	vmul.f32 v5, v1;
	v37 =	vld [tilespmem:s22+$0xE0]  }
0x2c5: {  	v4 =	vadd.f32 v4, v49;
	v12 =	vld [tilespmem:s22+$0xF0];
	v0 =	vadd.f32 v58, v57;
	(xrf2) =	vadd.scan.msk.f32 $0xffff, v2  }
0x2c6: {  	v11 =	vmul.f32 v5, v10;
	v3 =	vld [tilespmem:s22+$0xFFFFFF30]  }
0x2c7: {  	v0 =	vadd.f32 v0, v4  }
0x2c8: {  	v32 =	vsub.f32 $1.500000000e+00, v11;
	v29 =	vadd.f32 v43, v39  }
0x2c9: {  	v53 =	vld [tilespmem:s22+$0xD0];
	v33, _, _ =	vpop (xrf2);
	v22 =	vadd.f32 v47, v41;
	v21 =	vadd.f32 v48, v40;
	(xrf2) =	vadd.scan.msk.f32 $0xffff, v0  }
0x2ca: {  	v34 =	vld [tilespmem:s22+$0x80];
	v14 =	vadd.f32 v37, v54;
	v8 =	vadd.f32 v12, v55;
	v2 =	vbroadcast v33, $0xF  }
0x2cb: {  	v19 =	vld [tilespmem:s22+$0xFFFFFF60];
	v3 =	vadd.f32 v3, v41;
	v0 =	vmul.f32 v5, v32;
	v47 =	vmul.f32 v29, v29  }
0x2cc: {  	v12 =	vmul.f32 v22, v22;
	v38 =	vshra.s32 v2, $0x1;
	v57 =	vmul.f32 $5.000000000e-01, v2;
	v2 =	vld [tilespmem:s22+$0x90]  }
0x2cd: {  	v27 =	vmul.f32 v14, v14;
	v1 =	vmul.f32 v0, v1;
	v4 =	vsub.s32 $0x5F3759DF, v38  }
0x2ce: {  	v17 =	vadd.f32 v53, v36;
	v53 =	vmul.f32 v8, v8;
	v44 =	vmul.f32 v4, v57  }
0x2cf: {  	v33 =	vadd.f32 v34, v63;
	v34 =	vmul.f32 v3, v3;
	v1 =	vmul.f32 v1, v0;
	v42, _, _ =	vpop (xrf2)  }
0x2d0: {  	v19 =	vadd.f32 v19, v54;
	v7 =	vmul.f32 v4, v44;
	v5 =	vbroadcast v42, $0xF;
	v42 =	vld [tilespmem:s22+$0xFFFFFF20]  }
0x2d1: {  	v43 =	vmul.f32 v33, v33;
	v1 =	vsub.f32 $1.500000000e+00, v1;
	v23 =	vadd.f32 v2, v56  }
0x2d2: {  	v10 =	vld [tilespmem:s22+$0xFFFFFF50];
	v20 =	vmul.f32 v17, v17;
	v11 =	vadd.f32 v12, v47;
	v7 =	vsub.f32 $1.500000000e+00, v7  }
0x2d3: {  	v32 =	vld [tilespmem:s22+$0xFFFFFFA0];
	v26 =	vmul.f32 v1, v0;
	v44 =	vmul.f32 v23, v23;
	v49 =	vshra.s32 v5, $0x1;
	v52, _, _ =	vpop (xrf2)  }
0x2d4: {  	v2 =	vld [tilespmem:s22+$0xFFFFFF70];
	v59 =	vmul.f32 $5.000000000e-01, v5;
	v16 =	vsub.s32 $0x5F3759DF, v49;
	v5 =	vbroadcast v52, $0xF  }
0x2d5: {  	v6 =	vadd.f32 v44, v43;
	v49 =	vld [tilespmem:s22+$0xFFFFFF80];
	v44 =	vmul.f32 v4, v7;
	v52 =	vadd.f32 v42, v39  }
0x2d6: {  	v38 =	vmul.f32 v16, v59;
	v13 =	vshra.s32 v5, $0x1;
	v58 =	vmul.f32 $5.000000000e-01, v5;
	v5 =	vld [tilespmem:s22+$0xFFFFFF40]  }
0x2d7: {  	v42 =	vadd.f32 v10, v36;
	v18 =	vsub.s32 $0x5F3759DF, v13;
	v13 =	vmul.f32 v21, v21;
	v12 =	vmovc v52;
	v52 =	vld [tilespmem:s22+$0xFFFFFF90];
	[tilespmem:$0x1F910] =	vst v3  }
0x2d8: {  	v9 =	vadd.f32 v11, v6;
	v1 =	vmul.f32 v16, v38;
	v48 =	vmul.f32 v18, v58;
	v38 =	vld [tilespmem:s22+$0xFFFFFFB0]  }
0x2d9: {  	v25 =	vmul.f32 v12, v12;
	v24 =	vld [tilespmem:s22+$0xFFFFFFC0];
	[tilespmem:$0x1F920] =	vst v42;
	v13 =	vadd.f32 v20, v13;
	v20 =	vadd.f32 v53, v27  }
0x2da: {  	v43 =	vadd.f32 v49, v63;
	v1 =	vsub.f32 $1.500000000e+00, v1;
	v49 =	vmul.f32 v19, v19;
	v6 =	vld [tilespmem:s22+$0xFFFFFFE0]  }
0x2db: {  	v27 =	vmul.f32 v18, v48;
	v53 =	vadd.f32 v5, v40;
	v11 =	vadd.f32 v20, v13  }
0x2dc: {  	v48 =	vmul.f32 v42, v42;
	v20 =	vadd.f32 v2, v55;
	v47 =	vadd.f32 v52, v56  }
0x2dd: {  	v37 =	vld [tilespmem:s22+$0xFFFFFFD0];
	[tilespmem:$0x1F930] =	vst v43;
	v2 =	vmul.f32 v43, v43;
	v27 =	vsub.f32 $1.500000000e+00, v27;
	v13 =	vmovc v53;
	v5 =	vadd.f32 v11, v9  }
0x2de: {  	v52 =	vmul.f32 v20, v20;
	v9 =	vadd.f32 v34, v25;
	v15 =	vmul.f32 v13, v13;
	[tilespmem:$0x1F940] =	vst v47  }
0x2df: {  	v53 =	vmul.f32 v47, v47;
	v47 =	vadd.f32 v32, v39;
	v34 =	vadd.f32 v6, v54;
	v25 =	vld [tilespmem:s22+$0xFFFFFFF0]  }
0x2e0: {  	v43 =	vmul.f32 v16, v1;
	(xrf2) =	vadd.scan.msk.f32 $0xffff, v5;
	v3 =	vadd.f32 v52, v49;
	v49 =	vadd.f32 v24, v40  }
0x2e1: {  	v42 =	vmul.f32 v18, v27;
	v7 =	vadd.f32 v48, v15;
	v48 =	vadd.f32 v38, v41  }
0x2e2: {  	v24 =	vld [tilespmem:s22+$0x0];
	v0 =	vadd.f32 v53, v2;
	v2 =	vmin.f32 v26, $9.999999950e+11;
	[tilespmem:$0x1F950] =	vst v47;
	v52 =	vmul.f32 v47, v47  }
0x2e3: {  	v15 =	vadd.f32 v37, v36;
	v53 =	vmul.f32 v2, v28;
	v26 =	vld [tilespmem:s22+$0x10];
	[tilespmem:$0x1F960] =	vst v48;
	v28 =	vmul.f32 v48, v48  }
0x2e4: {  	v10 =	vmul.f32 v49, v49;
	v47 =	vmul.f32 v2, v46;
	v27 =	vadd.f32 v25, v55;
	v25 =	vld [tilespmem:s22+$0x20];
	[tilespmem:$0x1F970] =	vst v49  }
0x2e5: {  	v50 =	vmul.f32 v2, v50;
	v11 =	vmul.f32 v15, v15;
	v6 =	vadd.f32 v28, v52;
	v28 =	vld [tilespmem:s22+$0x30]  }
0x2e6: {  	v48 =	vmul.f32 v2, v31;
	v31 =	vmul.f32 v34, v34  }
0x2e7: {  	v49 =	vmul.f32 v2, v35;
	v35 =	vadd.f32 v11, v10;
	v10 =	vadd.f32 v3, v7;
	v37 =	vld [tilespmem:s22+$0x40]  }
0x2e8: {  	v52 =	vmul.f32 v2, v45;
	v11 =	vmul.f32 v2, v30;
	v46 =	vld [tilespmem:s22+$0x50];
	v16 =	vadd.f32 v26, v56  }
0x2e9: {  	v30 =	vadd.f32 v24, v63;
	v32 =	vmul.f32 v27, v27;
	v45 =	vadd.f32 v6, v0  }
0x2ea: {  	s31 =	simm.s32 $0x10500;
	v3 =	vld [tilespmem:s22+$0x70];
	v4 =	vmul.f32 v16, v16;
	v26, _, _ =	vpop (xrf2);
	v24 =	vadd.f32 v25, v39;
	v28 =	vadd.f32 v28, v41  }
0x2eb: {  	v7 =	vld [tilespmem:s22+$0x60];
	[tilespmem:s31+$0xF0] =	vst v53;
	v38 =	vadd.f32 v32, v31;
	v6 =	vbroadcast v26, $0xF;
	v41 =	vmul.f32 v30, v30  }
0x2ec: {  	[tilespmem:s31+$0x80] =	vst v48;
	v26 =	vadd.f32 v37, v40;
	v32 =	vmul.f32 v24, v24;
	v39 =	vmul.f32 v28, v28  }
0x2ed: {  	v51 =	vmul.f32 v2, v51;
	[tilespmem:s31+$0xA0] =	vst v47;
	v25 =	vadd.f32 v46, v36;
	v40 =	vadd.f32 v4, v41  }
0x2ee: {  	[tilespmem:s31+$0xB0] =	vst v50;
	v4 =	vmul.f32 $5.000000000e-01, v6;
	v2 =	vadd.f32 v39, v32;
	v32 =	vmul.f32 v44, v57  }
0x2ef: {  	[tilespmem:s31+$0xC0] =	vst v51;
	v31 =	vadd.f32 v3, v55;
	v1 =	vmul.f32 v26, v26;
	v41 =	vmul.f32 v25, v25  }
0x2f0: {  	v5 =	vld [tilespmem:s22+$0xFFFFFF10];
	[tilespmem:s31+$0x90] =	vst v49;
	v6 =	vshra.s32 v6, $0x1;
	v57 =	vmul.f32 v32, v44;
	v32 =	vadd.f32 v7, v54  }
0x2f1: {  	[tilespmem:s31+$0xD0] =	vst v52;
	v6 =	vsub.s32 $0x5F3759DF, v6;
	v41 =	vadd.f32 v41, v1;
	v39 =	vadd.f32 v38, v35  }
0x2f2: {  	[tilespmem:s31+$0xE0] =	vst v11;
	v38 =	vmul.f32 v31, v31;
	v1 =	vsub.f32 $1.500000000e+00, v57;
	v7 =	vmul.f32 v32, v32  }
0x2f3: {  	v0 =	vmul.f32 v6, v4;
	v54 =	vld [tilespmem:$0x1F980]  }
0x2f4: {  	v1 =	vmul.f32 v1, v44;
	v47 =	vadd.f32 v38, v7  }
0x2f5: {  	v37 =	vadd.f32 v5, v56;
	v0 =	vmul.f32 v6, v0  }
0x2f6: {  	v2 =	vadd.f32 v2, v40;
	v5 =	vadd.f32 v47, v41;
	v1 =	vmin.f32 v1, $9.999999950e+11  }
0x2f7: {  	v53 =	vmul.f32 v1, v61  }
0x2f8: {  	v0 =	vsub.f32 $1.500000000e+00, v0;
	v2 =	vadd.f32 v5, v2;
	v5 =	vmul.f32 v1, v54  }
0x2f9: {  	[tilespmem:s31+$0xFFFFFF80] =	vst v53  }
0x2fa: {  	v46 =	vld [tilespmem:s22+$0xFFFFFF00];
	v0 =	vmul.f32 v6, v0;
	v55 =	vmul.f32 v1, v60;
	[tilespmem:s31+$0xFFFFFF90] =	vst v5  }
0x2fb: {  	v5 =	vld [tilespmem:$0x1F990]  }
0x2fc: {  	v4 =	vmul.f32 v0, v4;
	[tilespmem:s31+$0xFFFFFFA0] =	vst v55  }
0x2fd: {  	v48 =	vmul.f32 v43, v59;
	v57 =	vld [tilespmem:$0x1F9A0]  }
0x2fe: {  	v4 =	vmul.f32 v4, v0  }
0x2ff: {  	v36 =	vadd.f32 v46, v63;
	v6 =	vmul.f32 v48, v43  }
0x300: {  	v4 =	vsub.f32 $1.500000000e+00, v4;
	v5 =	vmul.f32 v1, v5  }
0x301: {  	v63 =	vmul.f32 v37, v37;
	v35 =	vmul.f32 v36, v36;
	v6 =	vsub.f32 $1.500000000e+00, v6  }
0x302: {  	v0 =	vmul.f32 v4, v0;
	v4 =	vmul.f32 v1, v57;
	[tilespmem:s31+$0xFFFFFFB0] =	vst v5  }
0x303: {  	v3 =	vadd.f32 v63, v35;
	v6 =	vmul.f32 v6, v43;
	v7 =	vld [tilespmem:$0x1F9B0]  }
0x304: {  	[tilespmem:s31+$0xFFFFFFC0] =	vst v4  }
0x305: {  	v3 =	vadd.f32 v9, v3;
	v6 =	vmin.f32 v6, $9.999999950e+11;
	v59 =	vld [tilespmem:$0x1F9C0]  }
0x306: {  	v50 =	vmul.f32 v42, v58;
	v49 =	vadd.f32 v39, v45;
	v58 =	vmul.f32 v6, v62  }
0x307: {  	v3 =	vadd.f32 v10, v3;
	v4 =	vld [tilespmem:$0x1F9D0]  }
0x308: {  	(xrf2) =	vadd.scan.msk.f32 $0xffff, v49;
	[tilespmem:s31+$0xFFFFFF00] =	vst v58;
	v7 =	vmul.f32 v6, v7  }
0x309: {  	(xrf2) =	vadd.scan.msk.f32 $0xffff, v3;
	v5 =	vld [tilespmem:$0x1F9E0]  }
0x30a: {  	(xrf2) =	vadd.scan.msk.f32 $0xffff, v2;
	v60 =	vld [tilespmem:$0x1F9F0];
	v2 =	vmul.f32 v6, v59;
	[tilespmem:s31+$0xFFFFFF10] =	vst v7  }
0x30b: {  	v7 =	vld [tilespmem:$0x1FA00]  }
0x30c: {  	v39 =	vmul.f32 v50, v42;
	v4 =	vmul.f32 v6, v4;
	v62 =	vld [tilespmem:$0x1FA10];
	[tilespmem:s31+$0xFFFFFF20] =	vst v2  }
0x30d: {  	v2 =	vld [tilespmem:$0x1FA20]  }
0x30e: {  	v39 =	vsub.f32 $1.500000000e+00, v39;
	v5 =	vmul.f32 v6, v5;
	v63 =	vld [tilespmem:$0x1FA30];
	[tilespmem:s31+$0xFFFFFF30] =	vst v4  }
0x30f: {  	v61 =	vmul.f32 v6, v60;
	v52 =	vld [tilespmem:$0x1FA40]  }
0x310: {  	v56 =	vmul.f32 v39, v42;
	v42 =	vmin.f32 v0, $9.999999950e+11;
	v4 =	vld [tilespmem:$0x1FA50];
	[tilespmem:s31+$0xFFFFFF40] =	vst v5  }
0x311: {  	v54 =	vmul.f32 v42, v8;
	[tilespmem:s31+$0xFFFFFF50] =	vst v61  }
0x312: {  	s3 =	simm.s32 $0x10700;
	v55 =	vld [tilespmem:$0x1FA60];
	v7 =	vmul.f32 v6, v7  }
0x313: {  	v3 =	vmin.f32 v56, $9.999999950e+11;
	v56 =	vld [tilespmem:$0x1FA70];
	[tilespmem:s3+$0xF0] =	vst v54;
	v6 =	vmul.f32 v6, v62  }
0x314: {  	v5 =	vld [tilespmem:$0x1FA80];
	v2 =	vmul.f32 v1, v2;
	[tilespmem:s31+$0xFFFFFF60] =	vst v7  }
0x315: {  	v53, _, _ =	vpop (xrf2);
	v35 =	vmul.f32 v1, v63;
	v59 =	vld [tilespmem:$0x1FA90];
	[tilespmem:s31+$0xFFFFFF70] =	vst v6  }
0x316: {  	v0 =	vmul.f32 v1, v52;
	v1 =	vbroadcast v53, $0xF;
	v6 =	vld [tilespmem:$0x1FAA0];
	[tilespmem:s31+$0xFFFFFFD0] =	vst v2  }
0x317: {  	v58, _, _ =	vpop (xrf2);
	v4 =	vmul.f32 v3, v4;
	v44 =	vmul.f32 v3, v55;
	v2 =	vld [tilespmem:$0x1FAB0];
	[tilespmem:s31+$0xFFFFFFE0] =	vst v35  }
0x318: {  	v57 =	vshra.s32 v1, $0x1;
	v40 =	vmul.f32 $5.000000000e-01, v1;
	v1 =	vbroadcast v58, $0xF;
	[tilespmem:s31+$0xFFFFFFF0] =	vst v0  }
0x319: {  	v43 =	vmul.f32 v3, v56;
	v45 =	vmul.f32 v3, v5;
	v53 =	vsub.s32 $0x5F3759DF, v57;
	v0 =	vld [tilespmem:$0x1FAC0]  }
0x31a: {  	v62, _, _ =	vpop (xrf2);
	v60 =	vmul.f32 v53, v40;
	v61 =	vshra.s32 v1, $0x1;
	v41 =	vmul.f32 $5.000000000e-01, v1  }
0x31b: {  	v1 =	vbroadcast v62, $0xF;
	v50 =	vsub.s32 $0x5F3759DF, v61;
	v46 =	vmul.f32 v3, v59  }
0x31c: {  	v63 =	vmul.f32 v53, v60;
	v52 =	vmul.f32 v50, v41  }
0x31d: {  	v51 =	vshra.s32 v1, $0x1;
	v39 =	vmul.f32 $5.000000000e-01, v1;
	v48 =	vmul.f32 v3, v6  }
0x31e: {  	s15 =	simm.s32 $0x4;
	s22 =	simm.s32 $0x8900;
	[tilespmem:s31+$0x0] =	vst v4;
	v49 =	vmul.f32 v3, v2;
	v54 =	vsub.f32 $1.500000000e+00, v63;
	v47 =	vmul.f32 v3, v0  }
.LBB2_6:
0x31f: {  	v0 =	vld [tilespmem:s22+$0x80]  }
0x320: {  	v4 =	vld [tilespmem:s22+$0x90]  }
0x321: {  	v7 =	vld [tilespmem:s22+$0xA0]  }
0x322: {  	v57 =	vld [tilespmem:s22+$0xB0]  }
0x323: {  	v58 =	vld [tilespmem:s22+$0xC0]  }
0x324: {  	v60 =	vld [tilespmem:s22+$0xD0]  }
0x325: {  	v62 =	vld [tilespmem:s22+$0xE0]  }
0x326: {  	v9 =	vld [tilespmem:s22+$0xF0]  }
0x327: {  	[tilespmem:$0x1F8A0] =	vst v20;
	v20 =	vld [tilespmem:$0x1FE20]  }
0x328: {  	[tilespmem:$0x1F8F0] =	vst v32;
	v32 =	vmov v15;
	v15 =	vld [tilespmem:$0x1FE10]  }
0x329: {  	v3 =	vmul.f32 v42, v33;
	v55 =	vld [tilespmem:s22+$0xFFFFFF20]  }
0x32a: {  	[tilespmem:$0x1F8B0] =	vst v16;
	v2 =	vsub.s32 $0x5F3759DF, v51;
	v38 =	vmul.f32 v42, v23;
	v56 =	vmul.f32 v42, v29;
	v16 =	vld [tilespmem:$0x1FDD0]  }
0x32b: {  	[tilespmem:$0x1F8C0] =	vst v24;
	v24 =	vld [tilespmem:$0x1FE00];
	v1 =	vmul.f32 v50, v52;
	v6 =	vmul.f32 v2, v39  }
0x32c: {  	[tilespmem:$0x1F8E0] =	vst v25;
	v59 =	vmul.f32 v42, v22;
	v25 =	vld [tilespmem:$0x1FE30];
	v5 =	vmul.f32 v53, v54  }
0x32d: {  	v61 =	vmul.f32 v42, v21;
	v35 =	vld [tilespmem:s22+$0xFFFFFF80];
	v1 =	vsub.f32 $1.500000000e+00, v1;
	v6 =	vmul.f32 v2, v6  }
0x32e: {  	[tilespmem:$0x1F900] =	vst v31;
	v63 =	vmul.f32 v42, v17;
	v18 =	vld [tilespmem:$0x1FDE0];
	v23 =	vmul.f32 v5, v40  }
0x32f: {  	v31 =	vmovc v30;
	v30 =	vmovc v19;
	v19 =	vld [tilespmem:$0x1FDF0];
	v40 =	vmul.f32 v50, v1;
	v6 =	vsub.f32 $1.500000000e+00, v6;
	v33 =	vadd.f32 v0, v20  }
0x330: {  	[tilespmem:$0x1F8D0] =	vst v26;
	v26 =	vld [tilespmem:$0x1FE40];
	v22 =	vmul.f32 v23, v5;
	v23 =	vadd.f32 v4, v15;
	v29 =	vadd.f32 v7, v16  }
0x331: {  	v11 =	vmul.f32 v42, v14;
	v51 =	vld [tilespmem:s22+$0xFFFFFFD0];
	[tilespmem:s31+$0x20] =	vst v43;
	v17 =	vadd.f32 v60, v24;
	v14 =	vadd.f32 v62, v25  }
0x332: {  	[tilespmem:s31+$0x30] =	vst v45;
	v54 =	vld [tilespmem:s22+$0xFFFFFF10];
	v43 =	vadd.f32 v55, v16;
	v62 =	vadd.f32 v35, v20;
	v21 =	vmul.f32 v40, v41  }
0x333: {  	[tilespmem:s31+$0x50] =	vst v48;
	v48 =	vld [tilespmem:s22+$0xFFFFFF50];
	v10 =	vsub.f32 $1.500000000e+00, v22;
	v41 =	vmul.f32 v2, v6;
	v7 =	vmul.f32 v33, v33  }
0x334: {  	[tilespmem:s3+$0xA0] =	vst v56;
	v22 =	vadd.f32 v57, v18;
	v6 =	vld [tilespmem:s22+$0xFFFFFF30];
	v56 =	vmul.f32 v23, v23;
	v57 =	vmul.f32 v29, v29  }
0x335: {  	[tilespmem:s3+$0x80] =	vst v3;
	v3 =	vld [tilespmem:s22+$0xFFFFFF60];
	v45 =	vmul.f32 v21, v40;
	v4 =	vmul.f32 v41, v39;
	v21 =	vadd.f32 v58, v19  }
0x336: {  	[tilespmem:s3+$0x90] =	vst v38;
	v1 =	vld [tilespmem:s22+$0xFFFFFF40];
	v5 =	vmul.f32 v10, v5;
	v39 =	vadd.f32 v9, v26;
	v58 =	vmul.f32 v22, v22  }
0x337: {  	[tilespmem:s3+$0xB0] =	vst v59;
	v38 =	vld [tilespmem:s22+$0xFFFFFF70];
	v42 =	vadd.f32 v54, v15;
	v9 =	vmul.f32 v17, v17;
	v10 =	vmul.f32 v14, v14  }
0x338: {  	[tilespmem:s3+$0xE0] =	vst v11;
	v7 =	vadd.f32 v56, v7;
	v56 =	vld [tilespmem:s22+$0xFFFFFFF0];
	v59 =	vmul.f32 v21, v21;
	v11 =	vmul.f32 v39, v39  }
0x339: {  	[tilespmem:s31+$0x40] =	vst v46;
	v57 =	vadd.f32 v58, v57;
	v58 =	vld [tilespmem:s22+$0xFFFFFF90];
	v46 =	vadd.f32 v6, v18  }
0x33a: {  	[tilespmem:s31+$0x60] =	vst v49;
	v53 =	vmul.f32 v43, v43;
	v49 =	vadd.f32 v9, v59;
	v2 =	vadd.f32 v11, v10;
	v59 =	vld [tilespmem:s22+$0xFFFFFFA0]  }
0x33b: {  	[tilespmem:s31+$0x70] =	vst v47;
	v50 =	vadd.f32 v3, v25;
	v35 =	vmul.f32 v62, v62;
	v47 =	vadd.f32 v1, v19;
	v9 =	vld [tilespmem:s22+$0xFFFFFFB0]  }
0x33c: {  	v7 =	vadd.f32 v57, v7;
	v11 =	vld [tilespmem:s22+$0xFFFFFFC0];
	v10 =	vmul.f32 v46, v46;
	v2 =	vadd.f32 v2, v49  }
0x33d: {  	[tilespmem:s31+$0x10] =	vst v44;
	v52 =	vld [tilespmem:s22+$0xFFFFFFE0];
	v54 =	vmul.f32 v50, v50;
	v49 =	vadd.f32 v48, v24;
	v48 =	vadd.f32 v38, v26  }
0x33e: {  	[tilespmem:s3+$0xD0] =	vst v63;
	v44 =	vmin.f32 v5, $9.999999950e+11;
	v63 =	vadd.f32 v58, v15;
	v3 =	vadd.f32 v10, v53  }
0x33f: {  	v0 =	vmul.f32 v47, v47;
	v53 =	vadd.f32 v56, v26;
	v2 =	vadd.f32 v2, v7  }
0x340: {  	v58 =	vld [tilespmem:s22+$0x0];
	v38 =	vmul.f32 v49, v49;
	v7 =	vadd.f32 v51, v24;
	v1 =	vadd.f32 v59, v16  }
0x341: {  	v55 =	vmul.f32 v48, v48;
	v5 =	vadd.f32 v11, v19;
	(xrf2) =	vadd.scan.msk.f32 $0xffff, v2;
	v2 =	vadd.f32 v9, v18;
	v9 =	vld [tilespmem:s22+$0x20]  }
0x342: {  	v8 =	vld [tilespmem:s22+$0x10];
	v57 =	vmul.f32 v63, v63;
	v59 =	vadd.f32 v52, v25;
	v0 =	vadd.f32 v38, v0  }
0x343: {  	v54 =	vadd.f32 v55, v54;
	v55 =	vld [tilespmem:s22+$0x30];
	v56 =	vmul.f32 v7, v7;
	v38 =	vmul.f32 v2, v2  }
0x344: {  	v11 =	vld [tilespmem:s22+$0x50];
	v60 =	vmul.f32 v1, v1;
	v52 =	vmul.f32 v5, v5;
	v6 =	vadd.f32 v57, v35  }
0x345: {  	v57 =	vld [tilespmem:s22+$0x40];
	v10 =	vmul.f32 v59, v59;
	v35 =	vmovc v27;
	v58 =	vadd.f32 v58, v20;
	v0 =	vadd.f32 v54, v0  }
0x346: {  	v27 =	vmovc v12;
	v12 =	vmul.f32 v53, v53;
	v51 =	vadd.f32 v38, v60;
	v60 =	vadd.f32 v9, v16;
	v16 =	vld [tilespmem:s22+$0xFFFFFF00]  }
0x347: {  	v38 =	vmovc v28;
	v28 =	vmov v13;
	v13 =	vadd.f32 v56, v52;
	v56 =	vadd.f32 v8, v15;
	v8 =	vld [tilespmem:s22+$0x60]  }
0x348: {  	[tilespmem:s3+$0xC0] =	vst v61;
	v61 =	vmul.f32 v42, v42;
	v10 =	vadd.f32 v12, v10;
	v9 =	vld [tilespmem:s22+$0x70];
	v54 =	vadd.f32 v55, v18  }
0x349: {  	v55 =	vadd.f32 v11, v24;
	v15 =	vmul.f32 v58, v58;
	v6 =	vadd.f32 v51, v6  }
0x34a: {  	v57 =	vadd.f32 v57, v19;
	v18 =	vmul.f32 v60, v60;
	v11 =	vmul.f32 v54, v54  }
0x34b: {  	v12 =	vmul.f32 v56, v56;
	v10 =	vadd.f32 v10, v13;
	v51, _, _ =	vpop (xrf2);
	v16 =	vadd.f32 v16, v20  }
0x34c: {  	v11 =	vadd.f32 v11, v18;
	v19 =	vbroadcast v51, $0xF;
	v52 =	vadd.f32 v8, v25  }
0x34d: {  	v12 =	vadd.f32 v12, v15;
	v51 =	vadd.f32 v9, v26;
	v24 =	vmul.f32 v16, v16  }
0x34e: {  	v9 =	vshra.s32 v19, $0x1;
	v15 =	vmul.f32 $5.000000000e-01, v19;
	v20 =	vmul.f32 v52, v52  }
0x34f: {  	v8 =	vmul.f32 v57, v57;
	v19 =	vmul.f32 v55, v55;
	v9 =	vsub.s32 $0x5F3759DF, v9  }
0x350: {  	v25 =	vmul.f32 v51, v51;
	v13 =	vadd.f32 v61, v24;
	v18 =	vmul.f32 v9, v15  }
0x351: {  	v11 =	vadd.f32 v11, v12;
	v8 =	vadd.f32 v19, v8;
	v19 =	vld [tilespmem:$0x1F930]  }
0x352: {  	v3 =	vadd.f32 v3, v13;
	v13 =	vld [tilespmem:$0x1F950];
	v12 =	vmul.f32 v9, v18;
	v18 =	vadd.f32 v25, v20;
	v20 =	vmovc v62  }
0x353: {  	v4 =	vmul.f32 v4, v41;
	v6 =	vadd.f32 v10, v6  }
0x354: {  	v62 =	vsub.f32 $1.500000000e+00, v45  }
0x355: {  	v4 =	vsub.f32 $1.500000000e+00, v4;
	(xrf2) =	vadd.scan.msk.f32 $0xffff, v6;
	[tilespmem:$0x1F930] =	vst v20;
	v8 =	vadd.f32 v18, v8;
	v20 =	vmovc v63  }
0x356: {  	v61 =	vsub.f32 $1.500000000e+00, v12;
	v12 =	vld [tilespmem:$0x1F940];
	v6 =	vmul.f32 v62, v40;
	v19 =	vmul.f32 v44, v19;
	v63 =	vmovc v1;
	[tilespmem:$0x1F940] =	vst v20  }
0x357: {  	v10 =	vmul.f32 v4, v41;
	v13 =	vmul.f32 v44, v13;
	[tilespmem:$0x1F950] =	vst v63  }
0x358: {  	v9 =	vmul.f32 v9, v61;
	v1 =	vadd.f32 v8, v11;
	v11 =	vld [tilespmem:$0x1F960];
	v62 =	vmovc v2;
	v41 =	vmin.f32 v6, $9.999999950e+11;
	[tilespmem:s3+$0xFFFFFF80] =	vst v19  }
0x359: {  	[tilespmem:$0x1F960] =	vst v62;
	v6 =	vmul.f32 v41, v36  }
0x35a: {  	v0 =	vadd.f32 v0, v3;
	v63 =	vld [tilespmem:$0x1F970];
	v36 =	vmul.f32 v41, v28;
	v61 =	vmul.f32 v9, v15;
	[tilespmem:s3+$0xFFFFFFA0] =	vst v13  }
0x35b: {  	v12 =	vmul.f32 v44, v12;
	[tilespmem:s3+$0xFFFFFF00] =	vst v6  }
0x35c: {  	(xrf2) =	vadd.scan.msk.f32 $0xffff, v0;
	v15 =	vmovc v7;
	v7 =	vmul.f32 v41, v30;
	[tilespmem:s3+$0xFFFFFF40] =	vst v36;
	v40 =	vmul.f32 v61, v9  }
0x35d: {  	v30 =	vmovc v58;
	v58 =	vld [tilespmem:$0x1F8E0];
	v61 =	vmul.f32 v41, v37;
	[tilespmem:s3+$0xFFFFFF90] =	vst v12;
	v45 =	vmul.f32 v44, v11;
	v11 =	vmov v5  }
0x35e: {  	(xrf2) =	vadd.scan.msk.f32 $0xffff, v1;
	v5 =	vmul.f32 v44, v32;
	v32 =	vld [tilespmem:$0x1F910];
	[tilespmem:$0x1F970] =	vst v11  }
0x35f: {  	v0 =	vmul.f32 v44, v63;
	[tilespmem:s3+$0xFFFFFF10] =	vst v61;
	v61 =	vld [tilespmem:$0x1F8A0]  }
0x360: {  	v4 =	vmul.f32 v44, v34;
	v36 =	vmovc v16;
	v16 =	vmov v56;
	v56 =	vld [tilespmem:$0x1F8D0];
	v62 =	vsub.f32 $1.500000000e+00, v40;
	[tilespmem:s3+$0xFFFFFFB0] =	vst v45  }
0x361: {  	v13 =	vmovc v47;
	v47 =	vmovc v49;
	v63 =	vmul.f32 v41, v27;
	[tilespmem:s3+$0xFFFFFFC0] =	vst v0;
	v0 =	vmin.f32 v10, $9.999999950e+11;
	v12 =	vmov v43;
	v43 =	vld [tilespmem:$0x1F920]  }
0x362: {  	v20 =	vmovc v48;
	[tilespmem:$0x1F920] =	vst v47;
	v48 =	vmul.f32 v0, v58;
	v45 =	vmov v46;
	v46 =	vmul.f32 v62, v9  }
0x363: {  	v2 =	vld [tilespmem:$0x1F8B0];
	[tilespmem:s3+$0xFFFFFF20] =	vst v63;
	v9 =	vmul.f32 v0, v31;
	v3 =	vmul.f32 v41, v32  }
0x364: {  	s31 =	smov.u32 s3;
	[tilespmem:$0x1F910] =	vst v45;
	v62, _, _ =	vpop (xrf2);
	v45 =	vmul.f32 v0, v38;
	v1 =	vmul.f32 v41, v61  }
0x365: {  	v37 =	vmovc v42;
	[tilespmem:s31+$0xFFFFFFD0] =	vst v5;
	v32 =	vld [tilespmem:$0x1F8C0];
	v42 =	vmin.f32 v46, $9.999999950e+11;
	v63 =	vbroadcast v62, $0xF;
	v46 =	vmul.f32 v0, v56  }
0x366: {  	v24 =	vmovc v60;
	v27 =	vmov v53;
	v61 =	vld [tilespmem:$0x1F8F0];
	v8 =	vmul.f32 v41, v43;
	[tilespmem:s3+$0xFFFFFF30] =	vst v3;
	v3 =	vmul.f32 v44, v35  }
0x367: {  	s15 =	sadd.s32 $0x4, s15;
	[tilespmem:s31+$0xFFFFFFE0] =	vst v4;
	v10 =	vmul.f32 v42, v39;
	v39, _, _ =	vpop (xrf2);
	v35 =	vshra.s32 v63, $0x1;
	v40 =	vmul.f32 $5.000000000e-01, v63  }
0x368: {  	p0 =	slt.u32 s15, $0x7C;
	[tilespmem:s31+$0x0] =	vst v9;
	v44 =	vmul.f32 v0, v2;
	v41 =	vbroadcast v39, $0xF;
	v60, _, _ =	vpop (xrf2);
	v63 =	vld [tilespmem:$0x1F900];
	v53 =	vsub.s32 $0x5F3759DF, v35  }
.Ltmp2:
0x369: {  	v26 =	vmov v57;
	[tilespmem:s31+$0xFFFFFF60] =	vst v7;
	v2 =	vbroadcast v60, $0xF;
	v57 =	vmul.f32 v53, v40;
	(pc) =	sbr.rel @p0 .LBB2_6-.Ltmp2, $4  }
0x36a: {  	v34 =	vmovc v59;
	[tilespmem:s31+$0xFFFFFF70] =	vst v1;
	v43 =	vmul.f32 v0, v32;
	v59 =	vshra.s32 v41, $0x1;
	v41 =	vmul.f32 $5.000000000e-01, v41  }
0x36b: {  	v25 =	vmovc v55;
	v28 =	vmov v54;
	s3 =	sadd.s32 $0x200, s3;
	[tilespmem:s31+$0xFFFFFF50] =	vst v8;
	v49 =	vmul.f32 v0, v61;
	v62 =	vmul.f32 v53, v57  }
0x36c: {  	v19 =	vmovc v50;
	v31 =	vmovc v51;
	[tilespmem:s3+$0xF0] =	vst v10;
	v50 =	vsub.s32 $0x5F3759DF, v59;
	v51 =	vshra.s32 v2, $0x1;
	v39 =	vmul.f32 $5.000000000e-01, v2  }
0x36d: {  	s22 =	sadd.s32 $0x200, s22;
	[tilespmem:s31+$0xFFFFFFF0] =	vst v3;
	v32 =	vmovc v52;
	v52 =	vmul.f32 v50, v41;
	v47 =	vmul.f32 v0, v63;
	v54 =	vsub.f32 $1.500000000e+00, v62  }
0x36e: {  	[tilespmem:s31+$0x10] =	vst v44  }
0x36f: {  	[tilespmem:s31+$0x20] =	vst v43  }
0x370: {  	[tilespmem:s31+$0x30] =	vst v45  }
0x371: {  	[tilespmem:s31+$0x40] =	vst v46  }
0x372: {  	[tilespmem:s31+$0x50] =	vst v48  }
0x373: {  	v3 =	vmul.f32 v42, v33;
	[tilespmem:s31+$0x60] =	vst v49  }
0x374: {  	v4 =	vmul.f32 v42, v23;
	[tilespmem:s31+$0x70] =	vst v47  }
0x375: {  	v5 =	vmul.f32 v42, v29;
	v0 =	vmul.f32 v53, v54;
	[tilespmem:s3+$0x80] =	vst v3  }
0x376: {  	v58 =	vmul.f32 v42, v22;
	[tilespmem:s3+$0x90] =	vst v4  }
0x377: {  	v59 =	vmul.f32 v42, v21;
	[tilespmem:s3+$0xA0] =	vst v5;
	v2 =	vmul.f32 v0, v40  }
0x378: {  	v61 =	vmul.f32 v42, v17;
	[tilespmem:s3+$0xB0] =	vst v58  }
0x379: {  	[tilespmem:s3+$0xC0] =	vst v59;
	v2 =	vmul.f32 v2, v0  }
0x37a: {  	[tilespmem:s3+$0xD0] =	vst v61  }
0x37b: {  	v4 =	vld [tilespmem:$0x1F930];
	v2 =	vsub.f32 $1.500000000e+00, v2  }
0x37c: {  	v1 =	vmul.f32 v50, v52  }
0x37d: {  	v0 =	vmul.f32 v2, v0  }
0x37e: {  	v7 =	vmul.f32 v42, v14;
	v1 =	vsub.f32 $1.500000000e+00, v1  }
0x37f: {  	v0 =	vmin.f32 v0, $9.999999950e+11  }
0x380: {  	[tilespmem:s3+$0xE0] =	vst v7;
	v1 =	vmul.f32 v50, v1;
	v4 =	vmul.f32 v0, v4  }
0x381: {  	v9 =	vld [tilespmem:$0x1F940]  }
0x382: {  	v6 =	vmul.f32 v1, v41;
	[tilespmem:s3+$0xFFFFFF80] =	vst v4  }
0x383: {  	v4 =	vld [tilespmem:$0x1F950]  }
0x384: {  	v6 =	vmul.f32 v6, v1;
	_ =	sdelay $0x1  }
0x385: {  	v63 =	vsub.f32 $1.500000000e+00, v6;
	v6 =	vmul.f32 v0, v9;
	_ =	sdelay $0x1  }
0x386: {  	[tilespmem:s3+$0xFFFFFF90] =	vst v6;
	v4 =	vmul.f32 v0, v4  }
0x387: {  	v10 =	vld [tilespmem:$0x1F960]  }
0x388: {  	v60 =	vsub.s32 $0x5F3759DF, v51;
	[tilespmem:s3+$0xFFFFFFA0] =	vst v4  }
0x389: {  	v62 =	vmul.f32 v60, v39;
	v4 =	vld [tilespmem:$0x1F970]  }
0x38a: {  	v1 =	vmul.f32 v63, v1  }
0x38b: {  	v3 =	vmul.f32 v60, v62  }
0x38c: {  	v1 =	vmin.f32 v1, $9.999999950e+11;
	v5 =	vmul.f32 v0, v10  }
0x38d: {  	v3 =	vsub.f32 $1.500000000e+00, v3;
	v11 =	vmul.f32 v1, v36  }
0x38e: {  	[tilespmem:s3+$0xFFFFFFB0] =	vst v5;
	v4 =	vmul.f32 v0, v4  }
0x38f: {  	v2 =	vmul.f32 v60, v3;
	v33 =	vmul.f32 v1, v37;
	[tilespmem:s3+$0xFFFFFF00] =	vst v11  }
0x390: {  	v36 =	vmul.f32 v1, v12;
	[tilespmem:s3+$0xFFFFFFC0] =	vst v4  }
0x391: {  	v35 =	vmul.f32 v2, v39;
	v3 =	vld [tilespmem:$0x1F910];
	[tilespmem:s3+$0xFFFFFF10] =	vst v33  }
0x392: {  	v37 =	vmul.f32 v1, v13;
	[tilespmem:s3+$0xFFFFFF20] =	vst v36  }
0x393: {  	v39 =	vmul.f32 v1, v19;
	v4 =	vmul.f32 v35, v2;
	v6 =	vld [tilespmem:$0x1F920]  }
0x394: {  	v40 =	vmul.f32 v0, v15;
	[tilespmem:s3+$0xFFFFFF40] =	vst v37  }
0x395: {  	v41 =	vmul.f32 v0, v34;
	v38 =	vsub.f32 $1.500000000e+00, v4;
	[tilespmem:s3+$0xFFFFFF60] =	vst v39  }
0x396: {  	v0 =	vmul.f32 v0, v27;
	[tilespmem:s3+$0xFFFFFFD0] =	vst v40  }
0x397: {  	[tilespmem:s3+$0xFFFFFFE0] =	vst v41;
	v2 =	vmul.f32 v38, v2;
	v3 =	vmul.f32 v1, v3  }
0x398: {  	[tilespmem:s3+$0xFFFFFFF0] =	vst v0;
	v6 =	vmul.f32 v1, v6  }
0x399: {  	v42 =	vmin.f32 v2, $9.999999950e+11;
	v1 =	vmul.f32 v1, v20;
	[tilespmem:s3+$0xFFFFFF30] =	vst v3  }
0x39a: {  	v2 =	vmul.f32 v42, v30;
	[tilespmem:s3+$0xFFFFFF50] =	vst v6  }
0x39b: {  	v43 =	vmul.f32 v42, v16;
	[tilespmem:s3+$0xFFFFFF70] =	vst v1  }
0x39c: {  	v44 =	vmul.f32 v42, v24;
	[tilespmem:s3+$0x0] =	vst v2  }
0x39d: {  	v45 =	vmul.f32 v42, v28;
	[tilespmem:s3+$0x10] =	vst v43  }
0x39e: {  	v46 =	vmul.f32 v42, v26;
	[tilespmem:s3+$0x20] =	vst v44  }
0x39f: {  	v47 =	vmul.f32 v42, v25;
	[tilespmem:s3+$0x30] =	vst v45  }
0x3a0: {  	v48 =	vmul.f32 v42, v32;
	[tilespmem:s3+$0x40] =	vst v46  }
0x3a1: {  	v1 =	vmul.f32 v42, v31;
	[tilespmem:s3+$0x50] =	vst v47  }
0x3a2: {  	[tilespmem:s3+$0x60] =	vst v48  }
0x3a3: {  	[tilespmem:s3+$0x70] =	vst v1  }
0x3a4: {  	[hbm4b:s10+s5] =	stream.linear.scatter [tilespmem:s30], [sflag:$0x5], $0x4000, $0x38;
	[tilespmem:$0x18500] =	vst v63  }
0x3a5: {  	_ =	swait.ge [sflag:s4], $0x4000  }
0x3a6: {  	[sflag:s4] =	ssyncset.done $0x0  }
0x3a7: {  	[sflag:s4] =	ssyncadd.s32 $0xFFFFC000  }
0x3a8: {  	_ =	swait.ge [sflag:s24], $0x2000  }
0x3a9: {  	[sflag:s24] =	ssyncset.done $0x0  }
0x3aa: {  	s22 =	simm.s32 $0x3C0;
	[sflag:s24] =	ssyncadd.s32 $0xFFFFE000  }
0x3ab: {  	[tilespmem:s19], [sflag:$0x1] =	stream.indirect.gather.add.f32 [hbm:s1], $0x80, s22, s18, $0xb8;
	[tilespmem:$0x18500] =	vst v63  }
0x3ac: {  	_ =	swait.ge [sflag:s25], $0x4000  }
0x3ad: {  	v63 =	vld [tilespmem:$0x1FE20]  }
0x3ae: {  	v56 =	vld [tilespmem:$0x1FE10]  }
0x3af: {  	v39 =	vld [tilespmem:$0x1FDD0]  }
0x3b0: {  	v41 =	vld [tilespmem:$0x1FDE0]  }
0x3b1: {  	v40 =	vld [tilespmem:$0x1FDF0]  }
0x3b2: {  	v36 =	vld [tilespmem:$0x1FE00]  }
0x3b3: {  	[sflag:s25] =	ssyncset.done $0x0;
	v54 =	vld [tilespmem:$0x1FE30]  }
0x3b4: {  	s15 =	simm.s32 $0xC500;
	v55 =	vld [tilespmem:$0x1FE40];
	[sflag:s25] =	ssyncadd.s32 $0xFFFFC000  }
0x3b5: {  	v49 =	vld [tilespmem:s15+$0x80]  }
0x3b6: {  	v50 =	vld [tilespmem:s15+$0x90]  }
0x3b7: {  	v51 =	vld [tilespmem:s15+$0xA0]  }
0x3b8: {  	v52 =	vld [tilespmem:s15+$0xB0]  }
0x3b9: {  	v6 =	vld [tilespmem:s15+$0xE0]  }
0x3ba: {  	v7 =	vld [tilespmem:s15+$0xF0]  }
0x3bb: {  	v8 =	vld [tilespmem:s15+$0xFFFFFF10]  }
0x3bc: {  	v60 =	vld [tilespmem:s15+$0xFFFFFF20]  }
0x3bd: {  	v53 =	vld [tilespmem:s15+$0xC0]  }
0x3be: {  	v5 =	vld [tilespmem:s15+$0xD0]  }
0x3bf: {  	v62 =	vld [tilespmem:s15+$0xFFFFFF40];
	v31 =	vadd.f32 v49, v63  }
0x3c0: {  	v61 =	vld [tilespmem:s15+$0xFFFFFF30];
	v30 =	vadd.f32 v6, v54;
	v15 =	vadd.f32 v8, v56  }
0x3c1: {  	v34 =	vld [tilespmem:s15+$0xFFFFFF50];
	v28 =	vadd.f32 v7, v55;
	v14 =	vadd.f32 v60, v39  }
0x3c2: {  	v9 =	vld [tilespmem:s15+$0xFFFFFF60];
	v35 =	vadd.f32 v50, v56;
	v46 =	vadd.f32 v51, v39;
	[tilespmem:$0x1F780] =	vst v15  }
0x3c3: {  	v50 =	vadd.f32 v52, v41;
	v43 =	vmul.f32 v30, v30;
	v12 =	vmul.f32 v28, v28;
	v11 =	vld [tilespmem:s15+$0xFFFFFF70];
	[tilespmem:$0x1F790] =	vst v14  }
0x3c4: {  	v51 =	vadd.f32 v53, v40;
	v52 =	vadd.f32 v62, v40;
	v13 =	vld [tilespmem:s15+$0xFFFFFF80]  }
0x3c5: {  	v32 =	vmul.f32 v31, v31;
	v47 =	vld [tilespmem:s15+$0xFFFFFF90];
	v0 =	vadd.f32 v12, v43;
	v12 =	vadd.f32 v61, v41  }
0x3c6: {  	v45 =	vadd.f32 v5, v36;
	v33 =	vmul.f32 v35, v35;
	v37 =	vmul.f32 v46, v46;
	v49 =	vld [tilespmem:s15+$0xFFFFFFA0];
	[tilespmem:$0x1F7B0] =	vst v52  }
0x3c7: {  	v16 =	vadd.f32 v34, v36;
	v38 =	vmul.f32 v50, v50;
	v42 =	vmul.f32 v51, v51;
	[tilespmem:$0x1F7A0] =	vst v12  }
0x3c8: {  	v10 =	vmul.f32 v45, v45;
	v57 =	vmul.f32 v14, v14;
	v14 =	vadd.f32 v9, v54;
	v53 =	vld [tilespmem:s15+$0xFFFFFFB0]  }
0x3c9: {  	v3 =	vadd.f32 v33, v32;
	v44 =	vadd.f32 v38, v37;
	v58 =	vld [tilespmem:s15+$0xFFFFFFC0]  }
0x3ca: {  	v48 =	vadd.f32 v10, v42;
	v59 =	vmul.f32 v12, v12;
	[tilespmem:$0x1F7C0] =	vst v16;
	v12 =	vadd.f32 v11, v55  }
0x3cb: {  	[tilespmem:$0x1F7D0] =	vst v14;
	v61 =	vadd.f32 v13, v63;
	v13 =	vadd.f32 v47, v56  }
0x3cc: {  	v3 =	vadd.f32 v44, v3;
	v32 =	vld [tilespmem:s15+$0xFFFFFFD0];
	[tilespmem:$0x1F7E0] =	vst v12  }
0x3cd: {  	v0 =	vadd.f32 v0, v48;
	v34 =	vld [tilespmem:s15+$0xFFFFFFE0];
	[tilespmem:$0x1F750] =	vst v13;
	v17 =	vadd.f32 v53, v41  }
0x3ce: {  	v38 =	vld [tilespmem:s15+$0xFFFFFFF0];
	v18 =	vadd.f32 v58, v40  }
0x3cf: {  	v33 =	vmul.f32 v52, v52;
	v37 =	vmul.f32 v16, v16;
	v0 =	vadd.f32 v0, v3;
	v43 =	vld [tilespmem:s15+$0x0];
	[tilespmem:$0x1F760] =	vst v17  }
0x3d0: {  	v42 =	vmul.f32 v14, v14;
	v2 =	vadd.f32 v59, v57;
	v60 =	vadd.f32 v49, v39;
	v14 =	vld [tilespmem:s15+$0x10];
	[tilespmem:$0x1F770] =	vst v18  }
0x3d1: {  	v12 =	vmul.f32 v12, v12;
	v44 =	vmul.f32 v61, v61;
	v16 =	vadd.f32 v32, v36;
	v48 =	vld [tilespmem:s15+$0x20]  }
0x3d2: {  	(xrf2) =	vadd.scan.msk.f32 $0xffff, v0;
	v13 =	vmul.f32 v13, v13;
	v49 =	vmul.f32 v17, v17;
	v17 =	vadd.f32 v34, v54  }
0x3d3: {  	v47 =	vmul.f32 v60, v60;
	v53 =	vmul.f32 v18, v18;
	[tilespmem:$0x1F7F0] =	vst v16;
	v18 =	vadd.f32 v38, v55  }
0x3d4: {  	v1 =	vadd.f32 v13, v44;
	v52 =	vld [tilespmem:s15+$0x30];
	[tilespmem:$0x1F800] =	vst v17;
	v13 =	vmul.f32 v17, v17;
	v17 =	vadd.f32 v43, v63  }
0x3d5: {  	v11 =	vadd.f32 v12, v42;
	v57 =	vmul.f32 v16, v16;
	v12 =	vld [tilespmem:s15+$0x40];
	[tilespmem:$0x1F810] =	vst v18;
	v16 =	vadd.f32 v14, v56  }
0x3d6: {  	v62 =	vmul.f32 v18, v18;
	v58 =	vld [tilespmem:s15+$0xFFFFFF00];
	[tilespmem:$0x1F820] =	vst v17;
	v14 =	vmul.f32 v15, v15;
	v15 =	vadd.f32 v48, v39  }
0x3d7: {  	v4 =	vadd.f32 v49, v47;
	v59 =	vld [tilespmem:s15+$0x50];
	[tilespmem:$0x1F830] =	vst v16  }
0x3d8: {  	v0 =	vadd.f32 v57, v53;
	v8 =	vadd.f32 v62, v13;
	v32 =	vld [tilespmem:s15+$0x60];
	[tilespmem:$0x1F840] =	vst v15  }
0x3d9: {  	v9 =	vadd.f32 v37, v33;
	v1 =	vadd.f32 v4, v1;
	v33 =	vld [tilespmem:s15+$0x70]  }
0x3da: {  	v34 =	vmul.f32 v17, v17;
	v13 =	vadd.f32 v52, v41;
	v0 =	vadd.f32 v8, v0  }
0x3db: {  	v37 =	vmul.f32 v16, v16;
	v12 =	vadd.f32 v12, v40;
	v62 =	vadd.f32 v58, v63  }
0x3dc: {  	v38 =	vmul.f32 v15, v15;
	[tilespmem:$0x1F850] =	vst v13;
	v42 =	vmul.f32 v13, v13;
	v15 =	vadd.f32 v59, v36  }
0x3dd: {  	v0 =	vadd.f32 v0, v1;
	[tilespmem:$0x1F860] =	vst v12;
	v43 =	vmul.f32 v62, v62;
	v13 =	vadd.f32 v32, v54  }
0x3de: {  	v9 =	vadd.f32 v11, v9;
	v44 =	vmul.f32 v12, v12;
	[tilespmem:$0x1F870] =	vst v15;
	v12 =	vadd.f32 v33, v55  }
0x3df: {  	v48, _, _ =	vpop (xrf2);
	v49 =	vadd.f32 v37, v34;
	(xrf2) =	vadd.scan.msk.f32 $0xffff, v0;
	v7 =	vadd.f32 v14, v43;
	[tilespmem:$0x1F880] =	vst v13  }
0x3e0: {  	s22 =	simm.s32 $0xC700;
	v1 =	vbroadcast v48, $0xF;
	v4 =	vadd.f32 v42, v38;
	v47 =	vmul.f32 v15, v15;
	[tilespmem:$0x1F890] =	vst v12  }
0x3e1: {  	v52 =	vmul.f32 v13, v13;
	v53 =	vmul.f32 v12, v12;
	v2 =	vadd.f32 v2, v7;
	v43 =	vld [tilespmem:s22+$0xA0]  }
0x3e2: {  	v59 =	vshra.s32 v1, $0x1;
	v1 =	vmul.f32 $5.000000000e-01, v1;
	v57 =	vadd.f32 v47, v44;
	v47 =	vld [tilespmem:s22+$0xB0]  }
0x3e3: {  	v5 =	vsub.s32 $0x5F3759DF, v59;
	v48 =	vld [tilespmem:s22+$0xC0];
	v58 =	vadd.f32 v53, v52;
	v2 =	vadd.f32 v9, v2  }
0x3e4: {  	v10 =	vmul.f32 v5, v1;
	v37 =	vld [tilespmem:s22+$0xE0]  }
0x3e5: {  	v4 =	vadd.f32 v4, v49;
	v12 =	vld [tilespmem:s22+$0xF0];
	v0 =	vadd.f32 v58, v57;
	(xrf2) =	vadd.scan.msk.f32 $0xffff, v2  }
0x3e6: {  	v11 =	vmul.f32 v5, v10;
	v3 =	vld [tilespmem:s22+$0xFFFFFF30]  }
0x3e7: {  	v0 =	vadd.f32 v0, v4  }
0x3e8: {  	v32 =	vsub.f32 $1.500000000e+00, v11;
	v29 =	vadd.f32 v43, v39  }
0x3e9: {  	v53 =	vld [tilespmem:s22+$0xD0];
	v33, _, _ =	vpop (xrf2);
	v22 =	vadd.f32 v47, v41;
	v21 =	vadd.f32 v48, v40;
	(xrf2) =	vadd.scan.msk.f32 $0xffff, v0  }
0x3ea: {  	v34 =	vld [tilespmem:s22+$0x80];
	v14 =	vadd.f32 v37, v54;
	v8 =	vadd.f32 v12, v55;
	v2 =	vbroadcast v33, $0xF  }
0x3eb: {  	v19 =	vld [tilespmem:s22+$0xFFFFFF60];
	v3 =	vadd.f32 v3, v41;
	v0 =	vmul.f32 v5, v32;
	v47 =	vmul.f32 v29, v29  }
0x3ec: {  	v12 =	vmul.f32 v22, v22;
	v38 =	vshra.s32 v2, $0x1;
	v57 =	vmul.f32 $5.000000000e-01, v2;
	v2 =	vld [tilespmem:s22+$0x90]  }
0x3ed: {  	v27 =	vmul.f32 v14, v14;
	v1 =	vmul.f32 v0, v1;
	v4 =	vsub.s32 $0x5F3759DF, v38  }
0x3ee: {  	v17 =	vadd.f32 v53, v36;
	v53 =	vmul.f32 v8, v8;
	v44 =	vmul.f32 v4, v57  }
0x3ef: {  	v33 =	vadd.f32 v34, v63;
	v34 =	vmul.f32 v3, v3;
	v1 =	vmul.f32 v1, v0;
	v42, _, _ =	vpop (xrf2)  }
0x3f0: {  	v19 =	vadd.f32 v19, v54;
	v7 =	vmul.f32 v4, v44;
	v5 =	vbroadcast v42, $0xF;
	v42 =	vld [tilespmem:s22+$0xFFFFFF20]  }
0x3f1: {  	v43 =	vmul.f32 v33, v33;
	v1 =	vsub.f32 $1.500000000e+00, v1;
	v23 =	vadd.f32 v2, v56  }
0x3f2: {  	v10 =	vld [tilespmem:s22+$0xFFFFFF50];
	v20 =	vmul.f32 v17, v17;
	v11 =	vadd.f32 v12, v47;
	v7 =	vsub.f32 $1.500000000e+00, v7  }
0x3f3: {  	v32 =	vld [tilespmem:s22+$0xFFFFFFA0];
	v26 =	vmul.f32 v1, v0;
	v44 =	vmul.f32 v23, v23;
	v49 =	vshra.s32 v5, $0x1;
	v52, _, _ =	vpop (xrf2)  }
0x3f4: {  	v2 =	vld [tilespmem:s22+$0xFFFFFF70];
	v59 =	vmul.f32 $5.000000000e-01, v5;
	v16 =	vsub.s32 $0x5F3759DF, v49;
	v5 =	vbroadcast v52, $0xF  }
0x3f5: {  	v6 =	vadd.f32 v44, v43;
	v49 =	vld [tilespmem:s22+$0xFFFFFF80];
	v44 =	vmul.f32 v4, v7;
	v52 =	vadd.f32 v42, v39  }
0x3f6: {  	v38 =	vmul.f32 v16, v59;
	v13 =	vshra.s32 v5, $0x1;
	v58 =	vmul.f32 $5.000000000e-01, v5;
	v5 =	vld [tilespmem:s22+$0xFFFFFF40]  }
0x3f7: {  	v42 =	vadd.f32 v10, v36;
	v18 =	vsub.s32 $0x5F3759DF, v13;
	v13 =	vmul.f32 v21, v21;
	v12 =	vmovc v52;
	v52 =	vld [tilespmem:s22+$0xFFFFFF90];
	[tilespmem:$0x1F6E0] =	vst v3  }
0x3f8: {  	v9 =	vadd.f32 v11, v6;
	v1 =	vmul.f32 v16, v38;
	v48 =	vmul.f32 v18, v58;
	v38 =	vld [tilespmem:s22+$0xFFFFFFB0]  }
0x3f9: {  	v25 =	vmul.f32 v12, v12;
	v24 =	vld [tilespmem:s22+$0xFFFFFFC0];
	[tilespmem:$0x1F6F0] =	vst v42;
	v13 =	vadd.f32 v20, v13;
	v20 =	vadd.f32 v53, v27  }
0x3fa: {  	v43 =	vadd.f32 v49, v63;
	v1 =	vsub.f32 $1.500000000e+00, v1;
	v49 =	vmul.f32 v19, v19;
	v6 =	vld [tilespmem:s22+$0xFFFFFFE0]  }
0x3fb: {  	v27 =	vmul.f32 v18, v48;
	v53 =	vadd.f32 v5, v40;
	v11 =	vadd.f32 v20, v13  }
0x3fc: {  	v48 =	vmul.f32 v42, v42;
	v20 =	vadd.f32 v2, v55;
	v47 =	vadd.f32 v52, v56  }
0x3fd: {  	v37 =	vld [tilespmem:s22+$0xFFFFFFD0];
	[tilespmem:$0x1F700] =	vst v43;
	v2 =	vmul.f32 v43, v43;
	v27 =	vsub.f32 $1.500000000e+00, v27;
	v13 =	vmovc v53;
	v5 =	vadd.f32 v11, v9  }
0x3fe: {  	v52 =	vmul.f32 v20, v20;
	v9 =	vadd.f32 v34, v25;
	v15 =	vmul.f32 v13, v13;
	[tilespmem:$0x1F710] =	vst v47  }
0x3ff: {  	v53 =	vmul.f32 v47, v47;
	v47 =	vadd.f32 v32, v39;
	v34 =	vadd.f32 v6, v54;
	v25 =	vld [tilespmem:s22+$0xFFFFFFF0]  }
0x400: {  	v43 =	vmul.f32 v16, v1;
	(xrf2) =	vadd.scan.msk.f32 $0xffff, v5;
	v3 =	vadd.f32 v52, v49;
	v49 =	vadd.f32 v24, v40  }
0x401: {  	v42 =	vmul.f32 v18, v27;
	v7 =	vadd.f32 v48, v15;
	v48 =	vadd.f32 v38, v41  }
0x402: {  	v24 =	vld [tilespmem:s22+$0x0];
	v0 =	vadd.f32 v53, v2;
	v2 =	vmin.f32 v26, $9.999999950e+11;
	[tilespmem:$0x1F720] =	vst v47;
	v52 =	vmul.f32 v47, v47  }
0x403: {  	v15 =	vadd.f32 v37, v36;
	v53 =	vmul.f32 v2, v28;
	v26 =	vld [tilespmem:s22+$0x10];
	[tilespmem:$0x1F730] =	vst v48;
	v28 =	vmul.f32 v48, v48  }
0x404: {  	v10 =	vmul.f32 v49, v49;
	v47 =	vmul.f32 v2, v46;
	v27 =	vadd.f32 v25, v55;
	v25 =	vld [tilespmem:s22+$0x20];
	[tilespmem:$0x1F740] =	vst v49  }
0x405: {  	v50 =	vmul.f32 v2, v50;
	v11 =	vmul.f32 v15, v15;
	v6 =	vadd.f32 v28, v52;
	v28 =	vld [tilespmem:s22+$0x30]  }
0x406: {  	v48 =	vmul.f32 v2, v31;
	v31 =	vmul.f32 v34, v34  }
0x407: {  	v49 =	vmul.f32 v2, v35;
	v35 =	vadd.f32 v11, v10;
	v10 =	vadd.f32 v3, v7;
	v37 =	vld [tilespmem:s22+$0x40]  }
0x408: {  	v52 =	vmul.f32 v2, v45;
	v11 =	vmul.f32 v2, v30;
	v46 =	vld [tilespmem:s22+$0x50];
	v16 =	vadd.f32 v26, v56  }
0x409: {  	v30 =	vadd.f32 v24, v63;
	v32 =	vmul.f32 v27, v27;
	v45 =	vadd.f32 v6, v0  }
0x40a: {  	s31 =	simm.s32 $0x14500;
	v3 =	vld [tilespmem:s22+$0x70];
	v4 =	vmul.f32 v16, v16;
	v26, _, _ =	vpop (xrf2);
	v24 =	vadd.f32 v25, v39;
	v28 =	vadd.f32 v28, v41  }
0x40b: {  	v7 =	vld [tilespmem:s22+$0x60];
	[tilespmem:s31+$0xF0] =	vst v53;
	v38 =	vadd.f32 v32, v31;
	v6 =	vbroadcast v26, $0xF;
	v41 =	vmul.f32 v30, v30  }
0x40c: {  	[tilespmem:s31+$0x80] =	vst v48;
	v26 =	vadd.f32 v37, v40;
	v32 =	vmul.f32 v24, v24;
	v39 =	vmul.f32 v28, v28  }
0x40d: {  	v51 =	vmul.f32 v2, v51;
	[tilespmem:s31+$0xA0] =	vst v47;
	v25 =	vadd.f32 v46, v36;
	v40 =	vadd.f32 v4, v41  }
0x40e: {  	[tilespmem:s31+$0xB0] =	vst v50;
	v4 =	vmul.f32 $5.000000000e-01, v6;
	v2 =	vadd.f32 v39, v32;
	v32 =	vmul.f32 v44, v57  }
0x40f: {  	[tilespmem:s31+$0xC0] =	vst v51;
	v31 =	vadd.f32 v3, v55;
	v1 =	vmul.f32 v26, v26;
	v41 =	vmul.f32 v25, v25  }
0x410: {  	v5 =	vld [tilespmem:s22+$0xFFFFFF10];
	[tilespmem:s31+$0x90] =	vst v49;
	v6 =	vshra.s32 v6, $0x1;
	v57 =	vmul.f32 v32, v44;
	v32 =	vadd.f32 v7, v54  }
0x411: {  	[tilespmem:s31+$0xD0] =	vst v52;
	v6 =	vsub.s32 $0x5F3759DF, v6;
	v41 =	vadd.f32 v41, v1;
	v39 =	vadd.f32 v38, v35  }
0x412: {  	[tilespmem:s31+$0xE0] =	vst v11;
	v38 =	vmul.f32 v31, v31;
	v1 =	vsub.f32 $1.500000000e+00, v57;
	v7 =	vmul.f32 v32, v32  }
0x413: {  	v0 =	vmul.f32 v6, v4;
	v54 =	vld [tilespmem:$0x1F750]  }
0x414: {  	v1 =	vmul.f32 v1, v44;
	v47 =	vadd.f32 v38, v7  }
0x415: {  	v37 =	vadd.f32 v5, v56;
	v0 =	vmul.f32 v6, v0  }
0x416: {  	v2 =	vadd.f32 v2, v40;
	v5 =	vadd.f32 v47, v41;
	v1 =	vmin.f32 v1, $9.999999950e+11  }
0x417: {  	v53 =	vmul.f32 v1, v61  }
0x418: {  	v0 =	vsub.f32 $1.500000000e+00, v0;
	v2 =	vadd.f32 v5, v2;
	v5 =	vmul.f32 v1, v54  }
0x419: {  	[tilespmem:s31+$0xFFFFFF80] =	vst v53  }
0x41a: {  	v46 =	vld [tilespmem:s22+$0xFFFFFF00];
	v0 =	vmul.f32 v6, v0;
	v55 =	vmul.f32 v1, v60;
	[tilespmem:s31+$0xFFFFFF90] =	vst v5  }
0x41b: {  	v5 =	vld [tilespmem:$0x1F760]  }
0x41c: {  	v4 =	vmul.f32 v0, v4;
	[tilespmem:s31+$0xFFFFFFA0] =	vst v55  }
0x41d: {  	v48 =	vmul.f32 v43, v59;
	v57 =	vld [tilespmem:$0x1F770]  }
0x41e: {  	v4 =	vmul.f32 v4, v0  }
0x41f: {  	v36 =	vadd.f32 v46, v63;
	v6 =	vmul.f32 v48, v43  }
0x420: {  	v4 =	vsub.f32 $1.500000000e+00, v4;
	v5 =	vmul.f32 v1, v5  }
0x421: {  	v63 =	vmul.f32 v37, v37;
	v35 =	vmul.f32 v36, v36;
	v6 =	vsub.f32 $1.500000000e+00, v6  }
0x422: {  	v0 =	vmul.f32 v4, v0;
	v4 =	vmul.f32 v1, v57;
	[tilespmem:s31+$0xFFFFFFB0] =	vst v5  }
0x423: {  	v3 =	vadd.f32 v63, v35;
	v6 =	vmul.f32 v6, v43;
	v7 =	vld [tilespmem:$0x1F780]  }
0x424: {  	[tilespmem:s31+$0xFFFFFFC0] =	vst v4  }
0x425: {  	v3 =	vadd.f32 v9, v3;
	v6 =	vmin.f32 v6, $9.999999950e+11;
	v59 =	vld [tilespmem:$0x1F790]  }
0x426: {  	v50 =	vmul.f32 v42, v58;
	v49 =	vadd.f32 v39, v45;
	v58 =	vmul.f32 v6, v62  }
0x427: {  	v3 =	vadd.f32 v10, v3;
	v4 =	vld [tilespmem:$0x1F7A0]  }
0x428: {  	(xrf2) =	vadd.scan.msk.f32 $0xffff, v49;
	[tilespmem:s31+$0xFFFFFF00] =	vst v58;
	v7 =	vmul.f32 v6, v7  }
0x429: {  	(xrf2) =	vadd.scan.msk.f32 $0xffff, v3;
	v5 =	vld [tilespmem:$0x1F7B0]  }
0x42a: {  	(xrf2) =	vadd.scan.msk.f32 $0xffff, v2;
	v60 =	vld [tilespmem:$0x1F7C0];
	v2 =	vmul.f32 v6, v59;
	[tilespmem:s31+$0xFFFFFF10] =	vst v7  }
0x42b: {  	v7 =	vld [tilespmem:$0x1F7D0]  }
0x42c: {  	v39 =	vmul.f32 v50, v42;
	v4 =	vmul.f32 v6, v4;
	v62 =	vld [tilespmem:$0x1F7E0];
	[tilespmem:s31+$0xFFFFFF20] =	vst v2  }
0x42d: {  	v2 =	vld [tilespmem:$0x1F7F0]  }
0x42e: {  	v39 =	vsub.f32 $1.500000000e+00, v39;
	v5 =	vmul.f32 v6, v5;
	v63 =	vld [tilespmem:$0x1F800];
	[tilespmem:s31+$0xFFFFFF30] =	vst v4  }
0x42f: {  	v61 =	vmul.f32 v6, v60;
	v52 =	vld [tilespmem:$0x1F810]  }
0x430: {  	v56 =	vmul.f32 v39, v42;
	v42 =	vmin.f32 v0, $9.999999950e+11;
	v4 =	vld [tilespmem:$0x1F820];
	[tilespmem:s31+$0xFFFFFF40] =	vst v5  }
0x431: {  	v54 =	vmul.f32 v42, v8;
	[tilespmem:s31+$0xFFFFFF50] =	vst v61  }
0x432: {  	s3 =	simm.s32 $0x14700;
	v55 =	vld [tilespmem:$0x1F830];
	v7 =	vmul.f32 v6, v7  }
0x433: {  	v3 =	vmin.f32 v56, $9.999999950e+11;
	v56 =	vld [tilespmem:$0x1F840];
	[tilespmem:s3+$0xF0] =	vst v54;
	v6 =	vmul.f32 v6, v62  }
0x434: {  	v5 =	vld [tilespmem:$0x1F850];
	v2 =	vmul.f32 v1, v2;
	[tilespmem:s31+$0xFFFFFF60] =	vst v7  }
0x435: {  	v53, _, _ =	vpop (xrf2);
	v35 =	vmul.f32 v1, v63;
	v59 =	vld [tilespmem:$0x1F860];
	[tilespmem:s31+$0xFFFFFF70] =	vst v6  }
0x436: {  	v0 =	vmul.f32 v1, v52;
	v1 =	vbroadcast v53, $0xF;
	v6 =	vld [tilespmem:$0x1F870];
	[tilespmem:s31+$0xFFFFFFD0] =	vst v2  }
0x437: {  	v58, _, _ =	vpop (xrf2);
	v4 =	vmul.f32 v3, v4;
	v44 =	vmul.f32 v3, v55;
	v2 =	vld [tilespmem:$0x1F880];
	[tilespmem:s31+$0xFFFFFFE0] =	vst v35  }
0x438: {  	v57 =	vshra.s32 v1, $0x1;
	v40 =	vmul.f32 $5.000000000e-01, v1;
	v1 =	vbroadcast v58, $0xF;
	[tilespmem:s31+$0xFFFFFFF0] =	vst v0  }
0x439: {  	v43 =	vmul.f32 v3, v56;
	v45 =	vmul.f32 v3, v5;
	v53 =	vsub.s32 $0x5F3759DF, v57;
	v0 =	vld [tilespmem:$0x1F890]  }
0x43a: {  	v62, _, _ =	vpop (xrf2);
	v60 =	vmul.f32 v53, v40;
	v61 =	vshra.s32 v1, $0x1;
	v41 =	vmul.f32 $5.000000000e-01, v1  }
0x43b: {  	v1 =	vbroadcast v62, $0xF;
	v50 =	vsub.s32 $0x5F3759DF, v61;
	v46 =	vmul.f32 v3, v59  }
0x43c: {  	v63 =	vmul.f32 v53, v60;
	v52 =	vmul.f32 v50, v41  }
0x43d: {  	v51 =	vshra.s32 v1, $0x1;
	v39 =	vmul.f32 $5.000000000e-01, v1;
	v48 =	vmul.f32 v3, v6  }
0x43e: {  	s15 =	simm.s32 $0x4;
	s22 =	simm.s32 $0xC900;
	[tilespmem:s31+$0x0] =	vst v4;
	v49 =	vmul.f32 v3, v2;
	v54 =	vsub.f32 $1.500000000e+00, v63;
	v47 =	vmul.f32 v3, v0  }
.LBB2_8:
0x43f: {  	v0 =	vld [tilespmem:s22+$0x80]  }
0x440: {  	v4 =	vld [tilespmem:s22+$0x90]  }
0x441: {  	v7 =	vld [tilespmem:s22+$0xA0]  }
0x442: {  	v57 =	vld [tilespmem:s22+$0xB0]  }
0x443: {  	v58 =	vld [tilespmem:s22+$0xC0]  }
0x444: {  	v60 =	vld [tilespmem:s22+$0xD0]  }
0x445: {  	v62 =	vld [tilespmem:s22+$0xE0]  }
0x446: {  	v9 =	vld [tilespmem:s22+$0xF0]  }
0x447: {  	[tilespmem:$0x1F670] =	vst v20;
	v20 =	vld [tilespmem:$0x1FE20]  }
0x448: {  	[tilespmem:$0x1F6C0] =	vst v32;
	v32 =	vmov v15;
	v15 =	vld [tilespmem:$0x1FE10]  }
0x449: {  	v3 =	vmul.f32 v42, v33;
	v55 =	vld [tilespmem:s22+$0xFFFFFF20]  }
0x44a: {  	[tilespmem:$0x1F680] =	vst v16;
	v2 =	vsub.s32 $0x5F3759DF, v51;
	v38 =	vmul.f32 v42, v23;
	v56 =	vmul.f32 v42, v29;
	v16 =	vld [tilespmem:$0x1FDD0]  }
0x44b: {  	[tilespmem:$0x1F690] =	vst v24;
	v24 =	vld [tilespmem:$0x1FE00];
	v1 =	vmul.f32 v50, v52;
	v6 =	vmul.f32 v2, v39  }
0x44c: {  	[tilespmem:$0x1F6B0] =	vst v25;
	v59 =	vmul.f32 v42, v22;
	v25 =	vld [tilespmem:$0x1FE30];
	v5 =	vmul.f32 v53, v54  }
0x44d: {  	v61 =	vmul.f32 v42, v21;
	v35 =	vld [tilespmem:s22+$0xFFFFFF80];
	v1 =	vsub.f32 $1.500000000e+00, v1;
	v6 =	vmul.f32 v2, v6  }
0x44e: {  	[tilespmem:$0x1F6D0] =	vst v31;
	v63 =	vmul.f32 v42, v17;
	v18 =	vld [tilespmem:$0x1FDE0];
	v23 =	vmul.f32 v5, v40  }
0x44f: {  	v31 =	vmovc v30;
	v30 =	vmovc v19;
	v19 =	vld [tilespmem:$0x1FDF0];
	v40 =	vmul.f32 v50, v1;
	v6 =	vsub.f32 $1.500000000e+00, v6;
	v33 =	vadd.f32 v0, v20  }
0x450: {  	[tilespmem:$0x1F6A0] =	vst v26;
	v26 =	vld [tilespmem:$0x1FE40];
	v22 =	vmul.f32 v23, v5;
	v23 =	vadd.f32 v4, v15;
	v29 =	vadd.f32 v7, v16  }
0x451: {  	v11 =	vmul.f32 v42, v14;
	v51 =	vld [tilespmem:s22+$0xFFFFFFD0];
	[tilespmem:s31+$0x20] =	vst v43;
	v17 =	vadd.f32 v60, v24;
	v14 =	vadd.f32 v62, v25  }
0x452: {  	[tilespmem:s31+$0x30] =	vst v45;
	v54 =	vld [tilespmem:s22+$0xFFFFFF10];
	v43 =	vadd.f32 v55, v16;
	v62 =	vadd.f32 v35, v20;
	v21 =	vmul.f32 v40, v41  }
0x453: {  	[tilespmem:s31+$0x50] =	vst v48;
	v48 =	vld [tilespmem:s22+$0xFFFFFF50];
	v10 =	vsub.f32 $1.500000000e+00, v22;
	v41 =	vmul.f32 v2, v6;
	v7 =	vmul.f32 v33, v33  }
0x454: {  	[tilespmem:s3+$0xA0] =	vst v56;
	v22 =	vadd.f32 v57, v18;
	v6 =	vld [tilespmem:s22+$0xFFFFFF30];
	v56 =	vmul.f32 v23, v23;
	v57 =	vmul.f32 v29, v29  }
0x455: {  	[tilespmem:s3+$0x80] =	vst v3;
	v3 =	vld [tilespmem:s22+$0xFFFFFF60];
	v45 =	vmul.f32 v21, v40;
	v4 =	vmul.f32 v41, v39;
	v21 =	vadd.f32 v58, v19  }
0x456: {  	[tilespmem:s3+$0x90] =	vst v38;
	v1 =	vld [tilespmem:s22+$0xFFFFFF40];
	v5 =	vmul.f32 v10, v5;
	v39 =	vadd.f32 v9, v26;
	v58 =	vmul.f32 v22, v22  }
0x457: {  	[tilespmem:s3+$0xB0] =	vst v59;
	v38 =	vld [tilespmem:s22+$0xFFFFFF70];
	v42 =	vadd.f32 v54, v15;
	v9 =	vmul.f32 v17, v17;
	v10 =	vmul.f32 v14, v14  }
0x458: {  	[tilespmem:s3+$0xE0] =	vst v11;
	v7 =	vadd.f32 v56, v7;
	v56 =	vld [tilespmem:s22+$0xFFFFFFF0];
	v59 =	vmul.f32 v21, v21;
	v11 =	vmul.f32 v39, v39  }
0x459: {  	[tilespmem:s31+$0x40] =	vst v46;
	v57 =	vadd.f32 v58, v57;
	v58 =	vld [tilespmem:s22+$0xFFFFFF90];
	v46 =	vadd.f32 v6, v18  }
0x45a: {  	[tilespmem:s31+$0x60] =	vst v49;
	v53 =	vmul.f32 v43, v43;
	v49 =	vadd.f32 v9, v59;
	v2 =	vadd.f32 v11, v10;
	v59 =	vld [tilespmem:s22+$0xFFFFFFA0]  }
0x45b: {  	[tilespmem:s31+$0x70] =	vst v47;
	v50 =	vadd.f32 v3, v25;
	v35 =	vmul.f32 v62, v62;
	v47 =	vadd.f32 v1, v19;
	v9 =	vld [tilespmem:s22+$0xFFFFFFB0]  }
0x45c: {  	v7 =	vadd.f32 v57, v7;
	v11 =	vld [tilespmem:s22+$0xFFFFFFC0];
	v10 =	vmul.f32 v46, v46;
	v2 =	vadd.f32 v2, v49  }
0x45d: {  	[tilespmem:s31+$0x10] =	vst v44;
	v52 =	vld [tilespmem:s22+$0xFFFFFFE0];
	v54 =	vmul.f32 v50, v50;
	v49 =	vadd.f32 v48, v24;
	v48 =	vadd.f32 v38, v26  }
0x45e: {  	[tilespmem:s3+$0xD0] =	vst v63;
	v44 =	vmin.f32 v5, $9.999999950e+11;
	v63 =	vadd.f32 v58, v15;
	v3 =	vadd.f32 v10, v53  }
0x45f: {  	v0 =	vmul.f32 v47, v47;
	v53 =	vadd.f32 v56, v26;
	v2 =	vadd.f32 v2, v7  }
0x460: {  	v58 =	vld [tilespmem:s22+$0x0];
	v38 =	vmul.f32 v49, v49;
	v7 =	vadd.f32 v51, v24;
	v1 =	vadd.f32 v59, v16  }
0x461: {  	v55 =	vmul.f32 v48, v48;
	v5 =	vadd.f32 v11, v19;
	(xrf2) =	vadd.scan.msk.f32 $0xffff, v2;
	v2 =	vadd.f32 v9, v18;
	v9 =	vld [tilespmem:s22+$0x20]  }
0x462: {  	v8 =	vld [tilespmem:s22+$0x10];
	v57 =	vmul.f32 v63, v63;
	v59 =	vadd.f32 v52, v25;
	v0 =	vadd.f32 v38, v0  }
0x463: {  	v54 =	vadd.f32 v55, v54;
	v55 =	vld [tilespmem:s22+$0x30];
	v56 =	vmul.f32 v7, v7;
	v38 =	vmul.f32 v2, v2  }
0x464: {  	v11 =	vld [tilespmem:s22+$0x50];
	v60 =	vmul.f32 v1, v1;
	v52 =	vmul.f32 v5, v5;
	v6 =	vadd.f32 v57, v35  }
0x465: {  	v57 =	vld [tilespmem:s22+$0x40];
	v10 =	vmul.f32 v59, v59;
	v35 =	vmovc v27;
	v58 =	vadd.f32 v58, v20;
	v0 =	vadd.f32 v54, v0  }
0x466: {  	v27 =	vmovc v12;
	v12 =	vmul.f32 v53, v53;
	v51 =	vadd.f32 v38, v60;
	v60 =	vadd.f32 v9, v16;
	v16 =	vld [tilespmem:s22+$0xFFFFFF00]  }
0x467: {  	v38 =	vmovc v28;
	v28 =	vmov v13;
	v13 =	vadd.f32 v56, v52;
	v56 =	vadd.f32 v8, v15;
	v8 =	vld [tilespmem:s22+$0x60]  }
0x468: {  	[tilespmem:s3+$0xC0] =	vst v61;
	v61 =	vmul.f32 v42, v42;
	v10 =	vadd.f32 v12, v10;
	v9 =	vld [tilespmem:s22+$0x70];
	v54 =	vadd.f32 v55, v18  }
0x469: {  	v55 =	vadd.f32 v11, v24;
	v15 =	vmul.f32 v58, v58;
	v6 =	vadd.f32 v51, v6  }
0x46a: {  	v57 =	vadd.f32 v57, v19;
	v18 =	vmul.f32 v60, v60;
	v11 =	vmul.f32 v54, v54  }
0x46b: {  	v12 =	vmul.f32 v56, v56;
	v10 =	vadd.f32 v10, v13;
	v51, _, _ =	vpop (xrf2);
	v16 =	vadd.f32 v16, v20  }
0x46c: {  	v11 =	vadd.f32 v11, v18;
	v19 =	vbroadcast v51, $0xF;
	v52 =	vadd.f32 v8, v25  }
0x46d: {  	v12 =	vadd.f32 v12, v15;
	v51 =	vadd.f32 v9, v26;
	v24 =	vmul.f32 v16, v16  }
0x46e: {  	v9 =	vshra.s32 v19, $0x1;
	v15 =	vmul.f32 $5.000000000e-01, v19;
	v20 =	vmul.f32 v52, v52  }
0x46f: {  	v8 =	vmul.f32 v57, v57;
	v19 =	vmul.f32 v55, v55;
	v9 =	vsub.s32 $0x5F3759DF, v9  }
0x470: {  	v25 =	vmul.f32 v51, v51;
	v13 =	vadd.f32 v61, v24;
	v18 =	vmul.f32 v9, v15  }
0x471: {  	v11 =	vadd.f32 v11, v12;
	v8 =	vadd.f32 v19, v8;
	v19 =	vld [tilespmem:$0x1F700]  }
0x472: {  	v3 =	vadd.f32 v3, v13;
	v13 =	vld [tilespmem:$0x1F720];
	v12 =	vmul.f32 v9, v18;
	v18 =	vadd.f32 v25, v20;
	v20 =	vmovc v62  }
0x473: {  	v4 =	vmul.f32 v4, v41;
	v6 =	vadd.f32 v10, v6  }
0x474: {  	v62 =	vsub.f32 $1.500000000e+00, v45  }
0x475: {  	v4 =	vsub.f32 $1.500000000e+00, v4;
	(xrf2) =	vadd.scan.msk.f32 $0xffff, v6;
	[tilespmem:$0x1F700] =	vst v20;
	v8 =	vadd.f32 v18, v8;
	v20 =	vmovc v63  }
0x476: {  	v61 =	vsub.f32 $1.500000000e+00, v12;
	v12 =	vld [tilespmem:$0x1F710];
	v6 =	vmul.f32 v62, v40;
	v19 =	vmul.f32 v44, v19;
	v63 =	vmovc v1;
	[tilespmem:$0x1F710] =	vst v20  }
0x477: {  	v10 =	vmul.f32 v4, v41;
	v13 =	vmul.f32 v44, v13;
	[tilespmem:$0x1F720] =	vst v63  }
0x478: {  	v9 =	vmul.f32 v9, v61;
	v1 =	vadd.f32 v8, v11;
	v11 =	vld [tilespmem:$0x1F730];
	v62 =	vmovc v2;
	v41 =	vmin.f32 v6, $9.999999950e+11;
	[tilespmem:s3+$0xFFFFFF80] =	vst v19  }
0x479: {  	[tilespmem:$0x1F730] =	vst v62;
	v6 =	vmul.f32 v41, v36  }
0x47a: {  	v0 =	vadd.f32 v0, v3;
	v63 =	vld [tilespmem:$0x1F740];
	v36 =	vmul.f32 v41, v28;
	v61 =	vmul.f32 v9, v15;
	[tilespmem:s3+$0xFFFFFFA0] =	vst v13  }
0x47b: {  	v12 =	vmul.f32 v44, v12;
	[tilespmem:s3+$0xFFFFFF00] =	vst v6  }
0x47c: {  	(xrf2) =	vadd.scan.msk.f32 $0xffff, v0;
	v15 =	vmovc v7;
	v7 =	vmul.f32 v41, v30;
	[tilespmem:s3+$0xFFFFFF40] =	vst v36;
	v40 =	vmul.f32 v61, v9  }
0x47d: {  	v30 =	vmovc v58;
	v58 =	vld [tilespmem:$0x1F6B0];
	v61 =	vmul.f32 v41, v37;
	[tilespmem:s3+$0xFFFFFF90] =	vst v12;
	v45 =	vmul.f32 v44, v11;
	v11 =	vmov v5  }
0x47e: {  	(xrf2) =	vadd.scan.msk.f32 $0xffff, v1;
	v5 =	vmul.f32 v44, v32;
	v32 =	vld [tilespmem:$0x1F6E0];
	[tilespmem:$0x1F740] =	vst v11  }
0x47f: {  	v0 =	vmul.f32 v44, v63;
	[tilespmem:s3+$0xFFFFFF10] =	vst v61;
	v61 =	vld [tilespmem:$0x1F670]  }
0x480: {  	v4 =	vmul.f32 v44, v34;
	v36 =	vmovc v16;
	v16 =	vmov v56;
	v56 =	vld [tilespmem:$0x1F6A0];
	v62 =	vsub.f32 $1.500000000e+00, v40;
	[tilespmem:s3+$0xFFFFFFB0] =	vst v45  }
0x481: {  	v13 =	vmovc v47;
	v47 =	vmovc v49;
	v63 =	vmul.f32 v41, v27;
	[tilespmem:s3+$0xFFFFFFC0] =	vst v0;
	v0 =	vmin.f32 v10, $9.999999950e+11;
	v12 =	vmov v43;
	v43 =	vld [tilespmem:$0x1F6F0]  }
0x482: {  	v20 =	vmovc v48;
	[tilespmem:$0x1F6F0] =	vst v47;
	v48 =	vmul.f32 v0, v58;
	v45 =	vmov v46;
	v46 =	vmul.f32 v62, v9  }
0x483: {  	v2 =	vld [tilespmem:$0x1F680];
	[tilespmem:s3+$0xFFFFFF20] =	vst v63;
	v9 =	vmul.f32 v0, v31;
	v3 =	vmul.f32 v41, v32  }
0x484: {  	s31 =	smov.u32 s3;
	[tilespmem:$0x1F6E0] =	vst v45;
	v62, _, _ =	vpop (xrf2);
	v45 =	vmul.f32 v0, v38;
	v1 =	vmul.f32 v41, v61  }
0x485: {  	v37 =	vmovc v42;
	[tilespmem:s31+$0xFFFFFFD0] =	vst v5;
	v32 =	vld [tilespmem:$0x1F690];
	v42 =	vmin.f32 v46, $9.999999950e+11;
	v63 =	vbroadcast v62, $0xF;
	v46 =	vmul.f32 v0, v56  }
0x486: {  	v24 =	vmovc v60;
	v27 =	vmov v53;
	v61 =	vld [tilespmem:$0x1F6C0];
	v8 =	vmul.f32 v41, v43;
	[tilespmem:s3+$0xFFFFFF30] =	vst v3;
	v3 =	vmul.f32 v44, v35  }
0x487: {  	s15 =	sadd.s32 $0x4, s15;
	[tilespmem:s31+$0xFFFFFFE0] =	vst v4;
	v10 =	vmul.f32 v42, v39;
	v39, _, _ =	vpop (xrf2);
	v35 =	vshra.s32 v63, $0x1;
	v40 =	vmul.f32 $5.000000000e-01, v63  }
0x488: {  	p0 =	slt.u32 s15, $0x7C;
	[tilespmem:s31+$0x0] =	vst v9;
	v44 =	vmul.f32 v0, v2;
	v41 =	vbroadcast v39, $0xF;
	v60, _, _ =	vpop (xrf2);
	v63 =	vld [tilespmem:$0x1F6D0];
	v53 =	vsub.s32 $0x5F3759DF, v35  }
.Ltmp3:
0x489: {  	v26 =	vmov v57;
	[tilespmem:s31+$0xFFFFFF60] =	vst v7;
	v2 =	vbroadcast v60, $0xF;
	v57 =	vmul.f32 v53, v40;
	(pc) =	sbr.rel @p0 .LBB2_8-.Ltmp3, $4  }
0x48a: {  	v34 =	vmovc v59;
	[tilespmem:s31+$0xFFFFFF70] =	vst v1;
	v43 =	vmul.f32 v0, v32;
	v59 =	vshra.s32 v41, $0x1;
	v41 =	vmul.f32 $5.000000000e-01, v41  }
0x48b: {  	v25 =	vmovc v55;
	v28 =	vmov v54;
	s3 =	sadd.s32 $0x200, s3;
	[tilespmem:s31+$0xFFFFFF50] =	vst v8;
	v49 =	vmul.f32 v0, v61;
	v62 =	vmul.f32 v53, v57  }
0x48c: {  	v19 =	vmovc v50;
	v31 =	vmovc v51;
	[tilespmem:s3+$0xF0] =	vst v10;
	v50 =	vsub.s32 $0x5F3759DF, v59;
	v51 =	vshra.s32 v2, $0x1;
	v39 =	vmul.f32 $5.000000000e-01, v2  }
0x48d: {  	s22 =	sadd.s32 $0x200, s22;
	[tilespmem:s31+$0xFFFFFFF0] =	vst v3;
	v32 =	vmovc v52;
	v52 =	vmul.f32 v50, v41;
	v47 =	vmul.f32 v0, v63;
	v54 =	vsub.f32 $1.500000000e+00, v62  }
0x48e: {  	[tilespmem:s31+$0x10] =	vst v44  }
0x48f: {  	[tilespmem:s31+$0x20] =	vst v43  }
0x490: {  	[tilespmem:s31+$0x30] =	vst v45  }
0x491: {  	[tilespmem:s31+$0x40] =	vst v46  }
0x492: {  	[tilespmem:s31+$0x50] =	vst v48  }
0x493: {  	v3 =	vmul.f32 v42, v33;
	[tilespmem:s31+$0x60] =	vst v49  }
0x494: {  	v4 =	vmul.f32 v42, v23;
	[tilespmem:s31+$0x70] =	vst v47  }
0x495: {  	v5 =	vmul.f32 v42, v29;
	v0 =	vmul.f32 v53, v54;
	[tilespmem:s3+$0x80] =	vst v3  }
0x496: {  	v58 =	vmul.f32 v42, v22;
	[tilespmem:s3+$0x90] =	vst v4  }
0x497: {  	v59 =	vmul.f32 v42, v21;
	[tilespmem:s3+$0xA0] =	vst v5;
	v2 =	vmul.f32 v0, v40  }
0x498: {  	v61 =	vmul.f32 v42, v17;
	[tilespmem:s3+$0xB0] =	vst v58  }
0x499: {  	[tilespmem:s3+$0xC0] =	vst v59;
	v2 =	vmul.f32 v2, v0  }
0x49a: {  	[tilespmem:s3+$0xD0] =	vst v61  }
0x49b: {  	v4 =	vld [tilespmem:$0x1F700];
	v2 =	vsub.f32 $1.500000000e+00, v2  }
0x49c: {  	v1 =	vmul.f32 v50, v52  }
0x49d: {  	v0 =	vmul.f32 v2, v0  }
0x49e: {  	v7 =	vmul.f32 v42, v14;
	v1 =	vsub.f32 $1.500000000e+00, v1  }
0x49f: {  	v0 =	vmin.f32 v0, $9.999999950e+11  }
0x4a0: {  	[tilespmem:s3+$0xE0] =	vst v7;
	v1 =	vmul.f32 v50, v1;
	v4 =	vmul.f32 v0, v4  }
0x4a1: {  	v9 =	vld [tilespmem:$0x1F710]  }
0x4a2: {  	v6 =	vmul.f32 v1, v41;
	[tilespmem:s3+$0xFFFFFF80] =	vst v4  }
0x4a3: {  	v4 =	vld [tilespmem:$0x1F720]  }
0x4a4: {  	v6 =	vmul.f32 v6, v1;
	_ =	sdelay $0x1  }
0x4a5: {  	v63 =	vsub.f32 $1.500000000e+00, v6;
	v6 =	vmul.f32 v0, v9;
	_ =	sdelay $0x1  }
0x4a6: {  	[tilespmem:s3+$0xFFFFFF90] =	vst v6;
	v4 =	vmul.f32 v0, v4  }
0x4a7: {  	v10 =	vld [tilespmem:$0x1F730]  }
0x4a8: {  	v60 =	vsub.s32 $0x5F3759DF, v51;
	[tilespmem:s3+$0xFFFFFFA0] =	vst v4  }
0x4a9: {  	v62 =	vmul.f32 v60, v39;
	v4 =	vld [tilespmem:$0x1F740]  }
0x4aa: {  	v1 =	vmul.f32 v63, v1  }
0x4ab: {  	v3 =	vmul.f32 v60, v62  }
0x4ac: {  	v1 =	vmin.f32 v1, $9.999999950e+11;
	v5 =	vmul.f32 v0, v10  }
0x4ad: {  	v3 =	vsub.f32 $1.500000000e+00, v3;
	v11 =	vmul.f32 v1, v36  }
0x4ae: {  	[tilespmem:s3+$0xFFFFFFB0] =	vst v5;
	v4 =	vmul.f32 v0, v4  }
0x4af: {  	v2 =	vmul.f32 v60, v3;
	v33 =	vmul.f32 v1, v37;
	[tilespmem:s3+$0xFFFFFF00] =	vst v11  }
0x4b0: {  	v36 =	vmul.f32 v1, v12;
	[tilespmem:s3+$0xFFFFFFC0] =	vst v4  }
0x4b1: {  	v35 =	vmul.f32 v2, v39;
	v3 =	vld [tilespmem:$0x1F6E0];
	[tilespmem:s3+$0xFFFFFF10] =	vst v33  }
0x4b2: {  	v37 =	vmul.f32 v1, v13;
	[tilespmem:s3+$0xFFFFFF20] =	vst v36  }
0x4b3: {  	v39 =	vmul.f32 v1, v19;
	v4 =	vmul.f32 v35, v2;
	v6 =	vld [tilespmem:$0x1F6F0]  }
0x4b4: {  	v40 =	vmul.f32 v0, v15;
	[tilespmem:s3+$0xFFFFFF40] =	vst v37  }
0x4b5: {  	v41 =	vmul.f32 v0, v34;
	v38 =	vsub.f32 $1.500000000e+00, v4;
	[tilespmem:s3+$0xFFFFFF60] =	vst v39  }
0x4b6: {  	v0 =	vmul.f32 v0, v27;
	[tilespmem:s3+$0xFFFFFFD0] =	vst v40  }
0x4b7: {  	[tilespmem:s3+$0xFFFFFFE0] =	vst v41;
	v2 =	vmul.f32 v38, v2;
	v3 =	vmul.f32 v1, v3  }
0x4b8: {  	[tilespmem:s3+$0xFFFFFFF0] =	vst v0;
	v6 =	vmul.f32 v1, v6  }
0x4b9: {  	v42 =	vmin.f32 v2, $9.999999950e+11;
	v1 =	vmul.f32 v1, v20;
	[tilespmem:s3+$0xFFFFFF30] =	vst v3  }
0x4ba: {  	v2 =	vmul.f32 v42, v30;
	[tilespmem:s3+$0xFFFFFF50] =	vst v6  }
0x4bb: {  	v43 =	vmul.f32 v42, v16;
	[tilespmem:s3+$0xFFFFFF70] =	vst v1  }
0x4bc: {  	v44 =	vmul.f32 v42, v24;
	[tilespmem:s3+$0x0] =	vst v2  }
0x4bd: {  	v45 =	vmul.f32 v42, v28;
	[tilespmem:s3+$0x10] =	vst v43  }
0x4be: {  	v46 =	vmul.f32 v42, v26;
	[tilespmem:s3+$0x20] =	vst v44  }
0x4bf: {  	v47 =	vmul.f32 v42, v25;
	[tilespmem:s3+$0x30] =	vst v45  }
0x4c0: {  	v48 =	vmul.f32 v42, v32;
	[tilespmem:s3+$0x40] =	vst v46  }
0x4c1: {  	v1 =	vmul.f32 v42, v31;
	[tilespmem:s3+$0x50] =	vst v47  }
0x4c2: {  	[tilespmem:s3+$0x60] =	vst v48  }
0x4c3: {  	[tilespmem:s3+$0x70] =	vst v1  }
0x4c4: {  	[hbm4b:s11+s5] =	stream.linear.scatter [tilespmem:s2], [sflag:$0x6], $0x4000, $0x38;
	[tilespmem:$0x18500] =	vst v63  }
0x4c5: {  	_ =	swait.ge [sflag:s24], $0x2000  }
0x4c6: {  	[sflag:s24] =	ssyncset.done $0x0  }
0x4c7: {  	[sflag:s24] =	ssyncadd.s32 $0xFFFFE000  }
0x4c8: {  	_ =	swait.ge [sflag:s16], $0x4000  }
0x4c9: {  	v63 =	vld [tilespmem:$0x1FE20]  }
0x4ca: {  	v56 =	vld [tilespmem:$0x1FE10]  }
0x4cb: {  	v39 =	vld [tilespmem:$0x1FDD0]  }
0x4cc: {  	v41 =	vld [tilespmem:$0x1FDE0]  }
0x4cd: {  	v40 =	vld [tilespmem:$0x1FDF0]  }
0x4ce: {  	v36 =	vld [tilespmem:$0x1FE00]  }
0x4cf: {  	[sflag:s16] =	ssyncset.done $0x0;
	v54 =	vld [tilespmem:$0x1FE30]  }
0x4d0: {  	s15 =	simm.s32 $0x500;
	v55 =	vld [tilespmem:$0x1FE40];
	[sflag:s16] =	ssyncadd.s32 $0xFFFFC000  }
0x4d1: {  	v49 =	vld [tilespmem:s15+$0x80]  }
0x4d2: {  	v50 =	vld [tilespmem:s15+$0x90]  }
0x4d3: {  	v51 =	vld [tilespmem:s15+$0xA0]  }
0x4d4: {  	v52 =	vld [tilespmem:s15+$0xB0]  }
0x4d5: {  	v6 =	vld [tilespmem:s15+$0xE0]  }
0x4d6: {  	v7 =	vld [tilespmem:s15+$0xF0]  }
0x4d7: {  	v8 =	vld [tilespmem:s15+$0xFFFFFF10]  }
0x4d8: {  	v60 =	vld [tilespmem:s15+$0xFFFFFF20]  }
0x4d9: {  	v53 =	vld [tilespmem:s15+$0xC0]  }
0x4da: {  	v5 =	vld [tilespmem:s15+$0xD0]  }
0x4db: {  	v62 =	vld [tilespmem:s15+$0xFFFFFF40];
	v31 =	vadd.f32 v49, v63  }
0x4dc: {  	v61 =	vld [tilespmem:s15+$0xFFFFFF30];
	v30 =	vadd.f32 v6, v54;
	v15 =	vadd.f32 v8, v56  }
0x4dd: {  	v34 =	vld [tilespmem:s15+$0xFFFFFF50];
	v28 =	vadd.f32 v7, v55;
	v14 =	vadd.f32 v60, v39  }
0x4de: {  	v9 =	vld [tilespmem:s15+$0xFFFFFF60];
	v35 =	vadd.f32 v50, v56;
	v46 =	vadd.f32 v51, v39;
	[tilespmem:$0x1F550] =	vst v15  }
0x4df: {  	v50 =	vadd.f32 v52, v41;
	v43 =	vmul.f32 v30, v30;
	v12 =	vmul.f32 v28, v28;
	v11 =	vld [tilespmem:s15+$0xFFFFFF70];
	[tilespmem:$0x1F560] =	vst v14  }
0x4e0: {  	v51 =	vadd.f32 v53, v40;
	v52 =	vadd.f32 v62, v40;
	v13 =	vld [tilespmem:s15+$0xFFFFFF80]  }
0x4e1: {  	v32 =	vmul.f32 v31, v31;
	v47 =	vld [tilespmem:s15+$0xFFFFFF90];
	v0 =	vadd.f32 v12, v43;
	v12 =	vadd.f32 v61, v41  }
0x4e2: {  	v45 =	vadd.f32 v5, v36;
	v33 =	vmul.f32 v35, v35;
	v37 =	vmul.f32 v46, v46;
	v49 =	vld [tilespmem:s15+$0xFFFFFFA0];
	[tilespmem:$0x1F580] =	vst v52  }
0x4e3: {  	v16 =	vadd.f32 v34, v36;
	v38 =	vmul.f32 v50, v50;
	v42 =	vmul.f32 v51, v51;
	[tilespmem:$0x1F570] =	vst v12  }
0x4e4: {  	v10 =	vmul.f32 v45, v45;
	v57 =	vmul.f32 v14, v14;
	v14 =	vadd.f32 v9, v54;
	v53 =	vld [tilespmem:s15+$0xFFFFFFB0]  }
0x4e5: {  	v3 =	vadd.f32 v33, v32;
	v44 =	vadd.f32 v38, v37;
	v58 =	vld [tilespmem:s15+$0xFFFFFFC0]  }
0x4e6: {  	v48 =	vadd.f32 v10, v42;
	v59 =	vmul.f32 v12, v12;
	[tilespmem:$0x1F590] =	vst v16;
	v12 =	vadd.f32 v11, v55  }
0x4e7: {  	[tilespmem:$0x1F5A0] =	vst v14;
	v61 =	vadd.f32 v13, v63;
	v13 =	vadd.f32 v47, v56  }
0x4e8: {  	v3 =	vadd.f32 v44, v3;
	v32 =	vld [tilespmem:s15+$0xFFFFFFD0];
	[tilespmem:$0x1F5B0] =	vst v12  }
0x4e9: {  	v0 =	vadd.f32 v0, v48;
	v34 =	vld [tilespmem:s15+$0xFFFFFFE0];
	[tilespmem:$0x1F520] =	vst v13;
	v17 =	vadd.f32 v53, v41  }
0x4ea: {  	v38 =	vld [tilespmem:s15+$0xFFFFFFF0];
	v18 =	vadd.f32 v58, v40  }
0x4eb: {  	v33 =	vmul.f32 v52, v52;
	v37 =	vmul.f32 v16, v16;
	v0 =	vadd.f32 v0, v3;
	v43 =	vld [tilespmem:s15+$0x0];
	[tilespmem:$0x1F530] =	vst v17  }
0x4ec: {  	v42 =	vmul.f32 v14, v14;
	v2 =	vadd.f32 v59, v57;
	v60 =	vadd.f32 v49, v39;
	v14 =	vld [tilespmem:s15+$0x10];
	[tilespmem:$0x1F540] =	vst v18  }
0x4ed: {  	v12 =	vmul.f32 v12, v12;
	v44 =	vmul.f32 v61, v61;
	v16 =	vadd.f32 v32, v36;
	v48 =	vld [tilespmem:s15+$0x20]  }
0x4ee: {  	(xrf2) =	vadd.scan.msk.f32 $0xffff, v0;
	v13 =	vmul.f32 v13, v13;
	v49 =	vmul.f32 v17, v17;
	v17 =	vadd.f32 v34, v54  }
0x4ef: {  	v47 =	vmul.f32 v60, v60;
	v53 =	vmul.f32 v18, v18;
	[tilespmem:$0x1F5C0] =	vst v16;
	v18 =	vadd.f32 v38, v55  }
0x4f0: {  	v1 =	vadd.f32 v13, v44;
	v52 =	vld [tilespmem:s15+$0x30];
	[tilespmem:$0x1F5D0] =	vst v17;
	v13 =	vmul.f32 v17, v17;
	v17 =	vadd.f32 v43, v63  }
0x4f1: {  	v11 =	vadd.f32 v12, v42;
	v57 =	vmul.f32 v16, v16;
	v12 =	vld [tilespmem:s15+$0x40];
	[tilespmem:$0x1F5E0] =	vst v18;
	v16 =	vadd.f32 v14, v56  }
0x4f2: {  	v62 =	vmul.f32 v18, v18;
	v58 =	vld [tilespmem:s15+$0xFFFFFF00];
	[tilespmem:$0x1F5F0] =	vst v17;
	v14 =	vmul.f32 v15, v15;
	v15 =	vadd.f32 v48, v39  }
0x4f3: {  	v4 =	vadd.f32 v49, v47;
	v59 =	vld [tilespmem:s15+$0x50];
	[tilespmem:$0x1F600] =	vst v16  }
0x4f4: {  	v0 =	vadd.f32 v57, v53;
	v8 =	vadd.f32 v62, v13;
	v32 =	vld [tilespmem:s15+$0x60];
	[tilespmem:$0x1F610] =	vst v15  }
0x4f5: {  	v9 =	vadd.f32 v37, v33;
	v1 =	vadd.f32 v4, v1;
	v33 =	vld [tilespmem:s15+$0x70]  }
0x4f6: {  	v34 =	vmul.f32 v17, v17;
	v13 =	vadd.f32 v52, v41;
	v0 =	vadd.f32 v8, v0  }
0x4f7: {  	v37 =	vmul.f32 v16, v16;
	v12 =	vadd.f32 v12, v40;
	v62 =	vadd.f32 v58, v63  }
0x4f8: {  	v38 =	vmul.f32 v15, v15;
	[tilespmem:$0x1F620] =	vst v13;
	v42 =	vmul.f32 v13, v13;
	v15 =	vadd.f32 v59, v36  }
0x4f9: {  	v0 =	vadd.f32 v0, v1;
	[tilespmem:$0x1F630] =	vst v12;
	v43 =	vmul.f32 v62, v62;
	v13 =	vadd.f32 v32, v54  }
0x4fa: {  	v9 =	vadd.f32 v11, v9;
	v44 =	vmul.f32 v12, v12;
	[tilespmem:$0x1F640] =	vst v15;
	v12 =	vadd.f32 v33, v55  }
0x4fb: {  	v48, _, _ =	vpop (xrf2);
	v49 =	vadd.f32 v37, v34;
	(xrf2) =	vadd.scan.msk.f32 $0xffff, v0;
	v7 =	vadd.f32 v14, v43;
	[tilespmem:$0x1F650] =	vst v13  }
0x4fc: {  	s22 =	simm.s32 $0x700;
	v1 =	vbroadcast v48, $0xF;
	v4 =	vadd.f32 v42, v38;
	v47 =	vmul.f32 v15, v15;
	[tilespmem:$0x1F660] =	vst v12  }
0x4fd: {  	v52 =	vmul.f32 v13, v13;
	v53 =	vmul.f32 v12, v12;
	v2 =	vadd.f32 v2, v7;
	v43 =	vld [tilespmem:s22+$0xA0]  }
0x4fe: {  	v59 =	vshra.s32 v1, $0x1;
	v1 =	vmul.f32 $5.000000000e-01, v1;
	v57 =	vadd.f32 v47, v44;
	v47 =	vld [tilespmem:s22+$0xB0]  }
0x4ff: {  	v5 =	vsub.s32 $0x5F3759DF, v59;
	v48 =	vld [tilespmem:s22+$0xC0];
	v58 =	vadd.f32 v53, v52;
	v2 =	vadd.f32 v9, v2  }
0x500: {  	v10 =	vmul.f32 v5, v1;
	v37 =	vld [tilespmem:s22+$0xE0]  }
0x501: {  	v4 =	vadd.f32 v4, v49;
	v12 =	vld [tilespmem:s22+$0xF0];
	v0 =	vadd.f32 v58, v57;
	(xrf2) =	vadd.scan.msk.f32 $0xffff, v2  }
0x502: {  	v11 =	vmul.f32 v5, v10;
	v3 =	vld [tilespmem:s22+$0xFFFFFF30]  }
0x503: {  	v0 =	vadd.f32 v0, v4  }
0x504: {  	v32 =	vsub.f32 $1.500000000e+00, v11;
	v29 =	vadd.f32 v43, v39  }
0x505: {  	v53 =	vld [tilespmem:s22+$0xD0];
	v33, _, _ =	vpop (xrf2);
	v22 =	vadd.f32 v47, v41;
	v21 =	vadd.f32 v48, v40;
	(xrf2) =	vadd.scan.msk.f32 $0xffff, v0  }
0x506: {  	v34 =	vld [tilespmem:s22+$0x80];
	v14 =	vadd.f32 v37, v54;
	v8 =	vadd.f32 v12, v55;
	v2 =	vbroadcast v33, $0xF  }
0x507: {  	v19 =	vld [tilespmem:s22+$0xFFFFFF60];
	v3 =	vadd.f32 v3, v41;
	v0 =	vmul.f32 v5, v32;
	v47 =	vmul.f32 v29, v29  }
0x508: {  	v12 =	vmul.f32 v22, v22;
	v38 =	vshra.s32 v2, $0x1;
	v57 =	vmul.f32 $5.000000000e-01, v2;
	v2 =	vld [tilespmem:s22+$0x90]  }
0x509: {  	v27 =	vmul.f32 v14, v14;
	v1 =	vmul.f32 v0, v1;
	v4 =	vsub.s32 $0x5F3759DF, v38  }
0x50a: {  	v17 =	vadd.f32 v53, v36;
	v53 =	vmul.f32 v8, v8;
	v44 =	vmul.f32 v4, v57  }
0x50b: {  	v33 =	vadd.f32 v34, v63;
	v34 =	vmul.f32 v3, v3;
	v1 =	vmul.f32 v1, v0;
	v42, _, _ =	vpop (xrf2)  }
0x50c: {  	v19 =	vadd.f32 v19, v54;
	v7 =	vmul.f32 v4, v44;
	v5 =	vbroadcast v42, $0xF;
	v42 =	vld [tilespmem:s22+$0xFFFFFF20]  }
0x50d: {  	v43 =	vmul.f32 v33, v33;
	v1 =	vsub.f32 $1.500000000e+00, v1;
	v23 =	vadd.f32 v2, v56  }
0x50e: {  	v10 =	vld [tilespmem:s22+$0xFFFFFF50];
	v20 =	vmul.f32 v17, v17;
	v11 =	vadd.f32 v12, v47;
	v7 =	vsub.f32 $1.500000000e+00, v7  }
0x50f: {  	v32 =	vld [tilespmem:s22+$0xFFFFFFA0];
	v26 =	vmul.f32 v1, v0;
	v44 =	vmul.f32 v23, v23;
	v49 =	vshra.s32 v5, $0x1;
	v52, _, _ =	vpop (xrf2)  }
0x510: {  	v2 =	vld [tilespmem:s22+$0xFFFFFF70];
	v59 =	vmul.f32 $5.000000000e-01, v5;
	v16 =	vsub.s32 $0x5F3759DF, v49;
	v5 =	vbroadcast v52, $0xF  }
0x511: {  	v6 =	vadd.f32 v44, v43;
	v49 =	vld [tilespmem:s22+$0xFFFFFF80];
	v44 =	vmul.f32 v4, v7;
	v52 =	vadd.f32 v42, v39  }
0x512: {  	v38 =	vmul.f32 v16, v59;
	v13 =	vshra.s32 v5, $0x1;
	v58 =	vmul.f32 $5.000000000e-01, v5;
	v5 =	vld [tilespmem:s22+$0xFFFFFF40]  }
0x513: {  	v42 =	vadd.f32 v10, v36;
	v18 =	vsub.s32 $0x5F3759DF, v13;
	v13 =	vmul.f32 v21, v21;
	v12 =	vmovc v52;
	v52 =	vld [tilespmem:s22+$0xFFFFFF90];
	[tilespmem:$0x1F4B0] =	vst v3  }
0x514: {  	v9 =	vadd.f32 v11, v6;
	v1 =	vmul.f32 v16, v38;
	v48 =	vmul.f32 v18, v58;
	v38 =	vld [tilespmem:s22+$0xFFFFFFB0]  }
0x515: {  	v25 =	vmul.f32 v12, v12;
	v24 =	vld [tilespmem:s22+$0xFFFFFFC0];
	[tilespmem:$0x1F4C0] =	vst v42;
	v13 =	vadd.f32 v20, v13;
	v20 =	vadd.f32 v53, v27  }
0x516: {  	v43 =	vadd.f32 v49, v63;
	v1 =	vsub.f32 $1.500000000e+00, v1;
	v49 =	vmul.f32 v19, v19;
	v6 =	vld [tilespmem:s22+$0xFFFFFFE0]  }
0x517: {  	v27 =	vmul.f32 v18, v48;
	v53 =	vadd.f32 v5, v40;
	v11 =	vadd.f32 v20, v13  }
0x518: {  	v48 =	vmul.f32 v42, v42;
	v20 =	vadd.f32 v2, v55;
	v47 =	vadd.f32 v52, v56  }
0x519: {  	v37 =	vld [tilespmem:s22+$0xFFFFFFD0];
	[tilespmem:$0x1F4D0] =	vst v43;
	v2 =	vmul.f32 v43, v43;
	v27 =	vsub.f32 $1.500000000e+00, v27;
	v13 =	vmovc v53;
	v5 =	vadd.f32 v11, v9  }
0x51a: {  	v52 =	vmul.f32 v20, v20;
	v9 =	vadd.f32 v34, v25;
	v15 =	vmul.f32 v13, v13;
	[tilespmem:$0x1F4E0] =	vst v47  }
0x51b: {  	v53 =	vmul.f32 v47, v47;
	v47 =	vadd.f32 v32, v39;
	v34 =	vadd.f32 v6, v54;
	v25 =	vld [tilespmem:s22+$0xFFFFFFF0]  }
0x51c: {  	v43 =	vmul.f32 v16, v1;
	(xrf2) =	vadd.scan.msk.f32 $0xffff, v5;
	v3 =	vadd.f32 v52, v49;
	v49 =	vadd.f32 v24, v40  }
0x51d: {  	v42 =	vmul.f32 v18, v27;
	v7 =	vadd.f32 v48, v15;
	v48 =	vadd.f32 v38, v41  }
0x51e: {  	v24 =	vld [tilespmem:s22+$0x0];
	v0 =	vadd.f32 v53, v2;
	v2 =	vmin.f32 v26, $9.999999950e+11;
	[tilespmem:$0x1F4F0] =	vst v47;
	v52 =	vmul.f32 v47, v47  }
0x51f: {  	v15 =	vadd.f32 v37, v36;
	v53 =	vmul.f32 v2, v28;
	v26 =	vld [tilespmem:s22+$0x10];
	[tilespmem:$0x1F500] =	vst v48;
	v28 =	vmul.f32 v48, v48  }
0x520: {  	v10 =	vmul.f32 v49, v49;
	v47 =	vmul.f32 v2, v46;
	v27 =	vadd.f32 v25, v55;
	v25 =	vld [tilespmem:s22+$0x20];
	[tilespmem:$0x1F510] =	vst v49  }
0x521: {  	v50 =	vmul.f32 v2, v50;
	v11 =	vmul.f32 v15, v15;
	v6 =	vadd.f32 v28, v52;
	v28 =	vld [tilespmem:s22+$0x30]  }
0x522: {  	v48 =	vmul.f32 v2, v31;
	v31 =	vmul.f32 v34, v34  }
0x523: {  	v49 =	vmul.f32 v2, v35;
	v35 =	vadd.f32 v11, v10;
	v10 =	vadd.f32 v3, v7;
	v37 =	vld [tilespmem:s22+$0x40]  }
0x524: {  	v52 =	vmul.f32 v2, v45;
	v11 =	vmul.f32 v2, v30;
	v46 =	vld [tilespmem:s22+$0x50];
	v16 =	vadd.f32 v26, v56  }
0x525: {  	v30 =	vadd.f32 v24, v63;
	v32 =	vmul.f32 v27, v27;
	v45 =	vadd.f32 v6, v0  }
0x526: {  	s31 =	simm.s32 $0x10500;
	v3 =	vld [tilespmem:s22+$0x70];
	v4 =	vmul.f32 v16, v16;
	v26, _, _ =	vpop (xrf2);
	v24 =	vadd.f32 v25, v39;
	v28 =	vadd.f32 v28, v41  }
0x527: {  	v7 =	vld [tilespmem:s22+$0x60];
	[tilespmem:s31+$0xF0] =	vst v53;
	v38 =	vadd.f32 v32, v31;
	v6 =	vbroadcast v26, $0xF;
	v41 =	vmul.f32 v30, v30  }
0x528: {  	[tilespmem:s31+$0x80] =	vst v48;
	v26 =	vadd.f32 v37, v40;
	v32 =	vmul.f32 v24, v24;
	v39 =	vmul.f32 v28, v28  }
0x529: {  	v51 =	vmul.f32 v2, v51;
	[tilespmem:s31+$0xA0] =	vst v47;
	v25 =	vadd.f32 v46, v36;
	v40 =	vadd.f32 v4, v41  }
0x52a: {  	[tilespmem:s31+$0xB0] =	vst v50;
	v4 =	vmul.f32 $5.000000000e-01, v6;
	v2 =	vadd.f32 v39, v32;
	v32 =	vmul.f32 v44, v57  }
0x52b: {  	[tilespmem:s31+$0xC0] =	vst v51;
	v31 =	vadd.f32 v3, v55;
	v1 =	vmul.f32 v26, v26;
	v41 =	vmul.f32 v25, v25  }
0x52c: {  	v5 =	vld [tilespmem:s22+$0xFFFFFF10];
	[tilespmem:s31+$0x90] =	vst v49;
	v6 =	vshra.s32 v6, $0x1;
	v57 =	vmul.f32 v32, v44;
	v32 =	vadd.f32 v7, v54  }
0x52d: {  	[tilespmem:s31+$0xD0] =	vst v52;
	v6 =	vsub.s32 $0x5F3759DF, v6;
	v41 =	vadd.f32 v41, v1;
	v39 =	vadd.f32 v38, v35  }
0x52e: {  	[tilespmem:s31+$0xE0] =	vst v11;
	v38 =	vmul.f32 v31, v31;
	v1 =	vsub.f32 $1.500000000e+00, v57;
	v7 =	vmul.f32 v32, v32  }
0x52f: {  	v0 =	vmul.f32 v6, v4;
	v54 =	vld [tilespmem:$0x1F520]  }
0x530: {  	v1 =	vmul.f32 v1, v44;
	v47 =	vadd.f32 v38, v7  }
0x531: {  	v37 =	vadd.f32 v5, v56;
	v0 =	vmul.f32 v6, v0  }
0x532: {  	v2 =	vadd.f32 v2, v40;
	v5 =	vadd.f32 v47, v41;
	v1 =	vmin.f32 v1, $9.999999950e+11  }
0x533: {  	v53 =	vmul.f32 v1, v61  }
0x534: {  	v0 =	vsub.f32 $1.500000000e+00, v0;
	v2 =	vadd.f32 v5, v2;
	v5 =	vmul.f32 v1, v54  }
0x535: {  	[tilespmem:s31+$0xFFFFFF80] =	vst v53  }
0x536: {  	v46 =	vld [tilespmem:s22+$0xFFFFFF00];
	v0 =	vmul.f32 v6, v0;
	v55 =	vmul.f32 v1, v60;
	[tilespmem:s31+$0xFFFFFF90] =	vst v5  }
0x537: {  	v5 =	vld [tilespmem:$0x1F530]  }
0x538: {  	v4 =	vmul.f32 v0, v4;
	[tilespmem:s31+$0xFFFFFFA0] =	vst v55  }
0x539: {  	v48 =	vmul.f32 v43, v59;
	v57 =	vld [tilespmem:$0x1F540]  }
0x53a: {  	v4 =	vmul.f32 v4, v0  }
0x53b: {  	v36 =	vadd.f32 v46, v63;
	v6 =	vmul.f32 v48, v43  }
0x53c: {  	v4 =	vsub.f32 $1.500000000e+00, v4;
	v5 =	vmul.f32 v1, v5  }
0x53d: {  	v63 =	vmul.f32 v37, v37;
	v35 =	vmul.f32 v36, v36;
	v6 =	vsub.f32 $1.500000000e+00, v6  }
0x53e: {  	v0 =	vmul.f32 v4, v0;
	v4 =	vmul.f32 v1, v57;
	[tilespmem:s31+$0xFFFFFFB0] =	vst v5  }
0x53f: {  	v3 =	vadd.f32 v63, v35;
	v6 =	vmul.f32 v6, v43;
	v7 =	vld [tilespmem:$0x1F550]  }
0x540: {  	[tilespmem:s31+$0xFFFFFFC0] =	vst v4  }
0x541: {  	v3 =	vadd.f32 v9, v3;
	v6 =	vmin.f32 v6, $9.999999950e+11;
	v59 =	vld [tilespmem:$0x1F560]  }
0x542: {  	v50 =	vmul.f32 v42, v58;
	v49 =	vadd.f32 v39, v45;
	v58 =	vmul.f32 v6, v62  }
0x543: {  	v3 =	vadd.f32 v10, v3;
	v4 =	vld [tilespmem:$0x1F570]  }
0x544: {  	(xrf2) =	vadd.scan.msk.f32 $0xffff, v49;
	[tilespmem:s31+$0xFFFFFF00] =	vst v58;
	v7 =	vmul.f32 v6, v7  }
0x545: {  	(xrf2) =	vadd.scan.msk.f32 $0xffff, v3;
	v5 =	vld [tilespmem:$0x1F580]  }
0x546: {  	(xrf2) =	vadd.scan.msk.f32 $0xffff, v2;
	v60 =	vld [tilespmem:$0x1F590];
	v2 =	vmul.f32 v6, v59;
	[tilespmem:s31+$0xFFFFFF10] =	vst v7  }
0x547: {  	v7 =	vld [tilespmem:$0x1F5A0]  }
0x548: {  	v39 =	vmul.f32 v50, v42;
	v4 =	vmul.f32 v6, v4;
	v62 =	vld [tilespmem:$0x1F5B0];
	[tilespmem:s31+$0xFFFFFF20] =	vst v2  }
0x549: {  	v2 =	vld [tilespmem:$0x1F5C0]  }
0x54a: {  	v39 =	vsub.f32 $1.500000000e+00, v39;
	v5 =	vmul.f32 v6, v5;
	v63 =	vld [tilespmem:$0x1F5D0];
	[tilespmem:s31+$0xFFFFFF30] =	vst v4  }
0x54b: {  	v61 =	vmul.f32 v6, v60;
	v52 =	vld [tilespmem:$0x1F5E0]  }
0x54c: {  	v56 =	vmul.f32 v39, v42;
	v42 =	vmin.f32 v0, $9.999999950e+11;
	v4 =	vld [tilespmem:$0x1F5F0];
	[tilespmem:s31+$0xFFFFFF40] =	vst v5  }
0x54d: {  	v54 =	vmul.f32 v42, v8;
	[tilespmem:s31+$0xFFFFFF50] =	vst v61  }
0x54e: {  	s3 =	simm.s32 $0x10700;
	v55 =	vld [tilespmem:$0x1F600];
	v7 =	vmul.f32 v6, v7  }
0x54f: {  	v3 =	vmin.f32 v56, $9.999999950e+11;
	v56 =	vld [tilespmem:$0x1F610];
	[tilespmem:s3+$0xF0] =	vst v54;
	v6 =	vmul.f32 v6, v62  }
0x550: {  	v5 =	vld [tilespmem:$0x1F620];
	v2 =	vmul.f32 v1, v2;
	[tilespmem:s31+$0xFFFFFF60] =	vst v7  }
0x551: {  	v53, _, _ =	vpop (xrf2);
	v35 =	vmul.f32 v1, v63;
	v59 =	vld [tilespmem:$0x1F630];
	[tilespmem:s31+$0xFFFFFF70] =	vst v6  }
0x552: {  	v0 =	vmul.f32 v1, v52;
	v1 =	vbroadcast v53, $0xF;
	v6 =	vld [tilespmem:$0x1F640];
	[tilespmem:s31+$0xFFFFFFD0] =	vst v2  }
0x553: {  	v58, _, _ =	vpop (xrf2);
	v4 =	vmul.f32 v3, v4;
	v44 =	vmul.f32 v3, v55;
	v2 =	vld [tilespmem:$0x1F650];
	[tilespmem:s31+$0xFFFFFFE0] =	vst v35  }
0x554: {  	v57 =	vshra.s32 v1, $0x1;
	v40 =	vmul.f32 $5.000000000e-01, v1;
	v1 =	vbroadcast v58, $0xF;
	[tilespmem:s31+$0xFFFFFFF0] =	vst v0  }
0x555: {  	v43 =	vmul.f32 v3, v56;
	v45 =	vmul.f32 v3, v5;
	v53 =	vsub.s32 $0x5F3759DF, v57;
	v0 =	vld [tilespmem:$0x1F660]  }
0x556: {  	v62, _, _ =	vpop (xrf2);
	v60 =	vmul.f32 v53, v40;
	v61 =	vshra.s32 v1, $0x1;
	v41 =	vmul.f32 $5.000000000e-01, v1  }
0x557: {  	v1 =	vbroadcast v62, $0xF;
	v50 =	vsub.s32 $0x5F3759DF, v61;
	v46 =	vmul.f32 v3, v59  }
0x558: {  	v63 =	vmul.f32 v53, v60;
	v52 =	vmul.f32 v50, v41  }
0x559: {  	v51 =	vshra.s32 v1, $0x1;
	v39 =	vmul.f32 $5.000000000e-01, v1;
	v48 =	vmul.f32 v3, v6  }
0x55a: {  	s15 =	simm.s32 $0x4;
	s22 =	simm.s32 $0x900;
	[tilespmem:s31+$0x0] =	vst v4;
	v49 =	vmul.f32 v3, v2;
	v54 =	vsub.f32 $1.500000000e+00, v63;
	v47 =	vmul.f32 v3, v0  }
.LBB2_10:
0x55b: {  	v0 =	vld [tilespmem:s22+$0x80]  }
0x55c: {  	v4 =	vld [tilespmem:s22+$0x90]  }
0x55d: {  	v7 =	vld [tilespmem:s22+$0xA0]  }
0x55e: {  	v57 =	vld [tilespmem:s22+$0xB0]  }
0x55f: {  	v58 =	vld [tilespmem:s22+$0xC0]  }
0x560: {  	v60 =	vld [tilespmem:s22+$0xD0]  }
0x561: {  	v62 =	vld [tilespmem:s22+$0xE0]  }
0x562: {  	v9 =	vld [tilespmem:s22+$0xF0]  }
0x563: {  	[tilespmem:$0x1F440] =	vst v20;
	v20 =	vld [tilespmem:$0x1FE20]  }
0x564: {  	[tilespmem:$0x1F490] =	vst v32;
	v32 =	vmov v15;
	v15 =	vld [tilespmem:$0x1FE10]  }
0x565: {  	v3 =	vmul.f32 v42, v33;
	v55 =	vld [tilespmem:s22+$0xFFFFFF20]  }
0x566: {  	[tilespmem:$0x1F450] =	vst v16;
	v2 =	vsub.s32 $0x5F3759DF, v51;
	v38 =	vmul.f32 v42, v23;
	v56 =	vmul.f32 v42, v29;
	v16 =	vld [tilespmem:$0x1FDD0]  }
0x567: {  	[tilespmem:$0x1F460] =	vst v24;
	v24 =	vld [tilespmem:$0x1FE00];
	v1 =	vmul.f32 v50, v52;
	v6 =	vmul.f32 v2, v39  }
0x568: {  	[tilespmem:$0x1F480] =	vst v25;
	v59 =	vmul.f32 v42, v22;
	v25 =	vld [tilespmem:$0x1FE30];
	v5 =	vmul.f32 v53, v54  }
0x569: {  	v61 =	vmul.f32 v42, v21;
	v35 =	vld [tilespmem:s22+$0xFFFFFF80];
	v1 =	vsub.f32 $1.500000000e+00, v1;
	v6 =	vmul.f32 v2, v6  }
0x56a: {  	[tilespmem:$0x1F4A0] =	vst v31;
	v63 =	vmul.f32 v42, v17;
	v18 =	vld [tilespmem:$0x1FDE0];
	v23 =	vmul.f32 v5, v40  }
0x56b: {  	v31 =	vmovc v30;
	v30 =	vmovc v19;
	v19 =	vld [tilespmem:$0x1FDF0];
	v40 =	vmul.f32 v50, v1;
	v6 =	vsub.f32 $1.500000000e+00, v6;
	v33 =	vadd.f32 v0, v20  }
0x56c: {  	[tilespmem:$0x1F470] =	vst v26;
	v26 =	vld [tilespmem:$0x1FE40];
	v22 =	vmul.f32 v23, v5;
	v23 =	vadd.f32 v4, v15;
	v29 =	vadd.f32 v7, v16  }
0x56d: {  	v11 =	vmul.f32 v42, v14;
	v51 =	vld [tilespmem:s22+$0xFFFFFFD0];
	[tilespmem:s31+$0x20] =	vst v43;
	v17 =	vadd.f32 v60, v24;
	v14 =	vadd.f32 v62, v25  }
0x56e: {  	[tilespmem:s31+$0x30] =	vst v45;
	v54 =	vld [tilespmem:s22+$0xFFFFFF10];
	v43 =	vadd.f32 v55, v16;
	v62 =	vadd.f32 v35, v20;
	v21 =	vmul.f32 v40, v41  }
0x56f: {  	[tilespmem:s31+$0x50] =	vst v48;
	v48 =	vld [tilespmem:s22+$0xFFFFFF50];
	v10 =	vsub.f32 $1.500000000e+00, v22;
	v41 =	vmul.f32 v2, v6;
	v7 =	vmul.f32 v33, v33  }
0x570: {  	[tilespmem:s3+$0xA0] =	vst v56;
	v22 =	vadd.f32 v57, v18;
	v6 =	vld [tilespmem:s22+$0xFFFFFF30];
	v56 =	vmul.f32 v23, v23;
	v57 =	vmul.f32 v29, v29  }
0x571: {  	[tilespmem:s3+$0x80] =	vst v3;
	v3 =	vld [tilespmem:s22+$0xFFFFFF60];
	v45 =	vmul.f32 v21, v40;
	v4 =	vmul.f32 v41, v39;
	v21 =	vadd.f32 v58, v19  }
0x572: {  	[tilespmem:s3+$0x90] =	vst v38;
	v1 =	vld [tilespmem:s22+$0xFFFFFF40];
	v5 =	vmul.f32 v10, v5;
	v39 =	vadd.f32 v9, v26;
	v58 =	vmul.f32 v22, v22  }
0x573: {  	[tilespmem:s3+$0xB0] =	vst v59;
	v38 =	vld [tilespmem:s22+$0xFFFFFF70];
	v42 =	vadd.f32 v54, v15;
	v9 =	vmul.f32 v17, v17;
	v10 =	vmul.f32 v14, v14  }
0x574: {  	[tilespmem:s3+$0xE0] =	vst v11;
	v7 =	vadd.f32 v56, v7;
	v56 =	vld [tilespmem:s22+$0xFFFFFFF0];
	v59 =	vmul.f32 v21, v21;
	v11 =	vmul.f32 v39, v39  }
0x575: {  	[tilespmem:s31+$0x40] =	vst v46;
	v57 =	vadd.f32 v58, v57;
	v58 =	vld [tilespmem:s22+$0xFFFFFF90];
	v46 =	vadd.f32 v6, v18  }
0x576: {  	[tilespmem:s31+$0x60] =	vst v49;
	v53 =	vmul.f32 v43, v43;
	v49 =	vadd.f32 v9, v59;
	v2 =	vadd.f32 v11, v10;
	v59 =	vld [tilespmem:s22+$0xFFFFFFA0]  }
0x577: {  	[tilespmem:s31+$0x70] =	vst v47;
	v50 =	vadd.f32 v3, v25;
	v35 =	vmul.f32 v62, v62;
	v47 =	vadd.f32 v1, v19;
	v9 =	vld [tilespmem:s22+$0xFFFFFFB0]  }
0x578: {  	v7 =	vadd.f32 v57, v7;
	v11 =	vld [tilespmem:s22+$0xFFFFFFC0];
	v10 =	vmul.f32 v46, v46;
	v2 =	vadd.f32 v2, v49  }
0x579: {  	[tilespmem:s31+$0x10] =	vst v44;
	v52 =	vld [tilespmem:s22+$0xFFFFFFE0];
	v54 =	vmul.f32 v50, v50;
	v49 =	vadd.f32 v48, v24;
	v48 =	vadd.f32 v38, v26  }
0x57a: {  	[tilespmem:s3+$0xD0] =	vst v63;
	v44 =	vmin.f32 v5, $9.999999950e+11;
	v63 =	vadd.f32 v58, v15;
	v3 =	vadd.f32 v10, v53  }
0x57b: {  	v0 =	vmul.f32 v47, v47;
	v53 =	vadd.f32 v56, v26;
	v2 =	vadd.f32 v2, v7  }
0x57c: {  	v58 =	vld [tilespmem:s22+$0x0];
	v38 =	vmul.f32 v49, v49;
	v7 =	vadd.f32 v51, v24;
	v1 =	vadd.f32 v59, v16  }
0x57d: {  	v55 =	vmul.f32 v48, v48;
	v5 =	vadd.f32 v11, v19;
	(xrf2) =	vadd.scan.msk.f32 $0xffff, v2;
	v2 =	vadd.f32 v9, v18;
	v9 =	vld [tilespmem:s22+$0x20]  }
0x57e: {  	v8 =	vld [tilespmem:s22+$0x10];
	v57 =	vmul.f32 v63, v63;
	v59 =	vadd.f32 v52, v25;
	v0 =	vadd.f32 v38, v0  }
0x57f: {  	v54 =	vadd.f32 v55, v54;
	v55 =	vld [tilespmem:s22+$0x30];
	v56 =	vmul.f32 v7, v7;
	v38 =	vmul.f32 v2, v2  }
0x580: {  	v11 =	vld [tilespmem:s22+$0x50];
	v60 =	vmul.f32 v1, v1;
	v52 =	vmul.f32 v5, v5;
	v6 =	vadd.f32 v57, v35  }
0x581: {  	v57 =	vld [tilespmem:s22+$0x40];
	v10 =	vmul.f32 v59, v59;
	v35 =	vmovc v27;
	v58 =	vadd.f32 v58, v20;
	v0 =	vadd.f32 v54, v0  }
0x582: {  	v27 =	vmovc v12;
	v12 =	vmul.f32 v53, v53;
	v51 =	vadd.f32 v38, v60;
	v60 =	vadd.f32 v9, v16;
	v16 =	vld [tilespmem:s22+$0xFFFFFF00]  }
0x583: {  	v38 =	vmovc v28;
	v28 =	vmov v13;
	v13 =	vadd.f32 v56, v52;
	v56 =	vadd.f32 v8, v15;
	v8 =	vld [tilespmem:s22+$0x60]  }
0x584: {  	[tilespmem:s3+$0xC0] =	vst v61;
	v61 =	vmul.f32 v42, v42;
	v10 =	vadd.f32 v12, v10;
	v9 =	vld [tilespmem:s22+$0x70];
	v54 =	vadd.f32 v55, v18  }
0x585: {  	v55 =	vadd.f32 v11, v24;
	v15 =	vmul.f32 v58, v58;
	v6 =	vadd.f32 v51, v6  }
0x586: {  	v57 =	vadd.f32 v57, v19;
	v18 =	vmul.f32 v60, v60;
	v11 =	vmul.f32 v54, v54  }
0x587: {  	v12 =	vmul.f32 v56, v56;
	v10 =	vadd.f32 v10, v13;
	v51, _, _ =	vpop (xrf2);
	v16 =	vadd.f32 v16, v20  }
0x588: {  	v11 =	vadd.f32 v11, v18;
	v19 =	vbroadcast v51, $0xF;
	v52 =	vadd.f32 v8, v25  }
0x589: {  	v12 =	vadd.f32 v12, v15;
	v51 =	vadd.f32 v9, v26;
	v24 =	vmul.f32 v16, v16  }
0x58a: {  	v9 =	vshra.s32 v19, $0x1;
	v15 =	vmul.f32 $5.000000000e-01, v19;
	v20 =	vmul.f32 v52, v52  }
0x58b: {  	v8 =	vmul.f32 v57, v57;
	v19 =	vmul.f32 v55, v55;
	v9 =	vsub.s32 $0x5F3759DF, v9  }
0x58c: {  	v25 =	vmul.f32 v51, v51;
	v13 =	vadd.f32 v61, v24;
	v18 =	vmul.f32 v9, v15  }
0x58d: {  	v11 =	vadd.f32 v11, v12;
	v8 =	vadd.f32 v19, v8;
	v19 =	vld [tilespmem:$0x1F4D0]  }
0x58e: {  	v3 =	vadd.f32 v3, v13;
	v13 =	vld [tilespmem:$0x1F4F0];
	v12 =	vmul.f32 v9, v18;
	v18 =	vadd.f32 v25, v20;
	v20 =	vmovc v62  }
0x58f: {  	v4 =	vmul.f32 v4, v41;
	v6 =	vadd.f32 v10, v6  }
0x590: {  	v62 =	vsub.f32 $1.500000000e+00, v45  }
0x591: {  	v4 =	vsub.f32 $1.500000000e+00, v4;
	(xrf2) =	vadd.scan.msk.f32 $0xffff, v6;
	[tilespmem:$0x1F4D0] =	vst v20;
	v8 =	vadd.f32 v18, v8;
	v20 =	vmovc v63  }
0x592: {  	v61 =	vsub.f32 $1.500000000e+00, v12;
	v12 =	vld [tilespmem:$0x1F4E0];
	v6 =	vmul.f32 v62, v40;
	v19 =	vmul.f32 v44, v19;
	v63 =	vmovc v1;
	[tilespmem:$0x1F4E0] =	vst v20  }
0x593: {  	v10 =	vmul.f32 v4, v41;
	v13 =	vmul.f32 v44, v13;
	[tilespmem:$0x1F4F0] =	vst v63  }
0x594: {  	v9 =	vmul.f32 v9, v61;
	v1 =	vadd.f32 v8, v11;
	v11 =	vld [tilespmem:$0x1F500];
	v62 =	vmovc v2;
	v41 =	vmin.f32 v6, $9.999999950e+11;
	[tilespmem:s3+$0xFFFFFF80] =	vst v19  }
0x595: {  	[tilespmem:$0x1F500] =	vst v62;
	v6 =	vmul.f32 v41, v36  }
0x596: {  	v0 =	vadd.f32 v0, v3;
	v63 =	vld [tilespmem:$0x1F510];
	v36 =	vmul.f32 v41, v28;
	v61 =	vmul.f32 v9, v15;
	[tilespmem:s3+$0xFFFFFFA0] =	vst v13  }
0x597: {  	v12 =	vmul.f32 v44, v12;
	[tilespmem:s3+$0xFFFFFF00] =	vst v6  }
0x598: {  	(xrf2) =	vadd.scan.msk.f32 $0xffff, v0;
	v15 =	vmovc v7;
	v7 =	vmul.f32 v41, v30;
	[tilespmem:s3+$0xFFFFFF40] =	vst v36;
	v40 =	vmul.f32 v61, v9  }
0x599: {  	v30 =	vmovc v58;
	v58 =	vld [tilespmem:$0x1F480];
	v61 =	vmul.f32 v41, v37;
	[tilespmem:s3+$0xFFFFFF90] =	vst v12;
	v45 =	vmul.f32 v44, v11;
	v11 =	vmov v5  }
0x59a: {  	(xrf2) =	vadd.scan.msk.f32 $0xffff, v1;
	v5 =	vmul.f32 v44, v32;
	v32 =	vld [tilespmem:$0x1F4B0];
	[tilespmem:$0x1F510] =	vst v11  }
0x59b: {  	v0 =	vmul.f32 v44, v63;
	[tilespmem:s3+$0xFFFFFF10] =	vst v61;
	v61 =	vld [tilespmem:$0x1F440]  }
0x59c: {  	v4 =	vmul.f32 v44, v34;
	v36 =	vmovc v16;
	v16 =	vmov v56;
	v56 =	vld [tilespmem:$0x1F470];
	v62 =	vsub.f32 $1.500000000e+00, v40;
	[tilespmem:s3+$0xFFFFFFB0] =	vst v45  }
0x59d: {  	v13 =	vmovc v47;
	v47 =	vmovc v49;
	v63 =	vmul.f32 v41, v27;
	[tilespmem:s3+$0xFFFFFFC0] =	vst v0;
	v0 =	vmin.f32 v10, $9.999999950e+11;
	v12 =	vmov v43;
	v43 =	vld [tilespmem:$0x1F4C0]  }
0x59e: {  	v20 =	vmovc v48;
	[tilespmem:$0x1F4C0] =	vst v47;
	v48 =	vmul.f32 v0, v58;
	v45 =	vmov v46;
	v46 =	vmul.f32 v62, v9  }
0x59f: {  	v2 =	vld [tilespmem:$0x1F450];
	[tilespmem:s3+$0xFFFFFF20] =	vst v63;
	v9 =	vmul.f32 v0, v31;
	v3 =	vmul.f32 v41, v32  }
0x5a0: {  	s31 =	smov.u32 s3;
	[tilespmem:$0x1F4B0] =	vst v45;
	v62, _, _ =	vpop (xrf2);
	v45 =	vmul.f32 v0, v38;
	v1 =	vmul.f32 v41, v61  }
0x5a1: {  	v37 =	vmovc v42;
	[tilespmem:s31+$0xFFFFFFD0] =	vst v5;
	v32 =	vld [tilespmem:$0x1F460];
	v42 =	vmin.f32 v46, $9.999999950e+11;
	v63 =	vbroadcast v62, $0xF;
	v46 =	vmul.f32 v0, v56  }
0x5a2: {  	v24 =	vmovc v60;
	v27 =	vmov v53;
	v61 =	vld [tilespmem:$0x1F490];
	v8 =	vmul.f32 v41, v43;
	[tilespmem:s3+$0xFFFFFF30] =	vst v3;
	v3 =	vmul.f32 v44, v35  }
0x5a3: {  	s15 =	sadd.s32 $0x4, s15;
	[tilespmem:s31+$0xFFFFFFE0] =	vst v4;
	v10 =	vmul.f32 v42, v39;
	v39, _, _ =	vpop (xrf2);
	v35 =	vshra.s32 v63, $0x1;
	v40 =	vmul.f32 $5.000000000e-01, v63  }
0x5a4: {  	p0 =	slt.u32 s15, $0x3C;
	[tilespmem:s31+$0x0] =	vst v9;
	v44 =	vmul.f32 v0, v2;
	v41 =	vbroadcast v39, $0xF;
	v60, _, _ =	vpop (xrf2);
	v63 =	vld [tilespmem:$0x1F4A0];
	v53 =	vsub.s32 $0x5F3759DF, v35  }
.Ltmp4:
0x5a5: {  	v26 =	vmov v57;
	[tilespmem:s31+$0xFFFFFF60] =	vst v7;
	v2 =	vbroadcast v60, $0xF;
	v57 =	vmul.f32 v53, v40;
	(pc) =	sbr.rel @p0 .LBB2_10-.Ltmp4, $4  }
0x5a6: {  	v34 =	vmovc v59;
	[tilespmem:s31+$0xFFFFFF70] =	vst v1;
	v43 =	vmul.f32 v0, v32;
	v59 =	vshra.s32 v41, $0x1;
	v41 =	vmul.f32 $5.000000000e-01, v41  }
0x5a7: {  	v25 =	vmovc v55;
	v28 =	vmov v54;
	s3 =	sadd.s32 $0x200, s3;
	[tilespmem:s31+$0xFFFFFF50] =	vst v8;
	v49 =	vmul.f32 v0, v61;
	v62 =	vmul.f32 v53, v57  }
0x5a8: {  	v19 =	vmovc v50;
	v31 =	vmovc v51;
	[tilespmem:s3+$0xF0] =	vst v10;
	v50 =	vsub.s32 $0x5F3759DF, v59;
	v51 =	vshra.s32 v2, $0x1;
	v39 =	vmul.f32 $5.000000000e-01, v2  }
0x5a9: {  	s22 =	sadd.s32 $0x200, s22;
	[tilespmem:s31+$0xFFFFFFF0] =	vst v3;
	v32 =	vmovc v52;
	v52 =	vmul.f32 v50, v41;
	v47 =	vmul.f32 v0, v63;
	v54 =	vsub.f32 $1.500000000e+00, v62  }
0x5aa: {  	[tilespmem:s31+$0x10] =	vst v44  }
0x5ab: {  	[tilespmem:s31+$0x20] =	vst v43  }
0x5ac: {  	[tilespmem:s31+$0x30] =	vst v45  }
0x5ad: {  	[tilespmem:s31+$0x40] =	vst v46  }
0x5ae: {  	[tilespmem:s31+$0x50] =	vst v48  }
0x5af: {  	v3 =	vmul.f32 v42, v33;
	[tilespmem:s31+$0x60] =	vst v49  }
0x5b0: {  	v4 =	vmul.f32 v42, v23;
	[tilespmem:s31+$0x70] =	vst v47  }
0x5b1: {  	v5 =	vmul.f32 v42, v29;
	v0 =	vmul.f32 v53, v54;
	[tilespmem:s3+$0x80] =	vst v3  }
0x5b2: {  	v38 =	vmul.f32 v42, v22;
	[tilespmem:s3+$0x90] =	vst v4  }
0x5b3: {  	v43 =	vmul.f32 v42, v17;
	[tilespmem:s3+$0xA0] =	vst v5;
	v2 =	vmul.f32 v0, v40  }
0x5b4: {  	[tilespmem:s3+$0xB0] =	vst v38;
	v40 =	vmul.f32 v42, v21  }
0x5b5: {  	[tilespmem:s3+$0xD0] =	vst v43;
	v2 =	vmul.f32 v2, v0  }
0x5b6: {  	[tilespmem:s3+$0xC0] =	vst v40  }
0x5b7: {  	v4 =	vld [tilespmem:$0x1F4D0];
	v2 =	vsub.f32 $1.500000000e+00, v2  }
0x5b8: {  	v1 =	vmul.f32 v50, v52  }
0x5b9: {  	v0 =	vmul.f32 v2, v0  }
0x5ba: {  	v7 =	vmul.f32 v42, v14;
	v1 =	vsub.f32 $1.500000000e+00, v1  }
0x5bb: {  	v0 =	vmin.f32 v0, $9.999999950e+11  }
0x5bc: {  	v1 =	vmul.f32 v50, v1;
	[tilespmem:s3+$0xE0] =	vst v7;
	v4 =	vmul.f32 v0, v4  }
0x5bd: {  	v46 =	vld [tilespmem:$0x1F4E0]  }
0x5be: {  	v6 =	vmul.f32 v1, v41;
	[tilespmem:s3+$0xFFFFFF80] =	vst v4  }
0x5bf: {  	v4 =	vld [tilespmem:$0x1F4F0]  }
0x5c0: {  	v6 =	vmul.f32 v6, v1;
	_ =	sdelay $0x1  }
0x5c1: {  	v45 =	vsub.f32 $1.500000000e+00, v6;
	v6 =	vmul.f32 v0, v46;
	_ =	sdelay $0x1  }
0x5c2: {  	[tilespmem:s3+$0xFFFFFF90] =	vst v6;
	v4 =	vmul.f32 v0, v4  }
0x5c3: {  	v47 =	vld [tilespmem:$0x1F500]  }
0x5c4: {  	v41 =	vsub.s32 $0x5F3759DF, v51;
	[tilespmem:s3+$0xFFFFFFA0] =	vst v4  }
0x5c5: {  	v44 =	vmul.f32 v41, v39;
	v4 =	vld [tilespmem:$0x1F510]  }
0x5c6: {  	v1 =	vmul.f32 v45, v1  }
0x5c7: {  	v3 =	vmul.f32 v41, v44  }
0x5c8: {  	v1 =	vmin.f32 v1, $9.999999950e+11;
	v5 =	vmul.f32 v0, v47  }
0x5c9: {  	v3 =	vsub.f32 $1.500000000e+00, v3;
	v48 =	vmul.f32 v1, v36  }
0x5ca: {  	[tilespmem:s3+$0xFFFFFFB0] =	vst v5;
	v4 =	vmul.f32 v0, v4  }
0x5cb: {  	v2 =	vmul.f32 v41, v3;
	v49 =	vmul.f32 v1, v37;
	[tilespmem:s3+$0xFFFFFF00] =	vst v48  }
0x5cc: {  	v51 =	vmul.f32 v1, v12;
	[tilespmem:s3+$0xFFFFFFC0] =	vst v4  }
0x5cd: {  	v50 =	vmul.f32 v2, v39;
	v3 =	vld [tilespmem:$0x1F4B0];
	[tilespmem:s3+$0xFFFFFF10] =	vst v49  }
0x5ce: {  	v52 =	vmul.f32 v1, v13;
	[tilespmem:s3+$0xFFFFFF20] =	vst v51  }
0x5cf: {  	v54 =	vmul.f32 v1, v19;
	v4 =	vmul.f32 v50, v2;
	v6 =	vld [tilespmem:$0x1F4C0]  }
0x5d0: {  	v55 =	vmul.f32 v0, v15;
	[tilespmem:s3+$0xFFFFFF40] =	vst v52  }
0x5d1: {  	v56 =	vmul.f32 v0, v34;
	v53 =	vsub.f32 $1.500000000e+00, v4;
	[tilespmem:s3+$0xFFFFFF60] =	vst v54  }
0x5d2: {  	v0 =	vmul.f32 v0, v27;
	[tilespmem:s3+$0xFFFFFFD0] =	vst v55  }
0x5d3: {  	[tilespmem:s3+$0xFFFFFFE0] =	vst v56;
	v2 =	vmul.f32 v53, v2;
	v3 =	vmul.f32 v1, v3  }
0x5d4: {  	[tilespmem:s3+$0xFFFFFFF0] =	vst v0;
	v6 =	vmul.f32 v1, v6  }
0x5d5: {  	v57 =	vmin.f32 v2, $9.999999950e+11;
	v1 =	vmul.f32 v1, v20;
	[tilespmem:s3+$0xFFFFFF30] =	vst v3  }
0x5d6: {  	v2 =	vmul.f32 v57, v30;
	[tilespmem:s3+$0xFFFFFF50] =	vst v6  }
0x5d7: {  	v58 =	vmul.f32 v57, v16;
	[tilespmem:s3+$0xFFFFFF70] =	vst v1  }
0x5d8: {  	v59 =	vmul.f32 v57, v24;
	[tilespmem:s3+$0x0] =	vst v2  }
0x5d9: {  	v60 =	vmul.f32 v57, v28;
	[tilespmem:s3+$0x10] =	vst v58  }
0x5da: {  	v61 =	vmul.f32 v57, v26;
	[tilespmem:s3+$0x20] =	vst v59  }
0x5db: {  	v62 =	vmul.f32 v57, v25;
	[tilespmem:s3+$0x30] =	vst v60  }
0x5dc: {  	v63 =	vmul.f32 v57, v32;
	[tilespmem:s3+$0x40] =	vst v61  }
0x5dd: {  	v1 =	vmul.f32 v57, v31;
	[tilespmem:s3+$0x50] =	vst v62  }
0x5de: {  	[tilespmem:s3+$0x60] =	vst v63  }
0x5df: {  	s29 =	sadd.s32 $0x1, s29;
	[tilespmem:s3+$0x70] =	vst v1  }
0x5e0: {  	[hbm4b:s12+s5] =	stream.linear.scatter [tilespmem:s30], [sflag:$0x5], $0x2000, $0x38;
	[tilespmem:$0x18500] =	vst v63  }
0x5e1: {  	p0 =	sne.s32 s29, s13;
	_ =	swait.ge [sflag:s25], $0x4000  }
.Ltmp5:
0x5e2: {  	[sflag:s25] =	ssyncset.done $0x0;
	(pc) =	sbr.rel @p0 .LBB2_1-.Ltmp5, $4  }
0x5e3: {  	[sflag:s25] =	ssyncadd.s32 $0xFFFFC000  }
0x5e4: {  	_ =	swait.ge [sflag:s16], $0x2000  }
0x5e5: {  	[sflag:s16] =	ssyncset.done $0x0  }
0x5e6: {  	[sflag:s16] =	ssyncadd.s32 $0xFFFFE000  }
0x5e7: {  	_ =	sfence.sel $0x180000  }
0x5e8: {  	[bflag:$0x0] =	sbarrier.arrive $0xFFFF  }
0x5e9: {  	_ =	strace $0x90000047  }
0x5ea: {  	s0 =	stileid.u32;
	[bflag:$0x2] =	sbarrier.arrive $0xFFFF  }
0x5eb: {  	p0 =	sne.s32 s0, $0x0;
	s0 =	rddreg [dreg:$0x6]  }
0x5ec: {  	s0 =	sadd.s32 @!p0 $0x100000, s0  }
0x5ed: {  	[sflag:s0] =	ssyncadd.tile.s32 @!p0 $0x1;
	_ =	shalt  }
.Lfunc_end2:
_tile_overlayer_lowered:
.L_overlay_start_2:
0x5ee: {  	(tag) =	ssettag $0x2  }
0x5ef: {  	s0 =	rddreg [dreg:$0x0];
	s2 =	stileid.u32  }
0x5f0: {  	s1 =	rddreg [dreg:$0x1];
	p0 =	sne.s32 s2, $0x0  }
0x5f1: {  	s3 =	rddreg [dreg:$0x2];
	[bflag:$0x3] =	sbarrier.arrive $0xFFFF;
	s2 =	simm.s32 @!p0 $0x1C08  }
0x5f2: {  	[timem:s3], [sflag:s2] =	dma.local @!p0 [hbm:s0], s1  }
0x5f3: {  	s0 =	simm.s32 @!p0 $0x8  }
0x5f4: {  	_ =	swait.ge @!p0 [sflag:s0], s1  }
0x5f5: {  	s1 =	ssub.s32 @!p0 $0x0, s1;
	[sflag:s0] =	ssyncset.done @!p0 $0x0  }
0x5f6: {  	[sflag:s0] =	ssyncadd.s32 @!p0 s1  }
0x5f7: {  	[bflag:$0x3] =	sbarrier.arrive $0xFFFF  }
0x5f8: {  	_ =	shalt  }

</sc_bundles>
